<compile_context>
chip_gen: v7x
topology: tpu7x:2x2x1
jax: 0.10.2.dev20260603
libtpu: 0.0.44.dev20260713+nightly
codegen_flags: <defaults>
</compile_context>

<pallas_src>
import functools

import jax
import jax.numpy as jnp
from jax import lax
from jax.experimental import pallas as pl
from jax.experimental.pallas import tpu as pltpu
from jax.experimental.pallas import tpu_sc as plsc

N = 10000
E = 320000
EPS = 1e-5

NC = 2
NS = 16
BLK = 128

N_PAD = 10240
ROWS_PER_TILE = N_PAD // NS
E_PAD = 79 * NC * NS * BLK
DUMMY = N

BM = 512

_mesh = plsc.VectorSubcoreMesh(core_axis_name="c", subcore_axis_name="s",
                               num_cores=NC, num_subcores=NS)


def _f32(shape):
    return jax.ShapeDtypeStruct(shape, jnp.float32)



@functools.partial(
    pl.kernel,
    out_type=(_f32((N_PAD, 16)), _f32((N_PAD, 16))),
    mesh=_mesh,
    scratch_types=[
        pltpu.VMEM_SHARED((N_PAD, 16), jnp.float32),
        pltpu.VMEM((BLK, 16), jnp.float32),
        pltpu.VMEM((BLK, 16), jnp.float32),
        pltpu.VMEM((BLK,), jnp.int32),
        pltpu.VMEM((BLK,), jnp.int32),
        pltpu.SemaphoreType.DMA,
        pltpu.SemaphoreType.DMA,
    ],
)
def _deg_kernel(dst_hbm, deg0_out, deg1_out, acc, zbuf, obuf, da0, da1,
                isem0, isem1):
    c = lax.axis_index("c")
    s = lax.axis_index("s")

    def fill(i, _):
        zbuf[i] = jnp.zeros((16,), jnp.float32)
        obuf[i] = jnp.ones((16,), jnp.float32)
        return 0

    lax.fori_loop(0, BLK, fill, 0, unroll=False)

    def zero_chunk(k, _):
        pltpu.sync_copy(zbuf, acc.at[pl.ds(s * ROWS_PER_TILE + k * BLK, BLK)])
        return 0

    lax.fori_loop(0, ROWS_PER_TILE // BLK, zero_chunk, 0, unroll=False)
    plsc.subcore_barrier()

    nblk = E_PAD // (NC * NS * BLK)
    e0 = (c * NS + s) * nblk * BLK

    pltpu.async_copy(dst_hbm.at[pl.ds(e0, BLK)], da0, isem0)
    pltpu.async_copy(dst_hbm.at[pl.ds(e0 + BLK, BLK)], da1, isem1)

    def pair(j, _):
        b_even = e0 + 2 * j * BLK
        pltpu.make_async_copy(dst_hbm.at[pl.ds(b_even, BLK)], da0,
                              isem0).wait()
        pltpu.sync_copy(obuf, acc.at[da0], add=True)

        @pl.when(2 * j + 2 < nblk)
        def _():
            pltpu.async_copy(dst_hbm.at[pl.ds(b_even + 2 * BLK, BLK)], da0,
                             isem0)

        pltpu.make_async_copy(dst_hbm.at[pl.ds(b_even + BLK, BLK)], da1,
                              isem1).wait()
        pltpu.sync_copy(obuf, acc.at[da1], add=True)

        @pl.when(2 * j + 3 < nblk)
        def _():
            pltpu.async_copy(dst_hbm.at[pl.ds(b_even + 3 * BLK, BLK)], da1,
                             isem1)

        return 0

    lax.fori_loop(0, nblk // 2, pair, 0, unroll=False)
    if nblk % 2:
        b_t = e0 + (nblk - 1) * BLK
        pltpu.make_async_copy(dst_hbm.at[pl.ds(b_t, BLK)], da0, isem0).wait()
        pltpu.sync_copy(obuf, acc.at[da0], add=True)
    plsc.subcore_barrier()

    @pl.when(c == 0)
    def _():
        pltpu.sync_copy(
            acc.at[pl.ds(s * ROWS_PER_TILE, ROWS_PER_TILE)],
            deg0_out.at[pl.ds(s * ROWS_PER_TILE, ROWS_PER_TILE)],
        )

    @pl.when(c == 1)
    def _():
        pltpu.sync_copy(
            acc.at[pl.ds(s * ROWS_PER_TILE, ROWS_PER_TILE)],
            deg1_out.at[pl.ds(s * ROWS_PER_TILE, ROWS_PER_TILE)],
        )


@functools.partial(
    pl.kernel,
    out_type=(_f32((N_PAD, 128)), _f32((N_PAD, 128))),
    mesh=_mesh,
    scratch_types=[
        pltpu.VMEM_SHARED((N_PAD, 128), jnp.float32),
        pltpu.VMEM((BLK,), jnp.int32),
        pltpu.VMEM((BLK,), jnp.int32),
        pltpu.VMEM((BLK,), jnp.int32),
        pltpu.VMEM((BLK,), jnp.int32),
        pltpu.VMEM((BLK, 128), jnp.float32),
        pltpu.SemaphoreType.DMA,
        pltpu.SemaphoreType.DMA,
        pltpu.SemaphoreType.DMA,
        pltpu.SemaphoreType.DMA,
        pltpu.SemaphoreType.DMA,
    ],
)
def _spmm_fsplit(u0_hbm, u1_hbm, src_hbm, dst_hbm, a0_out, a1_out,
                 acc, sv0, dv0, sv1, dv1, rows_v,
                 isv0, idv0, isv1, idv1, gsem):
    c = lax.axis_index("c")
    s = lax.axis_index("s")
    r0 = s * ROWS_PER_TILE

    nblk = E_PAD // (NS * BLK)
    e0 = s * nblk * BLK

    pltpu.async_copy(src_hbm.at[pl.ds(e0, BLK)], sv0, isv0)
    pltpu.async_copy(dst_hbm.at[pl.ds(e0, BLK)], dv0, idv0)
    pltpu.async_copy(src_hbm.at[pl.ds(e0 + BLK, BLK)], sv1, isv1)
    pltpu.async_copy(dst_hbm.at[pl.ds(e0 + BLK, BLK)], dv1, idv1)

    @pl.when(c == 0)
    def _():
        pltpu.sync_copy(u0_hbm.at[pl.ds(r0, ROWS_PER_TILE)],
                        acc.at[pl.ds(r0, ROWS_PER_TILE)])

    @pl.when(c == 1)
    def _():
        pltpu.sync_copy(u1_hbm.at[pl.ds(r0, ROWS_PER_TILE)],
                        acc.at[pl.ds(r0, ROWS_PER_TILE)])

    plsc.subcore_barrier()

    def half(sv, dv, isv, idv, base, nxt, has_nxt):
        pltpu.make_async_copy(src_hbm.at[pl.ds(base, BLK)], sv, isv).wait()
        pltpu.make_async_copy(dst_hbm.at[pl.ds(base, BLK)], dv, idv).wait()

        @pl.when(c == 0)
        def _():
            pltpu.async_copy(u0_hbm.at[sv], rows_v, gsem).wait()

        @pl.when(c == 1)
        def _():
            pltpu.async_copy(u1_hbm.at[sv], rows_v, gsem).wait()

        pltpu.sync_copy(rows_v, acc.at[dv], add=True)

        @pl.when(has_nxt)
        def _():
            pltpu.async_copy(src_hbm.at[pl.ds(nxt, BLK)], sv, isv)
            pltpu.async_copy(dst_hbm.at[pl.ds(nxt, BLK)], dv, idv)

    def pair(j, _):
        b = e0 + 2 * j * BLK
        half(sv0, dv0, isv0, idv0, b, b + 2 * BLK, 2 * j + 2 < nblk)
        half(sv1, dv1, isv1, idv1, b + BLK, b + 3 * BLK, 2 * j + 3 < nblk)
        return 0

    lax.fori_loop(0, nblk // 2, pair, 0, unroll=False)
    if nblk % 2:
        b_t = e0 + (nblk - 1) * BLK
        half(sv0, dv0, isv0, idv0, b_t, b_t, jnp.bool_(False))
    plsc.subcore_barrier()

    @pl.when(c == 0)
    def _():
        pltpu.sync_copy(acc.at[pl.ds(r0, ROWS_PER_TILE)],
                        a0_out.at[pl.ds(r0, ROWS_PER_TILE)])

    @pl.when(c == 1)
    def _():
        pltpu.sync_copy(acc.at[pl.ds(r0, ROWS_PER_TILE)],
                        a1_out.at[pl.ds(r0, ROWS_PER_TILE)])


@functools.partial(
    pl.kernel,
    out_type=(_f32((N_PAD, 128)), _f32((N_PAD, 128))),
    mesh=_mesh,
    scratch_types=[
        pltpu.VMEM_SHARED((N_PAD, 128), jnp.float32),
        pltpu.VMEM((BLK,), jnp.int32),
        pltpu.VMEM((BLK,), jnp.int32),
        pltpu.VMEM((BLK,), jnp.int32),
        pltpu.VMEM((BLK,), jnp.int32),
        pltpu.VMEM((BLK, 128), jnp.float32),
        pltpu.SemaphoreType.DMA,
        pltpu.SemaphoreType.DMA,
        pltpu.SemaphoreType.DMA,
        pltpu.SemaphoreType.DMA,
        pltpu.SemaphoreType.DMA,
    ],
)
def _spmm_esplit(u_hbm, src_hbm, dst_hbm, aa_out, ab_out,
                 acc, sv0, dv0, sv1, dv1, rows_v,
                 isv0, idv0, isv1, idv1, gsem):
    c = lax.axis_index("c")
    s = lax.axis_index("s")
    r0 = s * ROWS_PER_TILE

    nblk = E_PAD // (NC * NS * BLK)
    e0 = (c * NS + s) * nblk * BLK

    pltpu.async_copy(src_hbm.at[pl.ds(e0, BLK)], sv0, isv0)
    pltpu.async_copy(dst_hbm.at[pl.ds(e0, BLK)], dv0, idv0)
    pltpu.async_copy(src_hbm.at[pl.ds(e0 + BLK, BLK)], sv1, isv1)
    pltpu.async_copy(dst_hbm.at[pl.ds(e0 + BLK, BLK)], dv1, idv1)

    pltpu.sync_copy(u_hbm.at[pl.ds(r0, ROWS_PER_TILE)],
                    acc.at[pl.ds(r0, ROWS_PER_TILE)])
    plsc.subcore_barrier()

    def half(sv, dv, isv, idv, base, nxt, has_nxt):
        pltpu.make_async_copy(src_hbm.at[pl.ds(base, BLK)], sv, isv).wait()
        pltpu.make_async_copy(dst_hbm.at[pl.ds(base, BLK)], dv, idv).wait()
        pltpu.async_copy(u_hbm.at[sv], rows_v, gsem).wait()
        pltpu.sync_copy(rows_v, acc.at[dv], add=True)

        @pl.when(has_nxt)
        def _():
            pltpu.async_copy(src_hbm.at[pl.ds(nxt, BLK)], sv, isv)
            pltpu.async_copy(dst_hbm.at[pl.ds(nxt, BLK)], dv, idv)

    def pair(j, _):
        b = e0 + 2 * j * BLK
        half(sv0, dv0, isv0, idv0, b, b + 2 * BLK, 2 * j + 2 < nblk)
        half(sv1, dv1, isv1, idv1, b + BLK, b + 3 * BLK, 2 * j + 3 < nblk)
        return 0

    lax.fori_loop(0, nblk // 2, pair, 0, unroll=False)
    if nblk % 2:
        b_t = e0 + (nblk - 1) * BLK
        half(sv0, dv0, isv0, idv0, b_t, b_t, jnp.bool_(False))
    plsc.subcore_barrier()

    @pl.when(c == 0)
    def _():
        pltpu.sync_copy(acc.at[pl.ds(r0, ROWS_PER_TILE)],
                        aa_out.at[pl.ds(r0, ROWS_PER_TILE)])

    @pl.when(c == 1)
    def _():
        pltpu.sync_copy(acc.at[pl.ds(r0, ROWS_PER_TILE)],
                        ab_out.at[pl.ds(r0, ROWS_PER_TILE)])



def _row_spec(width):
    return pl.BlockSpec((BM, width), lambda i: (i, 0))


def _full_spec(shape):
    return pl.BlockSpec(shape, lambda i: tuple(0 for _ in shape))


def _l1_body(x_ref, w_ref, g_ref, v_ref, deg0_ref, deg1_ref,
             u0_ref, u1_ref, dinv_ref):
    i = pl.program_id(0)
    rows = i * BM + lax.broadcasted_iota(jnp.int32, (BM, 1), 0)
    deg = deg0_ref[:, 0:1] + deg1_ref[:, 0:1] + 1.0
    dinv = jnp.where(rows < N, lax.rsqrt(deg), 0.0)
    dinv_ref[...] = dinv
    s = g_ref[...] * lax.rsqrt(v_ref[...] + EPS)
    h = jnp.dot(x_ref[...], w_ref[...], preferred_element_type=jnp.float32)
    u = h * s * dinv
    u0_ref[...] = u[:, :128]
    u1_ref[...] = u[:, 128:]


def _mid_body(a0_ref, a1_ref, dinv_ref, b_ref, g_ref, beta_ref, m_ref, v_ref,
              gn_ref, vn_ref, w_ref, u0_ref, u1_ref):
    sp = g_ref[...] * lax.rsqrt(v_ref[...] + EPS)
    bias = b_ref[...] * sp + beta_ref[...] - m_ref[...] * sp
    dinv = dinv_ref[...]
    acc = jnp.concatenate([a0_ref[...], a1_ref[...]], axis=1)
    t = jnp.maximum(acc * dinv + bias, 0.0)
    sn = gn_ref[...] * lax.rsqrt(vn_ref[...] + EPS)
    u = jnp.dot(t, w_ref[...], preferred_element_type=jnp.float32) * sn * dinv
    u0_ref[...] = u[:, :128]
    u1_ref[...] = u[:, 128:]


def _l3_body(a0_ref, a1_ref, dinv_ref, b_ref, g_ref, beta_ref, m_ref, v_ref,
             w_ref, u_ref):
    sp = g_ref[...] * lax.rsqrt(v_ref[...] + EPS)
    bias = b_ref[...] * sp + beta_ref[...] - m_ref[...] * sp
    dinv = dinv_ref[...]
    acc = jnp.concatenate([a0_ref[...], a1_ref[...]], axis=1)
    t = jnp.maximum(acc * dinv + bias, 0.0)
    u_ref[...] = jnp.dot(t, w_ref[...],
                         preferred_element_type=jnp.float32) * dinv


def _fin_body(aa_ref, ab_ref, u_ref, dinv_ref, b_ref, o_ref):
    acc = aa_ref[...] + ab_ref[...] - u_ref[...]
    o_ref[...] = acc * dinv_ref[...] + b_ref[...]


_GRID = (N_PAD // BM,)

_l1_call = pl.pallas_call(
    _l1_body,
    grid=_GRID,
    in_specs=[_row_spec(128), _full_spec((128, 256)), _full_spec((1, 256)),
              _full_spec((1, 256)), _row_spec(16), _row_spec(16)],
    out_specs=[_row_spec(128), _row_spec(128), _row_spec(1)],
    out_shape=[_f32((N_PAD, 128)), _f32((N_PAD, 128)), _f32((N_PAD, 1))],
)

_mid_call = pl.pallas_call(
    _mid_body,
    grid=_GRID,
    in_specs=[_row_spec(128), _row_spec(128), _row_spec(1)]
             + [_full_spec((1, 256))] * 7
             + [_full_spec((256, 256))],
    out_specs=[_row_spec(128), _row_spec(128)],
    out_shape=[_f32((N_PAD, 128)), _f32((N_PAD, 128))],
)

_l3_call = pl.pallas_call(
    _l3_body,
    grid=_GRID,
    in_specs=[_row_spec(128), _row_spec(128), _row_spec(1)]
             + [_full_spec((1, 256))] * 5
             + [_full_spec((256, 128))],
    out_specs=_row_spec(128),
    out_shape=_f32((N_PAD, 128)),
)

_fin_call = pl.pallas_call(
    _fin_body,
    grid=_GRID,
    in_specs=[_row_spec(128), _row_spec(128), _row_spec(128), _row_spec(1),
              _full_spec((1, 128))],
    out_specs=_row_spec(128),
    out_shape=_f32((N_PAD, 128)),
)


@jax.jit
def kernel(x, edge_index, W1, b1, W2, b2, W3, b3,
           g1, beta1, m1, v1, g2, beta2, m2, v2):
    src = edge_index[0].astype(jnp.int32)
    dst = edge_index[1].astype(jnp.int32)
    pad = jnp.full((E_PAD - E,), DUMMY, jnp.int32)
    src_p = jnp.concatenate([src, pad])
    dst_p = jnp.concatenate([dst, pad])
    x_p = jnp.zeros((N_PAD, 128), jnp.float32).at[:N].set(x)

    row = lambda a: a.reshape(1, -1)

    deg0, deg1 = _deg_kernel(dst_p)

    u1_0, u1_1, dinv = _l1_call(x_p, W1, row(g1), row(v1), deg0, deg1)
    a1_0, a1_1 = _spmm_fsplit(u1_0, u1_1, src_p, dst_p)

    u2_0, u2_1 = _mid_call(a1_0, a1_1, dinv, row(b1), row(g1), row(beta1),
                           row(m1), row(v1), row(g2), row(v2), W2)
    a2_0, a2_1 = _spmm_fsplit(u2_0, u2_1, src_p, dst_p)

    u3 = _l3_call(a2_0, a2_1, dinv, row(b2), row(g2), row(beta2),
                  row(m2), row(v2), W3)
    a3a, a3b = _spmm_esplit(u3, src_p, dst_p)

    out = _fin_call(a3a, a3b, u3, dinv, row(b3))
    return out[:N]

# --- scband reference (transcript-rebuilt; emitter-appended) ---
"""Pipeline reference for scband-gcn-4105988735601 (READ-ONLY COPY).

The authoritative reference and input builder live on the scoring server;
editing this copy changes nothing except your own understanding.
"""

import jax, jax.numpy as jnp
import numpy as np

N = 10000
E = 320000
EPS = 1e-5


def gcn_conv(x, src, dst, W, b):
    n = x.shape[0]
    sl = jnp.arange(n, dtype=src.dtype)
    s = jnp.concatenate([src, sl])
    d = jnp.concatenate([dst, sl])
    deg = jax.ops.segment_sum(jnp.ones(s.shape[0], dtype=x.dtype), d, num_segments=n)
    dinv = jnp.where(deg > 0, jax.lax.rsqrt(jnp.maximum(deg, 1e-12)), 0.0)
    norm = dinv[s] * dinv[d]
    h = x @ W
    msg = h[s] * norm[:, None]
    out = jax.ops.segment_sum(msg, d, num_segments=n)
    return out + b


def bn_eval(h, g, bta, m, v):
    return (h - m) * jax.lax.rsqrt(v + EPS) * g + bta


def setup_inputs(seed: int = 0) -> dict:
    key = jax.random.key(seed)
    ks = jax.random.split(key, 12)
    x = jax.random.normal(ks[0], (N, 128), dtype=jnp.float32)
    edge_index = jax.random.randint(ks[1], (2, E), 0, N)
    W1 = jax.random.normal(ks[2], (128, 256), dtype=jnp.float32) * 0.05
    b1 = jnp.zeros((256,), dtype=jnp.float32)
    W2 = jax.random.normal(ks[3], (256, 256), dtype=jnp.float32) * 0.05
    b2 = jnp.zeros((256,), dtype=jnp.float32)
    W3 = jax.random.normal(ks[4], (256, 128), dtype=jnp.float32) * 0.05
    b3 = jnp.zeros((128,), dtype=jnp.float32)
    g1 = jnp.ones((256,), dtype=jnp.float32)
    beta1 = jnp.zeros((256,), dtype=jnp.float32)
    m1 = jax.random.normal(ks[5], (256,), dtype=jnp.float32) * 0.1
    v1 = jax.random.uniform(ks[6], (256,), minval=0.5, maxval=1.5, dtype=jnp.float32)
    g2 = jnp.ones((256,), dtype=jnp.float32)
    beta2 = jnp.zeros((256,), dtype=jnp.float32)
    m2 = jax.random.normal(ks[7], (256,), dtype=jnp.float32) * 0.1
    v2 = jax.random.uniform(ks[8], (256,), minval=0.5, maxval=1.5, dtype=jnp.float32)
    return {"x": x, "edge_index": edge_index, "W1": W1, "b1": b1, "W2": W2, "b2": b2, "W3": W3, "b3": b3, "g1": g1, "beta1": beta1, "m1": m1, "v1": v1, "g2": g2, "beta2": beta2, "m2": m2, "v2": v2}


def reference(x, edge_index, W1, b1, W2, b2, W3, b3, g1, beta1, m1, v1, g2, beta2, m2, v2):
    # GCN forward in eval mode: dropout is identity, BatchNorm uses running stats.
    src = edge_index[0]
    dst = edge_index[1]
    h = gcn_conv(x, src, dst, W1, b1)
    h = bn_eval(h, g1, beta1, m1, v1)
    h = jax.nn.relu(h)
    h = gcn_conv(h, src, dst, W2, b2)
    h = bn_eval(h, g2, beta2, m2, v2)
    h = jax.nn.relu(h)
    h = gcn_conv(h, src, dst, W3, b3)
    return h

if __name__ == "__main__":
    import jax
    _d = setup_inputs()
    print(jax.jit(kernel)(*tuple(_d.values())))

</pallas_src>

<mosaic_0001>
#map = affine_map<(d0, d1) -> (0)>
#map1 = affine_map<(d0, d1) -> (0, 0)>
module attributes {stable_mosaic.version = 14 : i64} {
  func.func @_deg_kernel(%arg0: i32, %arg1: i32, %arg2: memref<323584xi32, #tpu.memory_space<hbm>>, %arg3: memref<10240x16xf32, #tpu.memory_space<hbm>>, %arg4: memref<10240x16xf32, #tpu.memory_space<hbm>>, %arg5: memref<10240x16xf32, #tpu.memory_space<vmem_shared>>, %arg6: memref<128x16xf32, #tpu.memory_space<vmem>>, %arg7: memref<128x16xf32, #tpu.memory_space<vmem>>, %arg8: memref<128xi32, #tpu.memory_space<vmem>>, %arg9: memref<128xi32, #tpu.memory_space<vmem>>, %arg10: memref<!tpu.dma_semaphore, #tpu.memory_space<semaphore_mem>>, %arg11: memref<!tpu.dma_semaphore, #tpu.memory_space<semaphore_mem>>) attributes {dimension_semantics = [#tpu.dimension_semantics<core_parallel>, #tpu.dimension_semantics<subcore_parallel>], iteration_bounds = array<i64: 2, 16>, scalar_prefetch = 0 : i64, scratch_operands = 7 : i64, tpu.core_type = #tpu.core_type<sc_vector_subcore>, window_params = [{transform_indices = #map}, {transform_indices = #map1}, {transform_indices = #map1}]} {
    %scan3A = arith.constant 0 : i32
    %scan3A_0 = arith.constant 0 : i32
    %scan3A_1 = arith.constant 128 : i32
    %scan3A_2 = arith.addi %scan3A_0, %scan3A_1 : i32
    %scan3A_3 = arith.constant 1 : i32
    %scan3A_4 = scf.for %scan3A_41 = %scan3A_0 to %scan3A_2 step %scan3A_3 iter_args(%scan3A_42 = %scan3A) -> (i32)  : i32 {
      %broadcast_in_dim3A = arith.constant 0.000000e+00 : f32
      %broadcast_in_dim3A_43 = vector.broadcast %broadcast_in_dim3A : f32 to vector<16xf32>
      %swap3A = arith.index_cast %scan3A_41 : i32 to index
      %swap3A_44 = arith.constant 0 : index
      %swap3A_45 = tpu.vector_load %arg6[%swap3A, %swap3A_44] {strides = array<i32>} : memref<128x16xf32, #tpu.memory_space<vmem>>, vector<1x16xf32>,
      %swap3A_46 = vector.shape_cast %swap3A_45 : vector<1x16xf32> to vector<16xf32>
      %swap3A_47 = vector.shape_cast %broadcast_in_dim3A_43 : vector<16xf32> to vector<1x16xf32>
      tpu.vector_store %arg6[%swap3A, %swap3A_44], %swap3A_47 {strides = array<i32>} : memref<128x16xf32, #tpu.memory_space<vmem>>, vector<1x16xf32>,
      %broadcast_in_dim3A_48 = arith.constant 1.000000e+00 : f32
      %broadcast_in_dim3A_49 = vector.broadcast %broadcast_in_dim3A_48 : f32 to vector<16xf32>
      %swap3A_50 = arith.index_cast %scan3A_41 : i32 to index
      %swap3A_51 = arith.constant 0 : index
      %swap3A_52 = tpu.vector_load %arg7[%swap3A_50, %swap3A_51] {strides = array<i32>} : memref<128x16xf32, #tpu.memory_space<vmem>>, vector<1x16xf32>,
      %swap3A_53 = vector.shape_cast %swap3A_52 : vector<1x16xf32> to vector<16xf32>
      %swap3A_54 = vector.shape_cast %broadcast_in_dim3A_49 : vector<16xf32> to vector<1x16xf32>
      tpu.vector_store %arg7[%swap3A_50, %swap3A_51], %swap3A_54 {strides = array<i32>} : memref<128x16xf32, #tpu.memory_space<vmem>>, vector<1x16xf32>,
      %scan3A_55 = arith.constant 0 : i32
      scf.yield %scan3A_55 : i32
    }
    %scan3A_5 = arith.constant 128 : i32
    %scan3A_6 = arith.constant 0 : i32
    %scan3A_7 = arith.constant 0 : i32
    %scan3A_8 = arith.constant 5 : i32
    %scan3A_9 = arith.addi %scan3A_7, %scan3A_8 : i32
    %scan3A_10 = arith.constant 1 : i32
    %scan3A_11 = scf.for %scan3A_41 = %scan3A_7 to %scan3A_9 step %scan3A_10 iter_args(%scan3A_42 = %scan3A_6) -> (i32)  : i32 {
      %mul3A_43 = arith.constant 640 : i32
      %mul3A_44 = arith.muli %arg1, %mul3A_43 : i32
      %mul3A_45 = arith.constant 128 : i32
      %mul3A_46 = arith.muli %scan3A_41, %mul3A_45 : i32
      %add3A_47 = arith.addi %mul3A_44, %mul3A_46 : i32
      "tpu.region"() ({
        %run_scoped3A = tpu.sem_alloc : memref<!tpu.dma_semaphore, #tpu.memory_space<semaphore_mem>>
        %dma_start3A_49 = arith.constant 0 : i32
        %dma_start3A_50 = tpu.memref_slice %arg5[%add3A_47, %dma_start3A_49] : memref<10240x16xf32, #tpu.memory_space<vmem_shared>> -> memref<128x16xf32, #tpu.memory_space<vmem_shared>>
        %dma_start3A_51 = arith.constant 0 : i32
        %dma_start3A_52 = tpu.memref_slice %arg5[%add3A_47, %dma_start3A_51] : memref<10240x16xf32, #tpu.memory_space<vmem_shared>> -> memref<128x16xf32, #tpu.memory_space<vmem_shared>>
        tpu.enqueue_dma source(%arg6 : memref<128x16xf32, #tpu.memory_space<vmem>>) target(%dma_start3A_52 : memref<128x16xf32, #tpu.memory_space<vmem_shared>>) target_semaphore(%run_scoped3A : memref<!tpu.dma_semaphore, #tpu.memory_space<semaphore_mem>>)
        %dma_wait3A_53 = arith.constant 0 : i32
        %dma_wait3A_54 = tpu.memref_slice %arg5[%add3A_47, %dma_wait3A_53] : memref<10240x16xf32, #tpu.memory_space<vmem_shared>> -> memref<128x16xf32, #tpu.memory_space<vmem_shared>>
        %dma_wait3A_55 = arith.constant 0 : i32
        %dma_wait3A_56 = tpu.memref_slice %arg5[%add3A_47, %dma_wait3A_55] : memref<10240x16xf32, #tpu.memory_space<vmem_shared>> -> memref<128x16xf32, #tpu.memory_space<vmem_shared>>
        tpu.wait_dma2 semaphore(%run_scoped3A : memref<!tpu.dma_semaphore, #tpu.memory_space<semaphore_mem>>) src(%arg6 : memref<128x16xf32, #tpu.memory_space<vmem>>) dst(%dma_wait3A_56 : memref<128x16xf32, #tpu.memory_space<vmem_shared>>)
        tpu.yield
      }) : () -> ()
      %scan3A_48 = arith.constant 0 : i32
      scf.yield %scan3A_48 : i32
    }
    %scan3A_12 = arith.constant 5 : i32
    %barrier3A = arith.constant 0 : index
    tpu.barrier barrier_id(%barrier3A)
    %mul3A = arith.constant 16 : i32
    %mul3A_13 = arith.muli %arg0, %mul3A : i32
    %add3A = arith.addi %mul3A_13, %arg1 : i32
    %mul3A_14 = arith.constant 79 : i32
    %mul3A_15 = arith.muli %add3A, %mul3A_14 : i32
    %mul3A_16 = arith.constant 128 : i32
    %mul3A_17 = arith.muli %mul3A_15, %mul3A_16 : i32
    %dma_start3A = tpu.memref_slice %arg2[%mul3A_17] : memref<323584xi32, #tpu.memory_space<hbm>> -> memref<128xi32, #tpu.memory_space<hbm>>
    %dma_start3A_18 = tpu.memref_slice %arg2[%mul3A_17] : memref<323584xi32, #tpu.memory_space<hbm>> -> memref<128xi32, #tpu.memory_space<hbm>>
    tpu.enqueue_dma source(%dma_start3A_18 : memref<128xi32, #tpu.memory_space<hbm>>) target(%arg8 : memref<128xi32, #tpu.memory_space<vmem>>) target_semaphore(%arg10 : memref<!tpu.dma_semaphore, #tpu.memory_space<semaphore_mem>>)
    %add3A_19 = arith.constant 128 : i32
    %add3A_20 = arith.addi %mul3A_17, %add3A_19 : i32
    %dma_start3A_21 = tpu.memref_slice %arg2[%add3A_20] : memref<323584xi32, #tpu.memory_space<hbm>> -> memref<128xi32, #tpu.memory_space<hbm>>
    %dma_start3A_22 = tpu.memref_slice %arg2[%add3A_20] : memref<323584xi32, #tpu.memory_space<hbm>> -> memref<128xi32, #tpu.memory_space<hbm>>
    tpu.enqueue_dma source(%dma_start3A_22 : memref<128xi32, #tpu.memory_space<hbm>>) target(%arg9 : memref<128xi32, #tpu.memory_space<vmem>>) target_semaphore(%arg11 : memref<!tpu.dma_semaphore, #tpu.memory_space<semaphore_mem>>)
    %scan3A_23 = arith.constant 0 : i32
    %scan3A_24 = arith.constant 0 : i32
    %scan3A_25 = arith.constant 39 : i32
    %scan3A_26 = arith.addi %scan3A_24, %scan3A_25 : i32
    %scan3A_27 = arith.constant 1 : i32
    %scan3A_28 = scf.for %scan3A_41 = %scan3A_24 to %scan3A_26 step %scan3A_27 iter_args(%scan3A_42 = %scan3A_23) -> (i32)  : i32 {
      %mul3A_43 = arith.constant 2 : i32
      %mul3A_44 = arith.muli %mul3A_43, %scan3A_41 : i32
      %mul3A_45 = arith.constant 128 : i32
      %mul3A_46 = arith.muli %mul3A_44, %mul3A_45 : i32
      %add3A_47 = arith.addi %mul3A_17, %mul3A_46 : i32
      %dma_wait3A_48 = tpu.memref_slice %arg2[%add3A_47] : memref<323584xi32, #tpu.memory_space<hbm>> -> memref<128xi32, #tpu.memory_space<hbm>>
      %dma_wait3A_49 = tpu.memref_slice %arg2[%add3A_47] : memref<323584xi32, #tpu.memory_space<hbm>> -> memref<128xi32, #tpu.memory_space<hbm>>
      tpu.wait_dma2 semaphore(%arg10 : memref<!tpu.dma_semaphore, #tpu.memory_space<semaphore_mem>>) src(%dma_wait3A_49 : memref<128xi32, #tpu.memory_space<hbm>>) dst(%arg8 : memref<128xi32, #tpu.memory_space<vmem>>)
      "tpu.region"() ({
        %run_scoped3A = tpu.sem_alloc : memref<!tpu.dma_semaphore, #tpu.memory_space<semaphore_mem>>
        %dma_start3A_72 = arith.constant 0 : i32
        %dma_start3A_73 = arith.constant 0 : i32
        %dma_start3A_74 = tpu.memref_slice %arg5[%dma_start3A_72, %dma_start3A_73] : memref<10240x16xf32, #tpu.memory_space<vmem_shared>> -> memref<10240x16xf32, #tpu.memory_space<vmem_shared>>
        tpu.enqueue_indirect_dma source(%arg7 : memref<128x16xf32, #tpu.memory_space<vmem>>) target(%dma_start3A_74 : memref<10240x16xf32, #tpu.memory_space<vmem_shared>>) offsets(%arg8 : memref<128xi32, #tpu.memory_space<vmem>>) semaphore(%run_scoped3A : memref<!tpu.dma_semaphore, #tpu.memory_space<semaphore_mem>>) {add = true}
        %dma_wait3A_75 = arith.constant 0 : i32
        %dma_wait3A_76 = arith.constant 0 : i32
        %dma_wait3A_77 = tpu.memref_slice %arg5[%dma_wait3A_75, %dma_wait3A_76] : memref<10240x16xf32, #tpu.memory_space<vmem_shared>> -> memref<10240x16xf32, #tpu.memory_space<vmem_shared>>
        tpu.wait_indirect_dma semaphore(%run_scoped3A : memref<!tpu.dma_semaphore, #tpu.memory_space<semaphore_mem>>) src(%arg7 : memref<128x16xf32, #tpu.memory_space<vmem>>) dst(%dma_wait3A_77 : memref<10240x16xf32, #tpu.memory_space<vmem_shared>>)
        tpu.yield
      }) : () -> ()
      %mul3A_50 = arith.constant 2 : i32
      %mul3A_51 = arith.muli %mul3A_50, %scan3A_41 : i32
      %add3A_52 = arith.constant 2 : i32
      %add3A_53 = arith.addi %mul3A_51, %add3A_52 : i32
      %lt3A = arith.constant 79 : i32
      %lt3A_54 = arith.cmpi slt, %add3A_53, %lt3A : i32
      %convert_element_type3A_55 = arith.extui %lt3A_54 : i1 to i32
      %cond3A_56 = arith.constant 0 : i32
      %cond3A_57 = arith.cmpi ne, %convert_element_type3A_55, %cond3A_56 : i32
      scf.if %cond3A_57 {
        %add3A_72 = arith.constant 256 : i32
        %add3A_73 = arith.addi %add3A_47, %add3A_72 : i32
        %dma_start3A_74 = tpu.memref_slice %arg2[%add3A_73] : memref<323584xi32, #tpu.memory_space<hbm>> -> memref<128xi32, #tpu.memory_space<hbm>>
        %dma_start3A_75 = tpu.memref_slice %arg2[%add3A_73] : memref<323584xi32, #tpu.memory_space<hbm>> -> memref<128xi32, #tpu.memory_space<hbm>>
        tpu.enqueue_dma source(%dma_start3A_75 : memref<128xi32, #tpu.memory_space<hbm>>) target(%arg8 : memref<128xi32, #tpu.memory_space<vmem>>) target_semaphore(%arg10 : memref<!tpu.dma_semaphore, #tpu.memory_space<semaphore_mem>>)
      } else {
      }
      %add3A_58 = arith.constant 128 : i32
      %add3A_59 = arith.addi %add3A_47, %add3A_58 : i32
      %dma_wait3A_60 = tpu.memref_slice %arg2[%add3A_59] : memref<323584xi32, #tpu.memory_space<hbm>> -> memref<128xi32, #tpu.memory_space<hbm>>
      %dma_wait3A_61 = tpu.memref_slice %arg2[%add3A_59] : memref<323584xi32, #tpu.memory_space<hbm>> -> memref<128xi32, #tpu.memory_space<hbm>>
      tpu.wait_dma2 semaphore(%arg11 : memref<!tpu.dma_semaphore, #tpu.memory_space<semaphore_mem>>) src(%dma_wait3A_61 : memref<128xi32, #tpu.memory_space<hbm>>) dst(%arg9 : memref<128xi32, #tpu.memory_space<vmem>>)
      "tpu.region"() ({
        %run_scoped3A = tpu.sem_alloc : memref<!tpu.dma_semaphore, #tpu.memory_space<semaphore_mem>>
        %dma_start3A_72 = arith.constant 0 : i32
        %dma_start3A_73 = arith.constant 0 : i32
        %dma_start3A_74 = tpu.memref_slice %arg5[%dma_start3A_72, %dma_start3A_73] : memref<10240x16xf32, #tpu.memory_space<vmem_shared>> -> memref<10240x16xf32, #tpu.memory_space<vmem_shared>>
        tpu.enqueue_indirect_dma source(%arg7 : memref<128x16xf32, #tpu.memory_space<vmem>>) target(%dma_start3A_74 : memref<10240x16xf32, #tpu.memory_space<vmem_shared>>) offsets(%arg9 : memref<128xi32, #tpu.memory_space<vmem>>) semaphore(%run_scoped3A : memref<!tpu.dma_semaphore, #tpu.memory_space<semaphore_mem>>) {add = true}
        %dma_wait3A_75 = arith.constant 0 : i32
        %dma_wait3A_76 = arith.constant 0 : i32
        %dma_wait3A_77 = tpu.memref_slice %arg5[%dma_wait3A_75, %dma_wait3A_76] : memref<10240x16xf32, #tpu.memory_space<vmem_shared>> -> memref<10240x16xf32, #tpu.memory_space<vmem_shared>>
        tpu.wait_indirect_dma semaphore(%run_scoped3A : memref<!tpu.dma_semaphore, #tpu.memory_space<semaphore_mem>>) src(%arg7 : memref<128x16xf32, #tpu.memory_space<vmem>>) dst(%dma_wait3A_77 : memref<10240x16xf32, #tpu.memory_space<vmem_shared>>)
        tpu.yield
      }) : () -> ()
      %mul3A_62 = arith.constant 2 : i32
      %mul3A_63 = arith.muli %mul3A_62, %scan3A_41 : i32
      %add3A_64 = arith.constant 3 : i32
      %add3A_65 = arith.addi %mul3A_63, %add3A_64 : i32
      %lt3A_66 = arith.constant 79 : i32
      %lt3A_67 = arith.cmpi slt, %add3A_65, %lt3A_66 : i32
      %convert_element_type3A_68 = arith.extui %lt3A_67 : i1 to i32
      %cond3A_69 = arith.constant 0 : i32
      %cond3A_70 = arith.cmpi ne, %convert_element_type3A_68, %cond3A_69 : i32
      scf.if %cond3A_70 {
        %add3A_72 = arith.constant 384 : i32
        %add3A_73 = arith.addi %add3A_47, %add3A_72 : i32
        %dma_start3A_74 = tpu.memref_slice %arg2[%add3A_73] : memref<323584xi32, #tpu.memory_space<hbm>> -> memref<128xi32, #tpu.memory_space<hbm>>
        %dma_start3A_75 = tpu.memref_slice %arg2[%add3A_73] : memref<323584xi32, #tpu.memory_space<hbm>> -> memref<128xi32, #tpu.memory_space<hbm>>
        tpu.enqueue_dma source(%dma_start3A_75 : memref<128xi32, #tpu.memory_space<hbm>>) target(%arg9 : memref<128xi32, #tpu.memory_space<vmem>>) target_semaphore(%arg11 : memref<!tpu.dma_semaphore, #tpu.memory_space<semaphore_mem>>)
      } else {
      }
      %scan3A_71 = arith.constant 0 : i32
      scf.yield %scan3A_71 : i32
    }
    %scan3A_29 = arith.constant 39 : i32
    %add3A_30 = arith.constant 9984 : i32
    %add3A_31 = arith.addi %mul3A_17, %add3A_30 : i32
    %dma_wait3A = tpu.memref_slice %arg2[%add3A_31] : memref<323584xi32, #tpu.memory_space<hbm>> -> memref<128xi32, #tpu.memory_space<hbm>>
    %dma_wait3A_32 = tpu.memref_slice %arg2[%add3A_31] : memref<323584xi32, #tpu.memory_space<hbm>> -> memref<128xi32, #tpu.memory_space<hbm>>
    tpu.wait_dma2 semaphore(%arg10 : memref<!tpu.dma_semaphore, #tpu.memory_space<semaphore_mem>>) src(%dma_wait3A_32 : memref<128xi32, #tpu.memory_space<hbm>>) dst(%arg8 : memref<128xi32, #tpu.memory_space<vmem>>)
    "tpu.region"() ({
      %run_scoped3A = tpu.sem_alloc : memref<!tpu.dma_semaphore, #tpu.memory_space<semaphore_mem>>
      %dma_start3A_41 = arith.constant 0 : i32
      %dma_start3A_42 = arith.constant 0 : i32
      %dma_start3A_43 = tpu.memref_slice %arg5[%dma_start3A_41, %dma_start3A_42] : memref<10240x16xf32, #tpu.memory_space<vmem_shared>> -> memref<10240x16xf32, #tpu.memory_space<vmem_shared>>
      tpu.enqueue_indirect_dma source(%arg7 : memref<128x16xf32, #tpu.memory_space<vmem>>) target(%dma_start3A_43 : memref<10240x16xf32, #tpu.memory_space<vmem_shared>>) offsets(%arg8 : memref<128xi32, #tpu.memory_space<vmem>>) semaphore(%run_scoped3A : memref<!tpu.dma_semaphore, #tpu.memory_space<semaphore_mem>>) {add = true}
      %dma_wait3A_44 = arith.constant 0 : i32
      %dma_wait3A_45 = arith.constant 0 : i32
      %dma_wait3A_46 = tpu.memref_slice %arg5[%dma_wait3A_44, %dma_wait3A_45] : memref<10240x16xf32, #tpu.memory_space<vmem_shared>> -> memref<10240x16xf32, #tpu.memory_space<vmem_shared>>
      tpu.wait_indirect_dma semaphore(%run_scoped3A : memref<!tpu.dma_semaphore, #tpu.memory_space<semaphore_mem>>) src(%arg7 : memref<128x16xf32, #tpu.memory_space<vmem>>) dst(%dma_wait3A_46 : memref<10240x16xf32, #tpu.memory_space<vmem_shared>>)
      tpu.yield
    }) : () -> ()
    %barrier3A_33 = arith.constant 0 : index
    tpu.barrier barrier_id(%barrier3A_33)
    %eq3A = arith.constant 0 : i32
    %eq3A_34 = arith.cmpi eq, %arg0, %eq3A : i32
    %convert_element_type3A = arith.extui %eq3A_34 : i1 to i32
    %cond3A = arith.constant 0 : i32
    %cond3A_35 = arith.cmpi ne, %convert_element_type3A, %cond3A : i32
    scf.if %cond3A_35 {
      %mul3A_41 = arith.constant 640 : i32
      %mul3A_42 = arith.muli %arg1, %mul3A_41 : i32
      %mul3A_43 = arith.constant 640 : i32
      %mul3A_44 = arith.muli %arg1, %mul3A_43 : i32
      "tpu.region"() ({
        %run_scoped3A = tpu.sem_alloc : memref<!tpu.dma_semaphore, #tpu.memory_space<semaphore_mem>>
        %dma_start3A_45 = arith.constant 0 : i32
        %dma_start3A_46 = tpu.memref_slice %arg3[%mul3A_44, %dma_start3A_45] : memref<10240x16xf32, #tpu.memory_space<hbm>> -> memref<640x16xf32, #tpu.memory_space<hbm>>
        %dma_start3A_47 = arith.constant 0 : i32
        %dma_start3A_48 = tpu.memref_slice %arg5[%mul3A_42, %dma_start3A_47] : memref<10240x16xf32, #tpu.memory_space<vmem_shared>> -> memref<640x16xf32, #tpu.memory_space<vmem_shared>>
        tpu.enqueue_dma source(%dma_start3A_48 : memref<640x16xf32, #tpu.memory_space<vmem_shared>>) target(%dma_start3A_46 : memref<640x16xf32, #tpu.memory_space<hbm>>) target_semaphore(%run_scoped3A : memref<!tpu.dma_semaphore, #tpu.memory_space<semaphore_mem>>)
        %dma_wait3A_49 = arith.constant 0 : i32
        %dma_wait3A_50 = tpu.memref_slice %arg3[%mul3A_44, %dma_wait3A_49] : memref<10240x16xf32, #tpu.memory_space<hbm>> -> memref<640x16xf32, #tpu.memory_space<hbm>>
        %dma_wait3A_51 = arith.constant 0 : i32
        %dma_wait3A_52 = tpu.memref_slice %arg5[%mul3A_42, %dma_wait3A_51] : memref<10240x16xf32, #tpu.memory_space<vmem_shared>> -> memref<640x16xf32, #tpu.memory_space<vmem_shared>>
        tpu.wait_dma2 semaphore(%run_scoped3A : memref<!tpu.dma_semaphore, #tpu.memory_space<semaphore_mem>>) src(%dma_wait3A_52 : memref<640x16xf32, #tpu.memory_space<vmem_shared>>) dst(%dma_wait3A_50 : memref<640x16xf32, #tpu.memory_space<hbm>>)
        tpu.yield
      }) : () -> ()
    } else {
    }
    %eq3A_36 = arith.constant 1 : i32
    %eq3A_37 = arith.cmpi eq, %arg0, %eq3A_36 : i32
    %convert_element_type3A_38 = arith.extui %eq3A_37 : i1 to i32
    %cond3A_39 = arith.constant 0 : i32
    %cond3A_40 = arith.cmpi ne, %convert_element_type3A_38, %cond3A_39 : i32
    scf.if %cond3A_40 {
      %mul3A_41 = arith.constant 640 : i32
      %mul3A_42 = arith.muli %arg1, %mul3A_41 : i32
      %mul3A_43 = arith.constant 640 : i32
      %mul3A_44 = arith.muli %arg1, %mul3A_43 : i32
      "tpu.region"() ({
        %run_scoped3A = tpu.sem_alloc : memref<!tpu.dma_semaphore, #tpu.memory_space<semaphore_mem>>
        %dma_start3A_45 = arith.constant 0 : i32
        %dma_start3A_46 = tpu.memref_slice %arg4[%mul3A_44, %dma_start3A_45] : memref<10240x16xf32, #tpu.memory_space<hbm>> -> memref<640x16xf32, #tpu.memory_space<hbm>>
        %dma_start3A_47 = arith.constant 0 : i32
        %dma_start3A_48 = tpu.memref_slice %arg5[%mul3A_42, %dma_start3A_47] : memref<10240x16xf32, #tpu.memory_space<vmem_shared>> -> memref<640x16xf32, #tpu.memory_space<vmem_shared>>
        tpu.enqueue_dma source(%dma_start3A_48 : memref<640x16xf32, #tpu.memory_space<vmem_shared>>) target(%dma_start3A_46 : memref<640x16xf32, #tpu.memory_space<hbm>>) target_semaphore(%run_scoped3A : memref<!tpu.dma_semaphore, #tpu.memory_space<semaphore_mem>>)
        %dma_wait3A_49 = arith.constant 0 : i32
        %dma_wait3A_50 = tpu.memref_slice %arg4[%mul3A_44, %dma_wait3A_49] : memref<10240x16xf32, #tpu.memory_space<hbm>> -> memref<640x16xf32, #tpu.memory_space<hbm>>
        %dma_wait3A_51 = arith.constant 0 : i32
        %dma_wait3A_52 = tpu.memref_slice %arg5[%mul3A_42, %dma_wait3A_51] : memref<10240x16xf32, #tpu.memory_space<vmem_shared>> -> memref<640x16xf32, #tpu.memory_space<vmem_shared>>
        tpu.wait_dma2 semaphore(%run_scoped3A : memref<!tpu.dma_semaphore, #tpu.memory_space<semaphore_mem>>) src(%dma_wait3A_52 : memref<640x16xf32, #tpu.memory_space<vmem_shared>>) dst(%dma_wait3A_50 : memref<640x16xf32, #tpu.memory_space<hbm>>)
        tpu.yield
      }) : () -> ()
    } else {
    }
    return
  }
}

#map = affine_map<(d0, d1) -> (0, 0)>
#map1 = affine_map<(d0, d1) -> (0)>
module attributes {stable_mosaic.version = 14 : i64} {
  func.func @_spmm_fsplit(%arg0: i32, %arg1: i32, %arg2: memref<10240x128xf32, #tpu.memory_space<hbm>>, %arg3: memref<10240x128xf32, #tpu.memory_space<hbm>>, %arg4: memref<323584xi32, #tpu.memory_space<hbm>>, %arg5: memref<323584xi32, #tpu.memory_space<hbm>>, %arg6: memref<10240x128xf32, #tpu.memory_space<hbm>>, %arg7: memref<10240x128xf32, #tpu.memory_space<hbm>>, %arg8: memref<10240x128xf32, #tpu.memory_space<vmem_shared>>, %arg9: memref<128xi32, #tpu.memory_space<vmem>>, %arg10: memref<128xi32, #tpu.memory_space<vmem>>, %arg11: memref<128xi32, #tpu.memory_space<vmem>>, %arg12: memref<128xi32, #tpu.memory_space<vmem>>, %arg13: memref<128x128xf32, #tpu.memory_space<vmem>>, %arg14: memref<!tpu.dma_semaphore, #tpu.memory_space<semaphore_mem>>, %arg15: memref<!tpu.dma_semaphore, #tpu.memory_space<semaphore_mem>>, %arg16: memref<!tpu.dma_semaphore, #tpu.memory_space<semaphore_mem>>, %arg17: memref<!tpu.dma_semaphore, #tpu.memory_space<semaphore_mem>>, %arg18: memref<!tpu.dma_semaphore, #tpu.memory_space<semaphore_mem>>) attributes {dimension_semantics = [#tpu.dimension_semantics<core_parallel>, #tpu.dimension_semantics<subcore_parallel>], iteration_bounds = array<i64: 2, 16>, scalar_prefetch = 0 : i64, scratch_operands = 11 : i64, tpu.core_type = #tpu.core_type<sc_vector_subcore>, window_params = [{transform_indices = #map}, {transform_indices = #map}, {transform_indices = #map1}, {transform_indices = #map1}, {transform_indices = #map}, {transform_indices = #map}]} {
    %mul3A = arith.constant 640 : i32
    %mul3A_0 = arith.muli %arg1, %mul3A : i32
    %mul3A_1 = arith.constant 158 : i32
    %mul3A_2 = arith.muli %arg1, %mul3A_1 : i32
    %mul3A_3 = arith.constant 128 : i32
    %mul3A_4 = arith.muli %mul3A_2, %mul3A_3 : i32
    %dma_start3A = tpu.memref_slice %arg4[%mul3A_4] : memref<323584xi32, #tpu.memory_space<hbm>> -> memref<128xi32, #tpu.memory_space<hbm>>
    %dma_start3A_5 = tpu.memref_slice %arg4[%mul3A_4] : memref<323584xi32, #tpu.memory_space<hbm>> -> memref<128xi32, #tpu.memory_space<hbm>>
    tpu.enqueue_dma source(%dma_start3A_5 : memref<128xi32, #tpu.memory_space<hbm>>) target(%arg9 : memref<128xi32, #tpu.memory_space<vmem>>) target_semaphore(%arg14 : memref<!tpu.dma_semaphore, #tpu.memory_space<semaphore_mem>>)
    %dma_start3A_6 = tpu.memref_slice %arg5[%mul3A_4] : memref<323584xi32, #tpu.memory_space<hbm>> -> memref<128xi32, #tpu.memory_space<hbm>>
    %dma_start3A_7 = tpu.memref_slice %arg5[%mul3A_4] : memref<323584xi32, #tpu.memory_space<hbm>> -> memref<128xi32, #tpu.memory_space<hbm>>
    tpu.enqueue_dma source(%dma_start3A_7 : memref<128xi32, #tpu.memory_space<hbm>>) target(%arg10 : memref<128xi32, #tpu.memory_space<vmem>>) target_semaphore(%arg15 : memref<!tpu.dma_semaphore, #tpu.memory_space<semaphore_mem>>)
    %add3A = arith.constant 128 : i32
    %add3A_8 = arith.addi %mul3A_4, %add3A : i32
    %dma_start3A_9 = tpu.memref_slice %arg4[%add3A_8] : memref<323584xi32, #tpu.memory_space<hbm>> -> memref<128xi32, #tpu.memory_space<hbm>>
    %dma_start3A_10 = tpu.memref_slice %arg4[%add3A_8] : memref<323584xi32, #tpu.memory_space<hbm>> -> memref<128xi32, #tpu.memory_space<hbm>>
    tpu.enqueue_dma source(%dma_start3A_10 : memref<128xi32, #tpu.memory_space<hbm>>) target(%arg11 : memref<128xi32, #tpu.memory_space<vmem>>) target_semaphore(%arg16 : memref<!tpu.dma_semaphore, #tpu.memory_space<semaphore_mem>>)
    %add3A_11 = arith.constant 128 : i32
    %add3A_12 = arith.addi %mul3A_4, %add3A_11 : i32
    %dma_start3A_13 = tpu.memref_slice %arg5[%add3A_12] : memref<323584xi32, #tpu.memory_space<hbm>> -> memref<128xi32, #tpu.memory_space<hbm>>
    %dma_start3A_14 = tpu.memref_slice %arg5[%add3A_12] : memref<323584xi32, #tpu.memory_space<hbm>> -> memref<128xi32, #tpu.memory_space<hbm>>
    tpu.enqueue_dma source(%dma_start3A_14 : memref<128xi32, #tpu.memory_space<hbm>>) target(%arg12 : memref<128xi32, #tpu.memory_space<vmem>>) target_semaphore(%arg17 : memref<!tpu.dma_semaphore, #tpu.memory_space<semaphore_mem>>)
    %eq3A = arith.constant 0 : i32
    %eq3A_15 = arith.cmpi eq, %arg0, %eq3A : i32
    %convert_element_type3A = arith.extui %eq3A_15 : i1 to i32
    %cond3A = arith.constant 0 : i32
    %cond3A_16 = arith.cmpi ne, %convert_element_type3A, %cond3A : i32
    scf.if %cond3A_16 {
      "tpu.region"() ({
        %run_scoped3A = tpu.sem_alloc : memref<!tpu.dma_semaphore, #tpu.memory_space<semaphore_mem>>
        %dma_start3A_39 = arith.constant 0 : i32
        %dma_start3A_40 = tpu.memref_slice %arg8[%mul3A_0, %dma_start3A_39] : memref<10240x128xf32, #tpu.memory_space<vmem_shared>> -> memref<640x128xf32, #tpu.memory_space<vmem_shared>>
        %dma_start3A_41 = arith.constant 0 : i32
        %dma_start3A_42 = tpu.memref_slice %arg2[%mul3A_0, %dma_start3A_41] : memref<10240x128xf32, #tpu.memory_space<hbm>> -> memref<640x128xf32, #tpu.memory_space<hbm>>
        tpu.enqueue_dma source(%dma_start3A_42 : memref<640x128xf32, #tpu.memory_space<hbm>>) target(%dma_start3A_40 : memref<640x128xf32, #tpu.memory_space<vmem_shared>>) target_semaphore(%run_scoped3A : memref<!tpu.dma_semaphore, #tpu.memory_space<semaphore_mem>>)
        %dma_wait3A = arith.constant 0 : i32
        %dma_wait3A_43 = tpu.memref_slice %arg8[%mul3A_0, %dma_wait3A] : memref<10240x128xf32, #tpu.memory_space<vmem_shared>> -> memref<640x128xf32, #tpu.memory_space<vmem_shared>>
        %dma_wait3A_44 = arith.constant 0 : i32
        %dma_wait3A_45 = tpu.memref_slice %arg2[%mul3A_0, %dma_wait3A_44] : memref<10240x128xf32, #tpu.memory_space<hbm>> -> memref<640x128xf32, #tpu.memory_space<hbm>>
        tpu.wait_dma2 semaphore(%run_scoped3A : memref<!tpu.dma_semaphore, #tpu.memory_space<semaphore_mem>>) src(%dma_wait3A_45 : memref<640x128xf32, #tpu.memory_space<hbm>>) dst(%dma_wait3A_43 : memref<640x128xf32, #tpu.memory_space<vmem_shared>>)
        tpu.yield
      }) : () -> ()
    } else {
    }
    %eq3A_17 = arith.constant 1 : i32
    %eq3A_18 = arith.cmpi eq, %arg0, %eq3A_17 : i32
    %convert_element_type3A_19 = arith.extui %eq3A_18 : i1 to i32
    %cond3A_20 = arith.constant 0 : i32
    %cond3A_21 = arith.cmpi ne, %convert_element_type3A_19, %cond3A_20 : i32
    scf.if %cond3A_21 {
      "tpu.region"() ({
        %run_scoped3A = tpu.sem_alloc : memref<!tpu.dma_semaphore, #tpu.memory_space<semaphore_mem>>
        %dma_start3A_39 = arith.constant 0 : i32
        %dma_start3A_40 = tpu.memref_slice %arg8[%mul3A_0, %dma_start3A_39] : memref<10240x128xf32, #tpu.memory_space<vmem_shared>> -> memref<640x128xf32, #tpu.memory_space<vmem_shared>>
        %dma_start3A_41 = arith.constant 0 : i32
        %dma_start3A_42 = tpu.memref_slice %arg3[%mul3A_0, %dma_start3A_41] : memref<10240x128xf32, #tpu.memory_space<hbm>> -> memref<640x128xf32, #tpu.memory_space<hbm>>
        tpu.enqueue_dma source(%dma_start3A_42 : memref<640x128xf32, #tpu.memory_space<hbm>>) target(%dma_start3A_40 : memref<640x128xf32, #tpu.memory_space<vmem_shared>>) target_semaphore(%run_scoped3A : memref<!tpu.dma_semaphore, #tpu.memory_space<semaphore_mem>>)
        %dma_wait3A = arith.constant 0 : i32
        %dma_wait3A_43 = tpu.memref_slice %arg8[%mul3A_0, %dma_wait3A] : memref<10240x128xf32, #tpu.memory_space<vmem_shared>> -> memref<640x128xf32, #tpu.memory_space<vmem_shared>>
        %dma_wait3A_44 = arith.constant 0 : i32
        %dma_wait3A_45 = tpu.memref_slice %arg3[%mul3A_0, %dma_wait3A_44] : memref<10240x128xf32, #tpu.memory_space<hbm>> -> memref<640x128xf32, #tpu.memory_space<hbm>>
        tpu.wait_dma2 semaphore(%run_scoped3A : memref<!tpu.dma_semaphore, #tpu.memory_space<semaphore_mem>>) src(%dma_wait3A_45 : memref<640x128xf32, #tpu.memory_space<hbm>>) dst(%dma_wait3A_43 : memref<640x128xf32, #tpu.memory_space<vmem_shared>>)
        tpu.yield
      }) : () -> ()
    } else {
    }
    %barrier3A = arith.constant 0 : index
    tpu.barrier barrier_id(%barrier3A)
    %scan3A = arith.constant 0 : i32
    %scan3A_22 = arith.constant 0 : i32
    %scan3A_23 = arith.constant 79 : i32
    %scan3A_24 = arith.addi %scan3A_22, %scan3A_23 : i32
    %scan3A_25 = arith.constant 1 : i32
    %scan3A_26 = scf.for %scan3A_39 = %scan3A_22 to %scan3A_24 step %scan3A_25 iter_args(%scan3A_40 = %scan3A) -> (i32)  : i32 {
      %mul3A_41 = arith.constant 2 : i32
      %mul3A_42 = arith.muli %mul3A_41, %scan3A_39 : i32
      %mul3A_43 = arith.constant 128 : i32
      %mul3A_44 = arith.muli %mul3A_42, %mul3A_43 : i32
      %add3A_45 = arith.addi %mul3A_4, %mul3A_44 : i32
      %add3A_46 = arith.constant 256 : i32
      %add3A_47 = arith.addi %add3A_45, %add3A_46 : i32
      %mul3A_48 = arith.constant 2 : i32
      %mul3A_49 = arith.muli %mul3A_48, %scan3A_39 : i32
      %add3A_50 = arith.constant 2 : i32
      %add3A_51 = arith.addi %mul3A_49, %add3A_50 : i32
      %lt3A = arith.constant 158 : i32
      %lt3A_52 = arith.cmpi slt, %add3A_51, %lt3A : i32
      %dma_wait3A = tpu.memref_slice %arg4[%add3A_45] : memref<323584xi32, #tpu.memory_space<hbm>> -> memref<128xi32, #tpu.memory_space<hbm>>
      %dma_wait3A_53 = tpu.memref_slice %arg4[%add3A_45] : memref<323584xi32, #tpu.memory_space<hbm>> -> memref<128xi32, #tpu.memory_space<hbm>>
      tpu.wait_dma2 semaphore(%arg14 : memref<!tpu.dma_semaphore, #tpu.memory_space<semaphore_mem>>) src(%dma_wait3A_53 : memref<128xi32, #tpu.memory_space<hbm>>) dst(%arg9 : memref<128xi32, #tpu.memory_space<vmem>>)
      %dma_wait3A_54 = tpu.memref_slice %arg5[%add3A_45] : memref<323584xi32, #tpu.memory_space<hbm>> -> memref<128xi32, #tpu.memory_space<hbm>>
      %dma_wait3A_55 = tpu.memref_slice %arg5[%add3A_45] : memref<323584xi32, #tpu.memory_space<hbm>> -> memref<128xi32, #tpu.memory_space<hbm>>
      tpu.wait_dma2 semaphore(%arg15 : memref<!tpu.dma_semaphore, #tpu.memory_space<semaphore_mem>>) src(%dma_wait3A_55 : memref<128xi32, #tpu.memory_space<hbm>>) dst(%arg10 : memref<128xi32, #tpu.memory_space<vmem>>)
      %eq3A_56 = arith.constant 0 : i32
      %eq3A_57 = arith.cmpi eq, %arg0, %eq3A_56 : i32
      %convert_element_type3A_58 = arith.extui %eq3A_57 : i1 to i32
      %cond3A_59 = arith.constant 0 : i32
      %cond3A_60 = arith.cmpi ne, %convert_element_type3A_58, %cond3A_59 : i32
      scf.if %cond3A_60 {
        %dma_start3A_97 = arith.constant 0 : i32
        %dma_start3A_98 = arith.constant 0 : i32
        %dma_start3A_99 = tpu.memref_slice %arg2[%dma_start3A_97, %dma_start3A_98] : memref<10240x128xf32, #tpu.memory_space<hbm>> -> memref<10240x128xf32, #tpu.memory_space<hbm>>
        tpu.enqueue_indirect_dma source(%dma_start3A_99 : memref<10240x128xf32, #tpu.memory_space<hbm>>) target(%arg13 : memref<128x128xf32, #tpu.memory_space<vmem>>) offsets(%arg9 : memref<128xi32, #tpu.memory_space<vmem>>) semaphore(%arg18 : memref<!tpu.dma_semaphore, #tpu.memory_space<semaphore_mem>>)
        %dma_wait3A_100 = arith.constant 0 : i32
        %dma_wait3A_101 = arith.constant 0 : i32
        %dma_wait3A_102 = tpu.memref_slice %arg2[%dma_wait3A_100, %dma_wait3A_101] : memref<10240x128xf32, #tpu.memory_space<hbm>> -> memref<10240x128xf32, #tpu.memory_space<hbm>>
        tpu.wait_indirect_dma semaphore(%arg18 : memref<!tpu.dma_semaphore, #tpu.memory_space<semaphore_mem>>) src(%dma_wait3A_102 : memref<10240x128xf32, #tpu.memory_space<hbm>>) dst(%arg13 : memref<128x128xf32, #tpu.memory_space<vmem>>)
      } else {
      }
      %eq3A_61 = arith.constant 1 : i32
      %eq3A_62 = arith.cmpi eq, %arg0, %eq3A_61 : i32
      %convert_element_type3A_63 = arith.extui %eq3A_62 : i1 to i32
      %cond3A_64 = arith.constant 0 : i32
      %cond3A_65 = arith.cmpi ne, %convert_element_type3A_63, %cond3A_64 : i32
      scf.if %cond3A_65 {
        %dma_start3A_97 = arith.constant 0 : i32
        %dma_start3A_98 = arith.constant 0 : i32
        %dma_start3A_99 = tpu.memref_slice %arg3[%dma_start3A_97, %dma_start3A_98] : memref<10240x128xf32, #tpu.memory_space<hbm>> -> memref<10240x128xf32, #tpu.memory_space<hbm>>
        tpu.enqueue_indirect_dma source(%dma_start3A_99 : memref<10240x128xf32, #tpu.memory_space<hbm>>) target(%arg13 : memref<128x128xf32, #tpu.memory_space<vmem>>) offsets(%arg9 : memref<128xi32, #tpu.memory_space<vmem>>) semaphore(%arg18 : memref<!tpu.dma_semaphore, #tpu.memory_space<semaphore_mem>>)
        %dma_wait3A_100 = arith.constant 0 : i32
        %dma_wait3A_101 = arith.constant 0 : i32
        %dma_wait3A_102 = tpu.memref_slice %arg3[%dma_wait3A_100, %dma_wait3A_101] : memref<10240x128xf32, #tpu.memory_space<hbm>> -> memref<10240x128xf32, #tpu.memory_space<hbm>>
        tpu.wait_indirect_dma semaphore(%arg18 : memref<!tpu.dma_semaphore, #tpu.memory_space<semaphore_mem>>) src(%dma_wait3A_102 : memref<10240x128xf32, #tpu.memory_space<hbm>>) dst(%arg13 : memref<128x128xf32, #tpu.memory_space<vmem>>)
      } else {
      }
      "tpu.region"() ({
        %run_scoped3A = tpu.sem_alloc : memref<!tpu.dma_semaphore, #tpu.memory_space<semaphore_mem>>
        %dma_start3A_97 = arith.constant 0 : i32
        %dma_start3A_98 = arith.constant 0 : i32
        %dma_start3A_99 = tpu.memref_slice %arg8[%dma_start3A_97, %dma_start3A_98] : memref<10240x128xf32, #tpu.memory_space<vmem_shared>> -> memref<10240x128xf32, #tpu.memory_space<vmem_shared>>
        tpu.enqueue_indirect_dma source(%arg13 : memref<128x128xf32, #tpu.memory_space<vmem>>) target(%dma_start3A_99 : memref<10240x128xf32, #tpu.memory_space<vmem_shared>>) offsets(%arg10 : memref<128xi32, #tpu.memory_space<vmem>>) semaphore(%run_scoped3A : memref<!tpu.dma_semaphore, #tpu.memory_space<semaphore_mem>>) {add = true}
        %dma_wait3A_100 = arith.constant 0 : i32
        %dma_wait3A_101 = arith.constant 0 : i32
        %dma_wait3A_102 = tpu.memref_slice %arg8[%dma_wait3A_100, %dma_wait3A_101] : memref<10240x128xf32, #tpu.memory_space<vmem_shared>> -> memref<10240x128xf32, #tpu.memory_space<vmem_shared>>
        tpu.wait_indirect_dma semaphore(%run_scoped3A : memref<!tpu.dma_semaphore, #tpu.memory_space<semaphore_mem>>) src(%arg13 : memref<128x128xf32, #tpu.memory_space<vmem>>) dst(%dma_wait3A_102 : memref<10240x128xf32, #tpu.memory_space<vmem_shared>>)
        tpu.yield
      }) : () -> ()
      %convert_element_type3A_66 = arith.extui %lt3A_52 : i1 to i32
      %cond3A_67 = arith.constant 0 : i32
      %cond3A_68 = arith.cmpi ne, %convert_element_type3A_66, %cond3A_67 : i32
      scf.if %cond3A_68 {
        %dma_start3A_97 = tpu.memref_slice %arg4[%add3A_47] : memref<323584xi32, #tpu.memory_space<hbm>> -> memref<128xi32, #tpu.memory_space<hbm>>
        %dma_start3A_98 = tpu.memref_slice %arg4[%add3A_47] : memref<323584xi32, #tpu.memory_space<hbm>> -> memref<128xi32, #tpu.memory_space<hbm>>
        tpu.enqueue_dma source(%dma_start3A_98 : memref<128xi32, #tpu.memory_space<hbm>>) target(%arg9 : memref<128xi32, #tpu.memory_space<vmem>>) target_semaphore(%arg14 : memref<!tpu.dma_semaphore, #tpu.memory_space<semaphore_mem>>)
        %dma_start3A_99 = tpu.memref_slice %arg5[%add3A_47] : memref<323584xi32, #tpu.memory_space<hbm>> -> memref<128xi32, #tpu.memory_space<hbm>>
        %dma_start3A_100 = tpu.memref_slice %arg5[%add3A_47] : memref<323584xi32, #tpu.memory_space<hbm>> -> memref<128xi32, #tpu.memory_space<hbm>>
        tpu.enqueue_dma source(%dma_start3A_100 : memref<128xi32, #tpu.memory_space<hbm>>) target(%arg10 : memref<128xi32, #tpu.memory_space<vmem>>) target_semaphore(%arg15 : memref<!tpu.dma_semaphore, #tpu.memory_space<semaphore_mem>>)
      } else {
      }
      %add3A_69 = arith.constant 128 : i32
      %add3A_70 = arith.addi %add3A_45, %add3A_69 : i32
      %add3A_71 = arith.constant 384 : i32
      %add3A_72 = arith.addi %add3A_45, %add3A_71 : i32
      %mul3A_73 = arith.constant 2 : i32
      %mul3A_74 = arith.muli %mul3A_73, %scan3A_39 : i32
      %add3A_75 = arith.constant 3 : i32
      %add3A_76 = arith.addi %mul3A_74, %add3A_75 : i32
      %lt3A_77 = arith.constant 158 : i32
      %lt3A_78 = arith.cmpi slt, %add3A_76, %lt3A_77 : i32
      %dma_wait3A_79 = tpu.memref_slice %arg4[%add3A_70] : memref<323584xi32, #tpu.memory_space<hbm>> -> memref<128xi32, #tpu.memory_space<hbm>>
      %dma_wait3A_80 = tpu.memref_slice %arg4[%add3A_70] : memref<323584xi32, #tpu.memory_space<hbm>> -> memref<128xi32, #tpu.memory_space<hbm>>
      tpu.wait_dma2 semaphore(%arg16 : memref<!tpu.dma_semaphore, #tpu.memory_space<semaphore_mem>>) src(%dma_wait3A_80 : memref<128xi32, #tpu.memory_space<hbm>>) dst(%arg11 : memref<128xi32, #tpu.memory_space<vmem>>)
      %dma_wait3A_81 = tpu.memref_slice %arg5[%add3A_70] : memref<323584xi32, #tpu.memory_space<hbm>> -> memref<128xi32, #tpu.memory_space<hbm>>
      %dma_wait3A_82 = tpu.memref_slice %arg5[%add3A_70] : memref<323584xi32, #tpu.memory_space<hbm>> -> memref<128xi32, #tpu.memory_space<hbm>>
      tpu.wait_dma2 semaphore(%arg17 : memref<!tpu.dma_semaphore, #tpu.memory_space<semaphore_mem>>) src(%dma_wait3A_82 : memref<128xi32, #tpu.memory_space<hbm>>) dst(%arg12 : memref<128xi32, #tpu.memory_space<vmem>>)
      %eq3A_83 = arith.constant 0 : i32
      %eq3A_84 = arith.cmpi eq, %arg0, %eq3A_83 : i32
      %convert_element_type3A_85 = arith.extui %eq3A_84 : i1 to i32
      %cond3A_86 = arith.constant 0 : i32
      %cond3A_87 = arith.cmpi ne, %convert_element_type3A_85, %cond3A_86 : i32
      scf.if %cond3A_87 {
        %dma_start3A_97 = arith.constant 0 : i32
        %dma_start3A_98 = arith.constant 0 : i32
        %dma_start3A_99 = tpu.memref_slice %arg2[%dma_start3A_97, %dma_start3A_98] : memref<10240x128xf32, #tpu.memory_space<hbm>> -> memref<10240x128xf32, #tpu.memory_space<hbm>>
        tpu.enqueue_indirect_dma source(%dma_start3A_99 : memref<10240x128xf32, #tpu.memory_space<hbm>>) target(%arg13 : memref<128x128xf32, #tpu.memory_space<vmem>>) offsets(%arg11 : memref<128xi32, #tpu.memory_space<vmem>>) semaphore(%arg18 : memref<!tpu.dma_semaphore, #tpu.memory_space<semaphore_mem>>)
        %dma_wait3A_100 = arith.constant 0 : i32
        %dma_wait3A_101 = arith.constant 0 : i32
        %dma_wait3A_102 = tpu.memref_slice %arg2[%dma_wait3A_100, %dma_wait3A_101] : memref<10240x128xf32, #tpu.memory_space<hbm>> -> memref<10240x128xf32, #tpu.memory_space<hbm>>
        tpu.wait_indirect_dma semaphore(%arg18 : memref<!tpu.dma_semaphore, #tpu.memory_space<semaphore_mem>>) src(%dma_wait3A_102 : memref<10240x128xf32, #tpu.memory_space<hbm>>) dst(%arg13 : memref<128x128xf32, #tpu.memory_space<vmem>>)
      } else {
      }
      %eq3A_88 = arith.constant 1 : i32
      %eq3A_89 = arith.cmpi eq, %arg0, %eq3A_88 : i32
      %convert_element_type3A_90 = arith.extui %eq3A_89 : i1 to i32
      %cond3A_91 = arith.constant 0 : i32
      %cond3A_92 = arith.cmpi ne, %convert_element_type3A_90, %cond3A_91 : i32
      scf.if %cond3A_92 {
        %dma_start3A_97 = arith.constant 0 : i32
        %dma_start3A_98 = arith.constant 0 : i32
        %dma_start3A_99 = tpu.memref_slice %arg3[%dma_start3A_97, %dma_start3A_98] : memref<10240x128xf32, #tpu.memory_space<hbm>> -> memref<10240x128xf32, #tpu.memory_space<hbm>>
        tpu.enqueue_indirect_dma source(%dma_start3A_99 : memref<10240x128xf32, #tpu.memory_space<hbm>>) target(%arg13 : memref<128x128xf32, #tpu.memory_space<vmem>>) offsets(%arg11 : memref<128xi32, #tpu.memory_space<vmem>>) semaphore(%arg18 : memref<!tpu.dma_semaphore, #tpu.memory_space<semaphore_mem>>)
        %dma_wait3A_100 = arith.constant 0 : i32
        %dma_wait3A_101 = arith.constant 0 : i32
        %dma_wait3A_102 = tpu.memref_slice %arg3[%dma_wait3A_100, %dma_wait3A_101] : memref<10240x128xf32, #tpu.memory_space<hbm>> -> memref<10240x128xf32, #tpu.memory_space<hbm>>
        tpu.wait_indirect_dma semaphore(%arg18 : memref<!tpu.dma_semaphore, #tpu.memory_space<semaphore_mem>>) src(%dma_wait3A_102 : memref<10240x128xf32, #tpu.memory_space<hbm>>) dst(%arg13 : memref<128x128xf32, #tpu.memory_space<vmem>>)
      } else {
      }
      "tpu.region"() ({
        %run_scoped3A = tpu.sem_alloc : memref<!tpu.dma_semaphore, #tpu.memory_space<semaphore_mem>>
        %dma_start3A_97 = arith.constant 0 : i32
        %dma_start3A_98 = arith.constant 0 : i32
        %dma_start3A_99 = tpu.memref_slice %arg8[%dma_start3A_97, %dma_start3A_98] : memref<10240x128xf32, #tpu.memory_space<vmem_shared>> -> memref<10240x128xf32, #tpu.memory_space<vmem_shared>>
        tpu.enqueue_indirect_dma source(%arg13 : memref<128x128xf32, #tpu.memory_space<vmem>>) target(%dma_start3A_99 : memref<10240x128xf32, #tpu.memory_space<vmem_shared>>) offsets(%arg12 : memref<128xi32, #tpu.memory_space<vmem>>) semaphore(%run_scoped3A : memref<!tpu.dma_semaphore, #tpu.memory_space<semaphore_mem>>) {add = true}
        %dma_wait3A_100 = arith.constant 0 : i32
        %dma_wait3A_101 = arith.constant 0 : i32
        %dma_wait3A_102 = tpu.memref_slice %arg8[%dma_wait3A_100, %dma_wait3A_101] : memref<10240x128xf32, #tpu.memory_space<vmem_shared>> -> memref<10240x128xf32, #tpu.memory_space<vmem_shared>>
        tpu.wait_indirect_dma semaphore(%run_scoped3A : memref<!tpu.dma_semaphore, #tpu.memory_space<semaphore_mem>>) src(%arg13 : memref<128x128xf32, #tpu.memory_space<vmem>>) dst(%dma_wait3A_102 : memref<10240x128xf32, #tpu.memory_space<vmem_shared>>)
        tpu.yield
      }) : () -> ()
      %convert_element_type3A_93 = arith.extui %lt3A_78 : i1 to i32
      %cond3A_94 = arith.constant 0 : i32
      %cond3A_95 = arith.cmpi ne, %convert_element_type3A_93, %cond3A_94 : i32
      scf.if %cond3A_95 {
        %dma_start3A_97 = tpu.memref_slice %arg4[%add3A_72] : memref<323584xi32, #tpu.memory_space<hbm>> -> memref<128xi32, #tpu.memory_space<hbm>>
        %dma_start3A_98 = tpu.memref_slice %arg4[%add3A_72] : memref<323584xi32, #tpu.memory_space<hbm>> -> memref<128xi32, #tpu.memory_space<hbm>>
        tpu.enqueue_dma source(%dma_start3A_98 : memref<128xi32, #tpu.memory_space<hbm>>) target(%arg11 : memref<128xi32, #tpu.memory_space<vmem>>) target_semaphore(%arg16 : memref<!tpu.dma_semaphore, #tpu.memory_space<semaphore_mem>>)
        %dma_start3A_99 = tpu.memref_slice %arg5[%add3A_72] : memref<323584xi32, #tpu.memory_space<hbm>> -> memref<128xi32, #tpu.memory_space<hbm>>
        %dma_start3A_100 = tpu.memref_slice %arg5[%add3A_72] : memref<323584xi32, #tpu.memory_space<hbm>> -> memref<128xi32, #tpu.memory_space<hbm>>
        tpu.enqueue_dma source(%dma_start3A_100 : memref<128xi32, #tpu.memory_space<hbm>>) target(%arg12 : memref<128xi32, #tpu.memory_space<vmem>>) target_semaphore(%arg17 : memref<!tpu.dma_semaphore, #tpu.memory_space<semaphore_mem>>)
      } else {
      }
      %scan3A_96 = arith.constant 0 : i32
      scf.yield %scan3A_96 : i32
    }
    %scan3A_27 = arith.constant 79 : i32
    %barrier3A_28 = arith.constant 0 : index
    tpu.barrier barrier_id(%barrier3A_28)
    %eq3A_29 = arith.constant 0 : i32
    %eq3A_30 = arith.cmpi eq, %arg0, %eq3A_29 : i32
    %convert_element_type3A_31 = arith.extui %eq3A_30 : i1 to i32
    %cond3A_32 = arith.constant 0 : i32
    %cond3A_33 = arith.cmpi ne, %convert_element_type3A_31, %cond3A_32 : i32
    scf.if %cond3A_33 {
      "tpu.region"() ({
        %run_scoped3A = tpu.sem_alloc : memref<!tpu.dma_semaphore, #tpu.memory_space<semaphore_mem>>
        %dma_start3A_39 = arith.constant 0 : i32
        %dma_start3A_40 = tpu.memref_slice %arg6[%mul3A_0, %dma_start3A_39] : memref<10240x128xf32, #tpu.memory_space<hbm>> -> memref<640x128xf32, #tpu.memory_space<hbm>>
        %dma_start3A_41 = arith.constant 0 : i32
        %dma_start3A_42 = tpu.memref_slice %arg8[%mul3A_0, %dma_start3A_41] : memref<10240x128xf32, #tpu.memory_space<vmem_shared>> -> memref<640x128xf32, #tpu.memory_space<vmem_shared>>
        tpu.enqueue_dma source(%dma_start3A_42 : memref<640x128xf32, #tpu.memory_space<vmem_shared>>) target(%dma_start3A_40 : memref<640x128xf32, #tpu.memory_space<hbm>>) target_semaphore(%run_scoped3A : memref<!tpu.dma_semaphore, #tpu.memory_space<semaphore_mem>>)
        %dma_wait3A = arith.constant 0 : i32
        %dma_wait3A_43 = tpu.memref_slice %arg6[%mul3A_0, %dma_wait3A] : memref<10240x128xf32, #tpu.memory_space<hbm>> -> memref<640x128xf32, #tpu.memory_space<hbm>>
        %dma_wait3A_44 = arith.constant 0 : i32
        %dma_wait3A_45 = tpu.memref_slice %arg8[%mul3A_0, %dma_wait3A_44] : memref<10240x128xf32, #tpu.memory_space<vmem_shared>> -> memref<640x128xf32, #tpu.memory_space<vmem_shared>>
        tpu.wait_dma2 semaphore(%run_scoped3A : memref<!tpu.dma_semaphore, #tpu.memory_space<semaphore_mem>>) src(%dma_wait3A_45 : memref<640x128xf32, #tpu.memory_space<vmem_shared>>) dst(%dma_wait3A_43 : memref<640x128xf32, #tpu.memory_space<hbm>>)
        tpu.yield
      }) : () -> ()
    } else {
    }
    %eq3A_34 = arith.constant 1 : i32
    %eq3A_35 = arith.cmpi eq, %arg0, %eq3A_34 : i32
    %convert_element_type3A_36 = arith.extui %eq3A_35 : i1 to i32
    %cond3A_37 = arith.constant 0 : i32
    %cond3A_38 = arith.cmpi ne, %convert_element_type3A_36, %cond3A_37 : i32
    scf.if %cond3A_38 {
      "tpu.region"() ({
        %run_scoped3A = tpu.sem_alloc : memref<!tpu.dma_semaphore, #tpu.memory_space<semaphore_mem>>
        %dma_start3A_39 = arith.constant 0 : i32
        %dma_start3A_40 = tpu.memref_slice %arg7[%mul3A_0, %dma_start3A_39] : memref<10240x128xf32, #tpu.memory_space<hbm>> -> memref<640x128xf32, #tpu.memory_space<hbm>>
        %dma_start3A_41 = arith.constant 0 : i32
        %dma_start3A_42 = tpu.memref_slice %arg8[%mul3A_0, %dma_start3A_41] : memref<10240x128xf32, #tpu.memory_space<vmem_shared>> -> memref<640x128xf32, #tpu.memory_space<vmem_shared>>
        tpu.enqueue_dma source(%dma_start3A_42 : memref<640x128xf32, #tpu.memory_space<vmem_shared>>) target(%dma_start3A_40 : memref<640x128xf32, #tpu.memory_space<hbm>>) target_semaphore(%run_scoped3A : memref<!tpu.dma_semaphore, #tpu.memory_space<semaphore_mem>>)
        %dma_wait3A = arith.constant 0 : i32
        %dma_wait3A_43 = tpu.memref_slice %arg7[%mul3A_0, %dma_wait3A] : memref<10240x128xf32, #tpu.memory_space<hbm>> -> memref<640x128xf32, #tpu.memory_space<hbm>>
        %dma_wait3A_44 = arith.constant 0 : i32
        %dma_wait3A_45 = tpu.memref_slice %arg8[%mul3A_0, %dma_wait3A_44] : memref<10240x128xf32, #tpu.memory_space<vmem_shared>> -> memref<640x128xf32, #tpu.memory_space<vmem_shared>>
        tpu.wait_dma2 semaphore(%run_scoped3A : memref<!tpu.dma_semaphore, #tpu.memory_space<semaphore_mem>>) src(%dma_wait3A_45 : memref<640x128xf32, #tpu.memory_space<vmem_shared>>) dst(%dma_wait3A_43 : memref<640x128xf32, #tpu.memory_space<hbm>>)
        tpu.yield
      }) : () -> ()
    } else {
    }
    return
  }
}

#map = affine_map<(d0, d1) -> (0, 0)>
#map1 = affine_map<(d0, d1) -> (0)>
module attributes {stable_mosaic.version = 14 : i64} {
  func.func @_spmm_fsplit(%arg0: i32, %arg1: i32, %arg2: memref<10240x128xf32, #tpu.memory_space<hbm>>, %arg3: memref<10240x128xf32, #tpu.memory_space<hbm>>, %arg4: memref<323584xi32, #tpu.memory_space<hbm>>, %arg5: memref<323584xi32, #tpu.memory_space<hbm>>, %arg6: memref<10240x128xf32, #tpu.memory_space<hbm>>, %arg7: memref<10240x128xf32, #tpu.memory_space<hbm>>, %arg8: memref<10240x128xf32, #tpu.memory_space<vmem_shared>>, %arg9: memref<128xi32, #tpu.memory_space<vmem>>, %arg10: memref<128xi32, #tpu.memory_space<vmem>>, %arg11: memref<128xi32, #tpu.memory_space<vmem>>, %arg12: memref<128xi32, #tpu.memory_space<vmem>>, %arg13: memref<128x128xf32, #tpu.memory_space<vmem>>, %arg14: memref<!tpu.dma_semaphore, #tpu.memory_space<semaphore_mem>>, %arg15: memref<!tpu.dma_semaphore, #tpu.memory_space<semaphore_mem>>, %arg16: memref<!tpu.dma_semaphore, #tpu.memory_space<semaphore_mem>>, %arg17: memref<!tpu.dma_semaphore, #tpu.memory_space<semaphore_mem>>, %arg18: memref<!tpu.dma_semaphore, #tpu.memory_space<semaphore_mem>>) attributes {dimension_semantics = [#tpu.dimension_semantics<core_parallel>, #tpu.dimension_semantics<subcore_parallel>], iteration_bounds = array<i64: 2, 16>, scalar_prefetch = 0 : i64, scratch_operands = 11 : i64, tpu.core_type = #tpu.core_type<sc_vector_subcore>, window_params = [{transform_indices = #map}, {transform_indices = #map}, {transform_indices = #map1}, {transform_indices = #map1}, {transform_indices = #map}, {transform_indices = #map}]} {
    %mul3A = arith.constant 640 : i32
    %mul3A_0 = arith.muli %arg1, %mul3A : i32
    %mul3A_1 = arith.constant 158 : i32
    %mul3A_2 = arith.muli %arg1, %mul3A_1 : i32
    %mul3A_3 = arith.constant 128 : i32
    %mul3A_4 = arith.muli %mul3A_2, %mul3A_3 : i32
    %dma_start3A = tpu.memref_slice %arg4[%mul3A_4] : memref<323584xi32, #tpu.memory_space<hbm>> -> memref<128xi32, #tpu.memory_space<hbm>>
    %dma_start3A_5 = tpu.memref_slice %arg4[%mul3A_4] : memref<323584xi32, #tpu.memory_space<hbm>> -> memref<128xi32, #tpu.memory_space<hbm>>
    tpu.enqueue_dma source(%dma_start3A_5 : memref<128xi32, #tpu.memory_space<hbm>>) target(%arg9 : memref<128xi32, #tpu.memory_space<vmem>>) target_semaphore(%arg14 : memref<!tpu.dma_semaphore, #tpu.memory_space<semaphore_mem>>)
    %dma_start3A_6 = tpu.memref_slice %arg5[%mul3A_4] : memref<323584xi32, #tpu.memory_space<hbm>> -> memref<128xi32, #tpu.memory_space<hbm>>
    %dma_start3A_7 = tpu.memref_slice %arg5[%mul3A_4] : memref<323584xi32, #tpu.memory_space<hbm>> -> memref<128xi32, #tpu.memory_space<hbm>>
    tpu.enqueue_dma source(%dma_start3A_7 : memref<128xi32, #tpu.memory_space<hbm>>) target(%arg10 : memref<128xi32, #tpu.memory_space<vmem>>) target_semaphore(%arg15 : memref<!tpu.dma_semaphore, #tpu.memory_space<semaphore_mem>>)
    %add3A = arith.constant 128 : i32
    %add3A_8 = arith.addi %mul3A_4, %add3A : i32
    %dma_start3A_9 = tpu.memref_slice %arg4[%add3A_8] : memref<323584xi32, #tpu.memory_space<hbm>> -> memref<128xi32, #tpu.memory_space<hbm>>
    %dma_start3A_10 = tpu.memref_slice %arg4[%add3A_8] : memref<323584xi32, #tpu.memory_space<hbm>> -> memref<128xi32, #tpu.memory_space<hbm>>
    tpu.enqueue_dma source(%dma_start3A_10 : memref<128xi32, #tpu.memory_space<hbm>>) target(%arg11 : memref<128xi32, #tpu.memory_space<vmem>>) target_semaphore(%arg16 : memref<!tpu.dma_semaphore, #tpu.memory_space<semaphore_mem>>)
    %add3A_11 = arith.constant 128 : i32
    %add3A_12 = arith.addi %mul3A_4, %add3A_11 : i32
    %dma_start3A_13 = tpu.memref_slice %arg5[%add3A_12] : memref<323584xi32, #tpu.memory_space<hbm>> -> memref<128xi32, #tpu.memory_space<hbm>>
    %dma_start3A_14 = tpu.memref_slice %arg5[%add3A_12] : memref<323584xi32, #tpu.memory_space<hbm>> -> memref<128xi32, #tpu.memory_space<hbm>>
    tpu.enqueue_dma source(%dma_start3A_14 : memref<128xi32, #tpu.memory_space<hbm>>) target(%arg12 : memref<128xi32, #tpu.memory_space<vmem>>) target_semaphore(%arg17 : memref<!tpu.dma_semaphore, #tpu.memory_space<semaphore_mem>>)
    %eq3A = arith.constant 0 : i32
    %eq3A_15 = arith.cmpi eq, %arg0, %eq3A : i32
    %convert_element_type3A = arith.extui %eq3A_15 : i1 to i32
    %cond3A = arith.constant 0 : i32
    %cond3A_16 = arith.cmpi ne, %convert_element_type3A, %cond3A : i32
    scf.if %cond3A_16 {
      "tpu.region"() ({
        %run_scoped3A = tpu.sem_alloc : memref<!tpu.dma_semaphore, #tpu.memory_space<semaphore_mem>>
        %dma_start3A_39 = arith.constant 0 : i32
        %dma_start3A_40 = tpu.memref_slice %arg8[%mul3A_0, %dma_start3A_39] : memref<10240x128xf32, #tpu.memory_space<vmem_shared>> -> memref<640x128xf32, #tpu.memory_space<vmem_shared>>
        %dma_start3A_41 = arith.constant 0 : i32
        %dma_start3A_42 = tpu.memref_slice %arg2[%mul3A_0, %dma_start3A_41] : memref<10240x128xf32, #tpu.memory_space<hbm>> -> memref<640x128xf32, #tpu.memory_space<hbm>>
        tpu.enqueue_dma source(%dma_start3A_42 : memref<640x128xf32, #tpu.memory_space<hbm>>) target(%dma_start3A_40 : memref<640x128xf32, #tpu.memory_space<vmem_shared>>) target_semaphore(%run_scoped3A : memref<!tpu.dma_semaphore, #tpu.memory_space<semaphore_mem>>)
        %dma_wait3A = arith.constant 0 : i32
        %dma_wait3A_43 = tpu.memref_slice %arg8[%mul3A_0, %dma_wait3A] : memref<10240x128xf32, #tpu.memory_space<vmem_shared>> -> memref<640x128xf32, #tpu.memory_space<vmem_shared>>
        %dma_wait3A_44 = arith.constant 0 : i32
        %dma_wait3A_45 = tpu.memref_slice %arg2[%mul3A_0, %dma_wait3A_44] : memref<10240x128xf32, #tpu.memory_space<hbm>> -> memref<640x128xf32, #tpu.memory_space<hbm>>
        tpu.wait_dma2 semaphore(%run_scoped3A : memref<!tpu.dma_semaphore, #tpu.memory_space<semaphore_mem>>) src(%dma_wait3A_45 : memref<640x128xf32, #tpu.memory_space<hbm>>) dst(%dma_wait3A_43 : memref<640x128xf32, #tpu.memory_space<vmem_shared>>)
        tpu.yield
      }) : () -> ()
    } else {
    }
    %eq3A_17 = arith.constant 1 : i32
    %eq3A_18 = arith.cmpi eq, %arg0, %eq3A_17 : i32
    %convert_element_type3A_19 = arith.extui %eq3A_18 : i1 to i32
    %cond3A_20 = arith.constant 0 : i32
    %cond3A_21 = arith.cmpi ne, %convert_element_type3A_19, %cond3A_20 : i32
    scf.if %cond3A_21 {
      "tpu.region"() ({
        %run_scoped3A = tpu.sem_alloc : memref<!tpu.dma_semaphore, #tpu.memory_space<semaphore_mem>>
        %dma_start3A_39 = arith.constant 0 : i32
        %dma_start3A_40 = tpu.memref_slice %arg8[%mul3A_0, %dma_start3A_39] : memref<10240x128xf32, #tpu.memory_space<vmem_shared>> -> memref<640x128xf32, #tpu.memory_space<vmem_shared>>
        %dma_start3A_41 = arith.constant 0 : i32
        %dma_start3A_42 = tpu.memref_slice %arg3[%mul3A_0, %dma_start3A_41] : memref<10240x128xf32, #tpu.memory_space<hbm>> -> memref<640x128xf32, #tpu.memory_space<hbm>>
        tpu.enqueue_dma source(%dma_start3A_42 : memref<640x128xf32, #tpu.memory_space<hbm>>) target(%dma_start3A_40 : memref<640x128xf32, #tpu.memory_space<vmem_shared>>) target_semaphore(%run_scoped3A : memref<!tpu.dma_semaphore, #tpu.memory_space<semaphore_mem>>)
        %dma_wait3A = arith.constant 0 : i32
        %dma_wait3A_43 = tpu.memref_slice %arg8[%mul3A_0, %dma_wait3A] : memref<10240x128xf32, #tpu.memory_space<vmem_shared>> -> memref<640x128xf32, #tpu.memory_space<vmem_shared>>
        %dma_wait3A_44 = arith.constant 0 : i32
        %dma_wait3A_45 = tpu.memref_slice %arg3[%mul3A_0, %dma_wait3A_44] : memref<10240x128xf32, #tpu.memory_space<hbm>> -> memref<640x128xf32, #tpu.memory_space<hbm>>
        tpu.wait_dma2 semaphore(%run_scoped3A : memref<!tpu.dma_semaphore, #tpu.memory_space<semaphore_mem>>) src(%dma_wait3A_45 : memref<640x128xf32, #tpu.memory_space<hbm>>) dst(%dma_wait3A_43 : memref<640x128xf32, #tpu.memory_space<vmem_shared>>)
        tpu.yield
      }) : () -> ()
    } else {
    }
    %barrier3A = arith.constant 0 : index
    tpu.barrier barrier_id(%barrier3A)
    %scan3A = arith.constant 0 : i32
    %scan3A_22 = arith.constant 0 : i32
    %scan3A_23 = arith.constant 79 : i32
    %scan3A_24 = arith.addi %scan3A_22, %scan3A_23 : i32
    %scan3A_25 = arith.constant 1 : i32
    %scan3A_26 = scf.for %scan3A_39 = %scan3A_22 to %scan3A_24 step %scan3A_25 iter_args(%scan3A_40 = %scan3A) -> (i32)  : i32 {
      %mul3A_41 = arith.constant 2 : i32
      %mul3A_42 = arith.muli %mul3A_41, %scan3A_39 : i32
      %mul3A_43 = arith.constant 128 : i32
      %mul3A_44 = arith.muli %mul3A_42, %mul3A_43 : i32
      %add3A_45 = arith.addi %mul3A_4, %mul3A_44 : i32
      %add3A_46 = arith.constant 256 : i32
      %add3A_47 = arith.addi %add3A_45, %add3A_46 : i32
      %mul3A_48 = arith.constant 2 : i32
      %mul3A_49 = arith.muli %mul3A_48, %scan3A_39 : i32
      %add3A_50 = arith.constant 2 : i32
      %add3A_51 = arith.addi %mul3A_49, %add3A_50 : i32
      %lt3A = arith.constant 158 : i32
      %lt3A_52 = arith.cmpi slt, %add3A_51, %lt3A : i32
      %dma_wait3A = tpu.memref_slice %arg4[%add3A_45] : memref<323584xi32, #tpu.memory_space<hbm>> -> memref<128xi32, #tpu.memory_space<hbm>>
      %dma_wait3A_53 = tpu.memref_slice %arg4[%add3A_45] : memref<323584xi32, #tpu.memory_space<hbm>> -> memref<128xi32, #tpu.memory_space<hbm>>
      tpu.wait_dma2 semaphore(%arg14 : memref<!tpu.dma_semaphore, #tpu.memory_space<semaphore_mem>>) src(%dma_wait3A_53 : memref<128xi32, #tpu.memory_space<hbm>>) dst(%arg9 : memref<128xi32, #tpu.memory_space<vmem>>)
      %dma_wait3A_54 = tpu.memref_slice %arg5[%add3A_45] : memref<323584xi32, #tpu.memory_space<hbm>> -> memref<128xi32, #tpu.memory_space<hbm>>
      %dma_wait3A_55 = tpu.memref_slice %arg5[%add3A_45] : memref<323584xi32, #tpu.memory_space<hbm>> -> memref<128xi32, #tpu.memory_space<hbm>>
      tpu.wait_dma2 semaphore(%arg15 : memref<!tpu.dma_semaphore, #tpu.memory_space<semaphore_mem>>) src(%dma_wait3A_55 : memref<128xi32, #tpu.memory_space<hbm>>) dst(%arg10 : memref<128xi32, #tpu.memory_space<vmem>>)
      %eq3A_56 = arith.constant 0 : i32
      %eq3A_57 = arith.cmpi eq, %arg0, %eq3A_56 : i32
      %convert_element_type3A_58 = arith.extui %eq3A_57 : i1 to i32
      %cond3A_59 = arith.constant 0 : i32
      %cond3A_60 = arith.cmpi ne, %convert_element_type3A_58, %cond3A_59 : i32
      scf.if %cond3A_60 {
        %dma_start3A_97 = arith.constant 0 : i32
        %dma_start3A_98 = arith.constant 0 : i32
        %dma_start3A_99 = tpu.memref_slice %arg2[%dma_start3A_97, %dma_start3A_98] : memref<10240x128xf32, #tpu.memory_space<hbm>> -> memref<10240x128xf32, #tpu.memory_space<hbm>>
        tpu.enqueue_indirect_dma source(%dma_start3A_99 : memref<10240x128xf32, #tpu.memory_space<hbm>>) target(%arg13 : memref<128x128xf32, #tpu.memory_space<vmem>>) offsets(%arg9 : memref<128xi32, #tpu.memory_space<vmem>>) semaphore(%arg18 : memref<!tpu.dma_semaphore, #tpu.memory_space<semaphore_mem>>)
        %dma_wait3A_100 = arith.constant 0 : i32
        %dma_wait3A_101 = arith.constant 0 : i32
        %dma_wait3A_102 = tpu.memref_slice %arg2[%dma_wait3A_100, %dma_wait3A_101] : memref<10240x128xf32, #tpu.memory_space<hbm>> -> memref<10240x128xf32, #tpu.memory_space<hbm>>
        tpu.wait_indirect_dma semaphore(%arg18 : memref<!tpu.dma_semaphore, #tpu.memory_space<semaphore_mem>>) src(%dma_wait3A_102 : memref<10240x128xf32, #tpu.memory_space<hbm>>) dst(%arg13 : memref<128x128xf32, #tpu.memory_space<vmem>>)
      } else {
      }
      %eq3A_61 = arith.constant 1 : i32
      %eq3A_62 = arith.cmpi eq, %arg0, %eq3A_61 : i32
      %convert_element_type3A_63 = arith.extui %eq3A_62 : i1 to i32
      %cond3A_64 = arith.constant 0 : i32
      %cond3A_65 = arith.cmpi ne, %convert_element_type3A_63, %cond3A_64 : i32
      scf.if %cond3A_65 {
        %dma_start3A_97 = arith.constant 0 : i32
        %dma_start3A_98 = arith.constant 0 : i32
        %dma_start3A_99 = tpu.memref_slice %arg3[%dma_start3A_97, %dma_start3A_98] : memref<10240x128xf32, #tpu.memory_space<hbm>> -> memref<10240x128xf32, #tpu.memory_space<hbm>>
        tpu.enqueue_indirect_dma source(%dma_start3A_99 : memref<10240x128xf32, #tpu.memory_space<hbm>>) target(%arg13 : memref<128x128xf32, #tpu.memory_space<vmem>>) offsets(%arg9 : memref<128xi32, #tpu.memory_space<vmem>>) semaphore(%arg18 : memref<!tpu.dma_semaphore, #tpu.memory_space<semaphore_mem>>)
        %dma_wait3A_100 = arith.constant 0 : i32
        %dma_wait3A_101 = arith.constant 0 : i32
        %dma_wait3A_102 = tpu.memref_slice %arg3[%dma_wait3A_100, %dma_wait3A_101] : memref<10240x128xf32, #tpu.memory_space<hbm>> -> memref<10240x128xf32, #tpu.memory_space<hbm>>
        tpu.wait_indirect_dma semaphore(%arg18 : memref<!tpu.dma_semaphore, #tpu.memory_space<semaphore_mem>>) src(%dma_wait3A_102 : memref<10240x128xf32, #tpu.memory_space<hbm>>) dst(%arg13 : memref<128x128xf32, #tpu.memory_space<vmem>>)
      } else {
      }
      "tpu.region"() ({
        %run_scoped3A = tpu.sem_alloc : memref<!tpu.dma_semaphore, #tpu.memory_space<semaphore_mem>>
        %dma_start3A_97 = arith.constant 0 : i32
        %dma_start3A_98 = arith.constant 0 : i32
        %dma_start3A_99 = tpu.memref_slice %arg8[%dma_start3A_97, %dma_start3A_98] : memref<10240x128xf32, #tpu.memory_space<vmem_shared>> -> memref<10240x128xf32, #tpu.memory_space<vmem_shared>>
        tpu.enqueue_indirect_dma source(%arg13 : memref<128x128xf32, #tpu.memory_space<vmem>>) target(%dma_start3A_99 : memref<10240x128xf32, #tpu.memory_space<vmem_shared>>) offsets(%arg10 : memref<128xi32, #tpu.memory_space<vmem>>) semaphore(%run_scoped3A : memref<!tpu.dma_semaphore, #tpu.memory_space<semaphore_mem>>) {add = true}
        %dma_wait3A_100 = arith.constant 0 : i32
        %dma_wait3A_101 = arith.constant 0 : i32
        %dma_wait3A_102 = tpu.memref_slice %arg8[%dma_wait3A_100, %dma_wait3A_101] : memref<10240x128xf32, #tpu.memory_space<vmem_shared>> -> memref<10240x128xf32, #tpu.memory_space<vmem_shared>>
        tpu.wait_indirect_dma semaphore(%run_scoped3A : memref<!tpu.dma_semaphore, #tpu.memory_space<semaphore_mem>>) src(%arg13 : memref<128x128xf32, #tpu.memory_space<vmem>>) dst(%dma_wait3A_102 : memref<10240x128xf32, #tpu.memory_space<vmem_shared>>)
        tpu.yield
      }) : () -> ()
      %convert_element_type3A_66 = arith.extui %lt3A_52 : i1 to i32
      %cond3A_67 = arith.constant 0 : i32
      %cond3A_68 = arith.cmpi ne, %convert_element_type3A_66, %cond3A_67 : i32
      scf.if %cond3A_68 {
        %dma_start3A_97 = tpu.memref_slice %arg4[%add3A_47] : memref<323584xi32, #tpu.memory_space<hbm>> -> memref<128xi32, #tpu.memory_space<hbm>>
        %dma_start3A_98 = tpu.memref_slice %arg4[%add3A_47] : memref<323584xi32, #tpu.memory_space<hbm>> -> memref<128xi32, #tpu.memory_space<hbm>>
        tpu.enqueue_dma source(%dma_start3A_98 : memref<128xi32, #tpu.memory_space<hbm>>) target(%arg9 : memref<128xi32, #tpu.memory_space<vmem>>) target_semaphore(%arg14 : memref<!tpu.dma_semaphore, #tpu.memory_space<semaphore_mem>>)
        %dma_start3A_99 = tpu.memref_slice %arg5[%add3A_47] : memref<323584xi32, #tpu.memory_space<hbm>> -> memref<128xi32, #tpu.memory_space<hbm>>
        %dma_start3A_100 = tpu.memref_slice %arg5[%add3A_47] : memref<323584xi32, #tpu.memory_space<hbm>> -> memref<128xi32, #tpu.memory_space<hbm>>
        tpu.enqueue_dma source(%dma_start3A_100 : memref<128xi32, #tpu.memory_space<hbm>>) target(%arg10 : memref<128xi32, #tpu.memory_space<vmem>>) target_semaphore(%arg15 : memref<!tpu.dma_semaphore, #tpu.memory_space<semaphore_mem>>)
      } else {
      }
      %add3A_69 = arith.constant 128 : i32
      %add3A_70 = arith.addi %add3A_45, %add3A_69 : i32
      %add3A_71 = arith.constant 384 : i32
      %add3A_72 = arith.addi %add3A_45, %add3A_71 : i32
      %mul3A_73 = arith.constant 2 : i32
      %mul3A_74 = arith.muli %mul3A_73, %scan3A_39 : i32
      %add3A_75 = arith.constant 3 : i32
      %add3A_76 = arith.addi %mul3A_74, %add3A_75 : i32
      %lt3A_77 = arith.constant 158 : i32
      %lt3A_78 = arith.cmpi slt, %add3A_76, %lt3A_77 : i32
      %dma_wait3A_79 = tpu.memref_slice %arg4[%add3A_70] : memref<323584xi32, #tpu.memory_space<hbm>> -> memref<128xi32, #tpu.memory_space<hbm>>
      %dma_wait3A_80 = tpu.memref_slice %arg4[%add3A_70] : memref<323584xi32, #tpu.memory_space<hbm>> -> memref<128xi32, #tpu.memory_space<hbm>>
      tpu.wait_dma2 semaphore(%arg16 : memref<!tpu.dma_semaphore, #tpu.memory_space<semaphore_mem>>) src(%dma_wait3A_80 : memref<128xi32, #tpu.memory_space<hbm>>) dst(%arg11 : memref<128xi32, #tpu.memory_space<vmem>>)
      %dma_wait3A_81 = tpu.memref_slice %arg5[%add3A_70] : memref<323584xi32, #tpu.memory_space<hbm>> -> memref<128xi32, #tpu.memory_space<hbm>>
      %dma_wait3A_82 = tpu.memref_slice %arg5[%add3A_70] : memref<323584xi32, #tpu.memory_space<hbm>> -> memref<128xi32, #tpu.memory_space<hbm>>
      tpu.wait_dma2 semaphore(%arg17 : memref<!tpu.dma_semaphore, #tpu.memory_space<semaphore_mem>>) src(%dma_wait3A_82 : memref<128xi32, #tpu.memory_space<hbm>>) dst(%arg12 : memref<128xi32, #tpu.memory_space<vmem>>)
      %eq3A_83 = arith.constant 0 : i32
      %eq3A_84 = arith.cmpi eq, %arg0, %eq3A_83 : i32
      %convert_element_type3A_85 = arith.extui %eq3A_84 : i1 to i32
      %cond3A_86 = arith.constant 0 : i32
      %cond3A_87 = arith.cmpi ne, %convert_element_type3A_85, %cond3A_86 : i32
      scf.if %cond3A_87 {
        %dma_start3A_97 = arith.constant 0 : i32
        %dma_start3A_98 = arith.constant 0 : i32
        %dma_start3A_99 = tpu.memref_slice %arg2[%dma_start3A_97, %dma_start3A_98] : memref<10240x128xf32, #tpu.memory_space<hbm>> -> memref<10240x128xf32, #tpu.memory_space<hbm>>
        tpu.enqueue_indirect_dma source(%dma_start3A_99 : memref<10240x128xf32, #tpu.memory_space<hbm>>) target(%arg13 : memref<128x128xf32, #tpu.memory_space<vmem>>) offsets(%arg11 : memref<128xi32, #tpu.memory_space<vmem>>) semaphore(%arg18 : memref<!tpu.dma_semaphore, #tpu.memory_space<semaphore_mem>>)
        %dma_wait3A_100 = arith.constant 0 : i32
        %dma_wait3A_101 = arith.constant 0 : i32
        %dma_wait3A_102 = tpu.memref_slice %arg2[%dma_wait3A_100, %dma_wait3A_101] : memref<10240x128xf32, #tpu.memory_space<hbm>> -> memref<10240x128xf32, #tpu.memory_space<hbm>>
        tpu.wait_indirect_dma semaphore(%arg18 : memref<!tpu.dma_semaphore, #tpu.memory_space<semaphore_mem>>) src(%dma_wait3A_102 : memref<10240x128xf32, #tpu.memory_space<hbm>>) dst(%arg13 : memref<128x128xf32, #tpu.memory_space<vmem>>)
      } else {
      }
      %eq3A_88 = arith.constant 1 : i32
      %eq3A_89 = arith.cmpi eq, %arg0, %eq3A_88 : i32
      %convert_element_type3A_90 = arith.extui %eq3A_89 : i1 to i32
      %cond3A_91 = arith.constant 0 : i32
      %cond3A_92 = arith.cmpi ne, %convert_element_type3A_90, %cond3A_91 : i32
      scf.if %cond3A_92 {
        %dma_start3A_97 = arith.constant 0 : i32
        %dma_start3A_98 = arith.constant 0 : i32
        %dma_start3A_99 = tpu.memref_slice %arg3[%dma_start3A_97, %dma_start3A_98] : memref<10240x128xf32, #tpu.memory_space<hbm>> -> memref<10240x128xf32, #tpu.memory_space<hbm>>
        tpu.enqueue_indirect_dma source(%dma_start3A_99 : memref<10240x128xf32, #tpu.memory_space<hbm>>) target(%arg13 : memref<128x128xf32, #tpu.memory_space<vmem>>) offsets(%arg11 : memref<128xi32, #tpu.memory_space<vmem>>) semaphore(%arg18 : memref<!tpu.dma_semaphore, #tpu.memory_space<semaphore_mem>>)
        %dma_wait3A_100 = arith.constant 0 : i32
        %dma_wait3A_101 = arith.constant 0 : i32
        %dma_wait3A_102 = tpu.memref_slice %arg3[%dma_wait3A_100, %dma_wait3A_101] : memref<10240x128xf32, #tpu.memory_space<hbm>> -> memref<10240x128xf32, #tpu.memory_space<hbm>>
        tpu.wait_indirect_dma semaphore(%arg18 : memref<!tpu.dma_semaphore, #tpu.memory_space<semaphore_mem>>) src(%dma_wait3A_102 : memref<10240x128xf32, #tpu.memory_space<hbm>>) dst(%arg13 : memref<128x128xf32, #tpu.memory_space<vmem>>)
      } else {
      }
      "tpu.region"() ({
        %run_scoped3A = tpu.sem_alloc : memref<!tpu.dma_semaphore, #tpu.memory_space<semaphore_mem>>
        %dma_start3A_97 = arith.constant 0 : i32
        %dma_start3A_98 = arith.constant 0 : i32
        %dma_start3A_99 = tpu.memref_slice %arg8[%dma_start3A_97, %dma_start3A_98] : memref<10240x128xf32, #tpu.memory_space<vmem_shared>> -> memref<10240x128xf32, #tpu.memory_space<vmem_shared>>
        tpu.enqueue_indirect_dma source(%arg13 : memref<128x128xf32, #tpu.memory_space<vmem>>) target(%dma_start3A_99 : memref<10240x128xf32, #tpu.memory_space<vmem_shared>>) offsets(%arg12 : memref<128xi32, #tpu.memory_space<vmem>>) semaphore(%run_scoped3A : memref<!tpu.dma_semaphore, #tpu.memory_space<semaphore_mem>>) {add = true}
        %dma_wait3A_100 = arith.constant 0 : i32
        %dma_wait3A_101 = arith.constant 0 : i32
        %dma_wait3A_102 = tpu.memref_slice %arg8[%dma_wait3A_100, %dma_wait3A_101] : memref<10240x128xf32, #tpu.memory_space<vmem_shared>> -> memref<10240x128xf32, #tpu.memory_space<vmem_shared>>
        tpu.wait_indirect_dma semaphore(%run_scoped3A : memref<!tpu.dma_semaphore, #tpu.memory_space<semaphore_mem>>) src(%arg13 : memref<128x128xf32, #tpu.memory_space<vmem>>) dst(%dma_wait3A_102 : memref<10240x128xf32, #tpu.memory_space<vmem_shared>>)
        tpu.yield
      }) : () -> ()
      %convert_element_type3A_93 = arith.extui %lt3A_78 : i1 to i32
      %cond3A_94 = arith.constant 0 : i32
      %cond3A_95 = arith.cmpi ne, %convert_element_type3A_93, %cond3A_94 : i32
      scf.if %cond3A_95 {
        %dma_start3A_97 = tpu.memref_slice %arg4[%add3A_72] : memref<323584xi32, #tpu.memory_space<hbm>> -> memref<128xi32, #tpu.memory_space<hbm>>
        %dma_start3A_98 = tpu.memref_slice %arg4[%add3A_72] : memref<323584xi32, #tpu.memory_space<hbm>> -> memref<128xi32, #tpu.memory_space<hbm>>
        tpu.enqueue_dma source(%dma_start3A_98 : memref<128xi32, #tpu.memory_space<hbm>>) target(%arg11 : memref<128xi32, #tpu.memory_space<vmem>>) target_semaphore(%arg16 : memref<!tpu.dma_semaphore, #tpu.memory_space<semaphore_mem>>)
        %dma_start3A_99 = tpu.memref_slice %arg5[%add3A_72] : memref<323584xi32, #tpu.memory_space<hbm>> -> memref<128xi32, #tpu.memory_space<hbm>>
        %dma_start3A_100 = tpu.memref_slice %arg5[%add3A_72] : memref<323584xi32, #tpu.memory_space<hbm>> -> memref<128xi32, #tpu.memory_space<hbm>>
        tpu.enqueue_dma source(%dma_start3A_100 : memref<128xi32, #tpu.memory_space<hbm>>) target(%arg12 : memref<128xi32, #tpu.memory_space<vmem>>) target_semaphore(%arg17 : memref<!tpu.dma_semaphore, #tpu.memory_space<semaphore_mem>>)
      } else {
      }
      %scan3A_96 = arith.constant 0 : i32
      scf.yield %scan3A_96 : i32
    }
    %scan3A_27 = arith.constant 79 : i32
    %barrier3A_28 = arith.constant 0 : index
    tpu.barrier barrier_id(%barrier3A_28)
    %eq3A_29 = arith.constant 0 : i32
    %eq3A_30 = arith.cmpi eq, %arg0, %eq3A_29 : i32
    %convert_element_type3A_31 = arith.extui %eq3A_30 : i1 to i32
    %cond3A_32 = arith.constant 0 : i32
    %cond3A_33 = arith.cmpi ne, %convert_element_type3A_31, %cond3A_32 : i32
    scf.if %cond3A_33 {
      "tpu.region"() ({
        %run_scoped3A = tpu.sem_alloc : memref<!tpu.dma_semaphore, #tpu.memory_space<semaphore_mem>>
        %dma_start3A_39 = arith.constant 0 : i32
        %dma_start3A_40 = tpu.memref_slice %arg6[%mul3A_0, %dma_start3A_39] : memref<10240x128xf32, #tpu.memory_space<hbm>> -> memref<640x128xf32, #tpu.memory_space<hbm>>
        %dma_start3A_41 = arith.constant 0 : i32
        %dma_start3A_42 = tpu.memref_slice %arg8[%mul3A_0, %dma_start3A_41] : memref<10240x128xf32, #tpu.memory_space<vmem_shared>> -> memref<640x128xf32, #tpu.memory_space<vmem_shared>>
        tpu.enqueue_dma source(%dma_start3A_42 : memref<640x128xf32, #tpu.memory_space<vmem_shared>>) target(%dma_start3A_40 : memref<640x128xf32, #tpu.memory_space<hbm>>) target_semaphore(%run_scoped3A : memref<!tpu.dma_semaphore, #tpu.memory_space<semaphore_mem>>)
        %dma_wait3A = arith.constant 0 : i32
        %dma_wait3A_43 = tpu.memref_slice %arg6[%mul3A_0, %dma_wait3A] : memref<10240x128xf32, #tpu.memory_space<hbm>> -> memref<640x128xf32, #tpu.memory_space<hbm>>
        %dma_wait3A_44 = arith.constant 0 : i32
        %dma_wait3A_45 = tpu.memref_slice %arg8[%mul3A_0, %dma_wait3A_44] : memref<10240x128xf32, #tpu.memory_space<vmem_shared>> -> memref<640x128xf32, #tpu.memory_space<vmem_shared>>
        tpu.wait_dma2 semaphore(%run_scoped3A : memref<!tpu.dma_semaphore, #tpu.memory_space<semaphore_mem>>) src(%dma_wait3A_45 : memref<640x128xf32, #tpu.memory_space<vmem_shared>>) dst(%dma_wait3A_43 : memref<640x128xf32, #tpu.memory_space<hbm>>)
        tpu.yield
      }) : () -> ()
    } else {
    }
    %eq3A_34 = arith.constant 1 : i32
    %eq3A_35 = arith.cmpi eq, %arg0, %eq3A_34 : i32
    %convert_element_type3A_36 = arith.extui %eq3A_35 : i1 to i32
    %cond3A_37 = arith.constant 0 : i32
    %cond3A_38 = arith.cmpi ne, %convert_element_type3A_36, %cond3A_37 : i32
    scf.if %cond3A_38 {
      "tpu.region"() ({
        %run_scoped3A = tpu.sem_alloc : memref<!tpu.dma_semaphore, #tpu.memory_space<semaphore_mem>>
        %dma_start3A_39 = arith.constant 0 : i32
        %dma_start3A_40 = tpu.memref_slice %arg7[%mul3A_0, %dma_start3A_39] : memref<10240x128xf32, #tpu.memory_space<hbm>> -> memref<640x128xf32, #tpu.memory_space<hbm>>
        %dma_start3A_41 = arith.constant 0 : i32
        %dma_start3A_42 = tpu.memref_slice %arg8[%mul3A_0, %dma_start3A_41] : memref<10240x128xf32, #tpu.memory_space<vmem_shared>> -> memref<640x128xf32, #tpu.memory_space<vmem_shared>>
        tpu.enqueue_dma source(%dma_start3A_42 : memref<640x128xf32, #tpu.memory_space<vmem_shared>>) target(%dma_start3A_40 : memref<640x128xf32, #tpu.memory_space<hbm>>) target_semaphore(%run_scoped3A : memref<!tpu.dma_semaphore, #tpu.memory_space<semaphore_mem>>)
        %dma_wait3A = arith.constant 0 : i32
        %dma_wait3A_43 = tpu.memref_slice %arg7[%mul3A_0, %dma_wait3A] : memref<10240x128xf32, #tpu.memory_space<hbm>> -> memref<640x128xf32, #tpu.memory_space<hbm>>
        %dma_wait3A_44 = arith.constant 0 : i32
        %dma_wait3A_45 = tpu.memref_slice %arg8[%mul3A_0, %dma_wait3A_44] : memref<10240x128xf32, #tpu.memory_space<vmem_shared>> -> memref<640x128xf32, #tpu.memory_space<vmem_shared>>
        tpu.wait_dma2 semaphore(%run_scoped3A : memref<!tpu.dma_semaphore, #tpu.memory_space<semaphore_mem>>) src(%dma_wait3A_45 : memref<640x128xf32, #tpu.memory_space<vmem_shared>>) dst(%dma_wait3A_43 : memref<640x128xf32, #tpu.memory_space<hbm>>)
        tpu.yield
      }) : () -> ()
    } else {
    }
    return
  }
}

#map = affine_map<(d0, d1) -> (0, 0)>
#map1 = affine_map<(d0, d1) -> (0)>
module attributes {stable_mosaic.version = 14 : i64} {
  func.func @_spmm_esplit(%arg0: i32, %arg1: i32, %arg2: memref<10240x128xf32, #tpu.memory_space<hbm>>, %arg3: memref<323584xi32, #tpu.memory_space<hbm>>, %arg4: memref<323584xi32, #tpu.memory_space<hbm>>, %arg5: memref<10240x128xf32, #tpu.memory_space<hbm>>, %arg6: memref<10240x128xf32, #tpu.memory_space<hbm>>, %arg7: memref<10240x128xf32, #tpu.memory_space<vmem_shared>>, %arg8: memref<128xi32, #tpu.memory_space<vmem>>, %arg9: memref<128xi32, #tpu.memory_space<vmem>>, %arg10: memref<128xi32, #tpu.memory_space<vmem>>, %arg11: memref<128xi32, #tpu.memory_space<vmem>>, %arg12: memref<128x128xf32, #tpu.memory_space<vmem>>, %arg13: memref<!tpu.dma_semaphore, #tpu.memory_space<semaphore_mem>>, %arg14: memref<!tpu.dma_semaphore, #tpu.memory_space<semaphore_mem>>, %arg15: memref<!tpu.dma_semaphore, #tpu.memory_space<semaphore_mem>>, %arg16: memref<!tpu.dma_semaphore, #tpu.memory_space<semaphore_mem>>, %arg17: memref<!tpu.dma_semaphore, #tpu.memory_space<semaphore_mem>>) attributes {dimension_semantics = [#tpu.dimension_semantics<core_parallel>, #tpu.dimension_semantics<subcore_parallel>], iteration_bounds = array<i64: 2, 16>, scalar_prefetch = 0 : i64, scratch_operands = 11 : i64, tpu.core_type = #tpu.core_type<sc_vector_subcore>, window_params = [{transform_indices = #map}, {transform_indices = #map1}, {transform_indices = #map1}, {transform_indices = #map}, {transform_indices = #map}]} {
    %mul3A = arith.constant 640 : i32
    %mul3A_0 = arith.muli %arg1, %mul3A : i32
    %mul3A_1 = arith.constant 16 : i32
    %mul3A_2 = arith.muli %arg0, %mul3A_1 : i32
    %add3A = arith.addi %mul3A_2, %arg1 : i32
    %mul3A_3 = arith.constant 79 : i32
    %mul3A_4 = arith.muli %add3A, %mul3A_3 : i32
    %mul3A_5 = arith.constant 128 : i32
    %mul3A_6 = arith.muli %mul3A_4, %mul3A_5 : i32
    %dma_start3A = tpu.memref_slice %arg3[%mul3A_6] : memref<323584xi32, #tpu.memory_space<hbm>> -> memref<128xi32, #tpu.memory_space<hbm>>
    %dma_start3A_7 = tpu.memref_slice %arg3[%mul3A_6] : memref<323584xi32, #tpu.memory_space<hbm>> -> memref<128xi32, #tpu.memory_space<hbm>>
    tpu.enqueue_dma source(%dma_start3A_7 : memref<128xi32, #tpu.memory_space<hbm>>) target(%arg8 : memref<128xi32, #tpu.memory_space<vmem>>) target_semaphore(%arg13 : memref<!tpu.dma_semaphore, #tpu.memory_space<semaphore_mem>>)
    %dma_start3A_8 = tpu.memref_slice %arg4[%mul3A_6] : memref<323584xi32, #tpu.memory_space<hbm>> -> memref<128xi32, #tpu.memory_space<hbm>>
    %dma_start3A_9 = tpu.memref_slice %arg4[%mul3A_6] : memref<323584xi32, #tpu.memory_space<hbm>> -> memref<128xi32, #tpu.memory_space<hbm>>
    tpu.enqueue_dma source(%dma_start3A_9 : memref<128xi32, #tpu.memory_space<hbm>>) target(%arg9 : memref<128xi32, #tpu.memory_space<vmem>>) target_semaphore(%arg14 : memref<!tpu.dma_semaphore, #tpu.memory_space<semaphore_mem>>)
    %add3A_10 = arith.constant 128 : i32
    %add3A_11 = arith.addi %mul3A_6, %add3A_10 : i32
    %dma_start3A_12 = tpu.memref_slice %arg3[%add3A_11] : memref<323584xi32, #tpu.memory_space<hbm>> -> memref<128xi32, #tpu.memory_space<hbm>>
    %dma_start3A_13 = tpu.memref_slice %arg3[%add3A_11] : memref<323584xi32, #tpu.memory_space<hbm>> -> memref<128xi32, #tpu.memory_space<hbm>>
    tpu.enqueue_dma source(%dma_start3A_13 : memref<128xi32, #tpu.memory_space<hbm>>) target(%arg10 : memref<128xi32, #tpu.memory_space<vmem>>) target_semaphore(%arg15 : memref<!tpu.dma_semaphore, #tpu.memory_space<semaphore_mem>>)
    %add3A_14 = arith.constant 128 : i32
    %add3A_15 = arith.addi %mul3A_6, %add3A_14 : i32
    %dma_start3A_16 = tpu.memref_slice %arg4[%add3A_15] : memref<323584xi32, #tpu.memory_space<hbm>> -> memref<128xi32, #tpu.memory_space<hbm>>
    %dma_start3A_17 = tpu.memref_slice %arg4[%add3A_15] : memref<323584xi32, #tpu.memory_space<hbm>> -> memref<128xi32, #tpu.memory_space<hbm>>
    tpu.enqueue_dma source(%dma_start3A_17 : memref<128xi32, #tpu.memory_space<hbm>>) target(%arg11 : memref<128xi32, #tpu.memory_space<vmem>>) target_semaphore(%arg16 : memref<!tpu.dma_semaphore, #tpu.memory_space<semaphore_mem>>)
    "tpu.region"() ({
      %run_scoped3A = tpu.sem_alloc : memref<!tpu.dma_semaphore, #tpu.memory_space<semaphore_mem>>
      %dma_start3A_44 = arith.constant 0 : i32
      %dma_start3A_45 = tpu.memref_slice %arg7[%mul3A_0, %dma_start3A_44] : memref<10240x128xf32, #tpu.memory_space<vmem_shared>> -> memref<640x128xf32, #tpu.memory_space<vmem_shared>>
      %dma_start3A_46 = arith.constant 0 : i32
      %dma_start3A_47 = tpu.memref_slice %arg2[%mul3A_0, %dma_start3A_46] : memref<10240x128xf32, #tpu.memory_space<hbm>> -> memref<640x128xf32, #tpu.memory_space<hbm>>
      tpu.enqueue_dma source(%dma_start3A_47 : memref<640x128xf32, #tpu.memory_space<hbm>>) target(%dma_start3A_45 : memref<640x128xf32, #tpu.memory_space<vmem_shared>>) target_semaphore(%run_scoped3A : memref<!tpu.dma_semaphore, #tpu.memory_space<semaphore_mem>>)
      %dma_wait3A_48 = arith.constant 0 : i32
      %dma_wait3A_49 = tpu.memref_slice %arg7[%mul3A_0, %dma_wait3A_48] : memref<10240x128xf32, #tpu.memory_space<vmem_shared>> -> memref<640x128xf32, #tpu.memory_space<vmem_shared>>
      %dma_wait3A_50 = arith.constant 0 : i32
      %dma_wait3A_51 = tpu.memref_slice %arg2[%mul3A_0, %dma_wait3A_50] : memref<10240x128xf32, #tpu.memory_space<hbm>> -> memref<640x128xf32, #tpu.memory_space<hbm>>
      tpu.wait_dma2 semaphore(%run_scoped3A : memref<!tpu.dma_semaphore, #tpu.memory_space<semaphore_mem>>) src(%dma_wait3A_51 : memref<640x128xf32, #tpu.memory_space<hbm>>) dst(%dma_wait3A_49 : memref<640x128xf32, #tpu.memory_space<vmem_shared>>)
      tpu.yield
    }) : () -> ()
    %barrier3A = arith.constant 0 : index
    tpu.barrier barrier_id(%barrier3A)
    %scan3A = arith.constant 0 : i32
    %scan3A_18 = arith.constant 0 : i32
    %scan3A_19 = arith.constant 39 : i32
    %scan3A_20 = arith.addi %scan3A_18, %scan3A_19 : i32
    %scan3A_21 = arith.constant 1 : i32
    %scan3A_22 = scf.for %scan3A_44 = %scan3A_18 to %scan3A_20 step %scan3A_21 iter_args(%scan3A_45 = %scan3A) -> (i32)  : i32 {
      %mul3A_46 = arith.constant 2 : i32
      %mul3A_47 = arith.muli %mul3A_46, %scan3A_44 : i32
      %mul3A_48 = arith.constant 128 : i32
      %mul3A_49 = arith.muli %mul3A_47, %mul3A_48 : i32
      %add3A_50 = arith.addi %mul3A_6, %mul3A_49 : i32
      %add3A_51 = arith.constant 256 : i32
      %add3A_52 = arith.addi %add3A_50, %add3A_51 : i32
      %mul3A_53 = arith.constant 2 : i32
      %mul3A_54 = arith.muli %mul3A_53, %scan3A_44 : i32
      %add3A_55 = arith.constant 2 : i32
      %add3A_56 = arith.addi %mul3A_54, %add3A_55 : i32
      %lt3A = arith.constant 79 : i32
      %lt3A_57 = arith.cmpi slt, %add3A_56, %lt3A : i32
      %dma_wait3A_58 = tpu.memref_slice %arg3[%add3A_50] : memref<323584xi32, #tpu.memory_space<hbm>> -> memref<128xi32, #tpu.memory_space<hbm>>
      %dma_wait3A_59 = tpu.memref_slice %arg3[%add3A_50] : memref<323584xi32, #tpu.memory_space<hbm>> -> memref<128xi32, #tpu.memory_space<hbm>>
      tpu.wait_dma2 semaphore(%arg13 : memref<!tpu.dma_semaphore, #tpu.memory_space<semaphore_mem>>) src(%dma_wait3A_59 : memref<128xi32, #tpu.memory_space<hbm>>) dst(%arg8 : memref<128xi32, #tpu.memory_space<vmem>>)
      %dma_wait3A_60 = tpu.memref_slice %arg4[%add3A_50] : memref<323584xi32, #tpu.memory_space<hbm>> -> memref<128xi32, #tpu.memory_space<hbm>>
      %dma_wait3A_61 = tpu.memref_slice %arg4[%add3A_50] : memref<323584xi32, #tpu.memory_space<hbm>> -> memref<128xi32, #tpu.memory_space<hbm>>
      tpu.wait_dma2 semaphore(%arg14 : memref<!tpu.dma_semaphore, #tpu.memory_space<semaphore_mem>>) src(%dma_wait3A_61 : memref<128xi32, #tpu.memory_space<hbm>>) dst(%arg9 : memref<128xi32, #tpu.memory_space<vmem>>)
      %dma_start3A_62 = arith.constant 0 : i32
      %dma_start3A_63 = arith.constant 0 : i32
      %dma_start3A_64 = tpu.memref_slice %arg2[%dma_start3A_62, %dma_start3A_63] : memref<10240x128xf32, #tpu.memory_space<hbm>> -> memref<10240x128xf32, #tpu.memory_space<hbm>>
      tpu.enqueue_indirect_dma source(%dma_start3A_64 : memref<10240x128xf32, #tpu.memory_space<hbm>>) target(%arg12 : memref<128x128xf32, #tpu.memory_space<vmem>>) offsets(%arg8 : memref<128xi32, #tpu.memory_space<vmem>>) semaphore(%arg17 : memref<!tpu.dma_semaphore, #tpu.memory_space<semaphore_mem>>)
      %dma_wait3A_65 = arith.constant 0 : i32
      %dma_wait3A_66 = arith.constant 0 : i32
      %dma_wait3A_67 = tpu.memref_slice %arg2[%dma_wait3A_65, %dma_wait3A_66] : memref<10240x128xf32, #tpu.memory_space<hbm>> -> memref<10240x128xf32, #tpu.memory_space<hbm>>
      tpu.wait_indirect_dma semaphore(%arg17 : memref<!tpu.dma_semaphore, #tpu.memory_space<semaphore_mem>>) src(%dma_wait3A_67 : memref<10240x128xf32, #tpu.memory_space<hbm>>) dst(%arg12 : memref<128x128xf32, #tpu.memory_space<vmem>>)
      "tpu.region"() ({
        %run_scoped3A = tpu.sem_alloc : memref<!tpu.dma_semaphore, #tpu.memory_space<semaphore_mem>>
        %dma_start3A_95 = arith.constant 0 : i32
        %dma_start3A_96 = arith.constant 0 : i32
        %dma_start3A_97 = tpu.memref_slice %arg7[%dma_start3A_95, %dma_start3A_96] : memref<10240x128xf32, #tpu.memory_space<vmem_shared>> -> memref<10240x128xf32, #tpu.memory_space<vmem_shared>>
        tpu.enqueue_indirect_dma source(%arg12 : memref<128x128xf32, #tpu.memory_space<vmem>>) target(%dma_start3A_97 : memref<10240x128xf32, #tpu.memory_space<vmem_shared>>) offsets(%arg9 : memref<128xi32, #tpu.memory_space<vmem>>) semaphore(%run_scoped3A : memref<!tpu.dma_semaphore, #tpu.memory_space<semaphore_mem>>) {add = true}
        %dma_wait3A_98 = arith.constant 0 : i32
        %dma_wait3A_99 = arith.constant 0 : i32
        %dma_wait3A_100 = tpu.memref_slice %arg7[%dma_wait3A_98, %dma_wait3A_99] : memref<10240x128xf32, #tpu.memory_space<vmem_shared>> -> memref<10240x128xf32, #tpu.memory_space<vmem_shared>>
        tpu.wait_indirect_dma semaphore(%run_scoped3A : memref<!tpu.dma_semaphore, #tpu.memory_space<semaphore_mem>>) src(%arg12 : memref<128x128xf32, #tpu.memory_space<vmem>>) dst(%dma_wait3A_100 : memref<10240x128xf32, #tpu.memory_space<vmem_shared>>)
        tpu.yield
      }) : () -> ()
      %convert_element_type3A_68 = arith.extui %lt3A_57 : i1 to i32
      %cond3A_69 = arith.constant 0 : i32
      %cond3A_70 = arith.cmpi ne, %convert_element_type3A_68, %cond3A_69 : i32
      scf.if %cond3A_70 {
        %dma_start3A_95 = tpu.memref_slice %arg3[%add3A_52] : memref<323584xi32, #tpu.memory_space<hbm>> -> memref<128xi32, #tpu.memory_space<hbm>>
        %dma_start3A_96 = tpu.memref_slice %arg3[%add3A_52] : memref<323584xi32, #tpu.memory_space<hbm>> -> memref<128xi32, #tpu.memory_space<hbm>>
        tpu.enqueue_dma source(%dma_start3A_96 : memref<128xi32, #tpu.memory_space<hbm>>) target(%arg8 : memref<128xi32, #tpu.memory_space<vmem>>) target_semaphore(%arg13 : memref<!tpu.dma_semaphore, #tpu.memory_space<semaphore_mem>>)
        %dma_start3A_97 = tpu.memref_slice %arg4[%add3A_52] : memref<323584xi32, #tpu.memory_space<hbm>> -> memref<128xi32, #tpu.memory_space<hbm>>
        %dma_start3A_98 = tpu.memref_slice %arg4[%add3A_52] : memref<323584xi32, #tpu.memory_space<hbm>> -> memref<128xi32, #tpu.memory_space<hbm>>
        tpu.enqueue_dma source(%dma_start3A_98 : memref<128xi32, #tpu.memory_space<hbm>>) target(%arg9 : memref<128xi32, #tpu.memory_space<vmem>>) target_semaphore(%arg14 : memref<!tpu.dma_semaphore, #tpu.memory_space<semaphore_mem>>)
      } else {
      }
      %add3A_71 = arith.constant 128 : i32
      %add3A_72 = arith.addi %add3A_50, %add3A_71 : i32
      %add3A_73 = arith.constant 384 : i32
      %add3A_74 = arith.addi %add3A_50, %add3A_73 : i32
      %mul3A_75 = arith.constant 2 : i32
      %mul3A_76 = arith.muli %mul3A_75, %scan3A_44 : i32
      %add3A_77 = arith.constant 3 : i32
      %add3A_78 = arith.addi %mul3A_76, %add3A_77 : i32
      %lt3A_79 = arith.constant 79 : i32
      %lt3A_80 = arith.cmpi slt, %add3A_78, %lt3A_79 : i32
      %dma_wait3A_81 = tpu.memref_slice %arg3[%add3A_72] : memref<323584xi32, #tpu.memory_space<hbm>> -> memref<128xi32, #tpu.memory_space<hbm>>
      %dma_wait3A_82 = tpu.memref_slice %arg3[%add3A_72] : memref<323584xi32, #tpu.memory_space<hbm>> -> memref<128xi32, #tpu.memory_space<hbm>>
      tpu.wait_dma2 semaphore(%arg15 : memref<!tpu.dma_semaphore, #tpu.memory_space<semaphore_mem>>) src(%dma_wait3A_82 : memref<128xi32, #tpu.memory_space<hbm>>) dst(%arg10 : memref<128xi32, #tpu.memory_space<vmem>>)
      %dma_wait3A_83 = tpu.memref_slice %arg4[%add3A_72] : memref<323584xi32, #tpu.memory_space<hbm>> -> memref<128xi32, #tpu.memory_space<hbm>>
      %dma_wait3A_84 = tpu.memref_slice %arg4[%add3A_72] : memref<323584xi32, #tpu.memory_space<hbm>> -> memref<128xi32, #tpu.memory_space<hbm>>
      tpu.wait_dma2 semaphore(%arg16 : memref<!tpu.dma_semaphore, #tpu.memory_space<semaphore_mem>>) src(%dma_wait3A_84 : memref<128xi32, #tpu.memory_space<hbm>>) dst(%arg11 : memref<128xi32, #tpu.memory_space<vmem>>)
      %dma_start3A_85 = arith.constant 0 : i32
      %dma_start3A_86 = arith.constant 0 : i32
      %dma_start3A_87 = tpu.memref_slice %arg2[%dma_start3A_85, %dma_start3A_86] : memref<10240x128xf32, #tpu.memory_space<hbm>> -> memref<10240x128xf32, #tpu.memory_space<hbm>>
      tpu.enqueue_indirect_dma source(%dma_start3A_87 : memref<10240x128xf32, #tpu.memory_space<hbm>>) target(%arg12 : memref<128x128xf32, #tpu.memory_space<vmem>>) offsets(%arg10 : memref<128xi32, #tpu.memory_space<vmem>>) semaphore(%arg17 : memref<!tpu.dma_semaphore, #tpu.memory_space<semaphore_mem>>)
      %dma_wait3A_88 = arith.constant 0 : i32
      %dma_wait3A_89 = arith.constant 0 : i32
      %dma_wait3A_90 = tpu.memref_slice %arg2[%dma_wait3A_88, %dma_wait3A_89] : memref<10240x128xf32, #tpu.memory_space<hbm>> -> memref<10240x128xf32, #tpu.memory_space<hbm>>
      tpu.wait_indirect_dma semaphore(%arg17 : memref<!tpu.dma_semaphore, #tpu.memory_space<semaphore_mem>>) src(%dma_wait3A_90 : memref<10240x128xf32, #tpu.memory_space<hbm>>) dst(%arg12 : memref<128x128xf32, #tpu.memory_space<vmem>>)
      "tpu.region"() ({
        %run_scoped3A = tpu.sem_alloc : memref<!tpu.dma_semaphore, #tpu.memory_space<semaphore_mem>>
        %dma_start3A_95 = arith.constant 0 : i32
        %dma_start3A_96 = arith.constant 0 : i32
        %dma_start3A_97 = tpu.memref_slice %arg7[%dma_start3A_95, %dma_start3A_96] : memref<10240x128xf32, #tpu.memory_space<vmem_shared>> -> memref<10240x128xf32, #tpu.memory_space<vmem_shared>>
        tpu.enqueue_indirect_dma source(%arg12 : memref<128x128xf32, #tpu.memory_space<vmem>>) target(%dma_start3A_97 : memref<10240x128xf32, #tpu.memory_space<vmem_shared>>) offsets(%arg11 : memref<128xi32, #tpu.memory_space<vmem>>) semaphore(%run_scoped3A : memref<!tpu.dma_semaphore, #tpu.memory_space<semaphore_mem>>) {add = true}
        %dma_wait3A_98 = arith.constant 0 : i32
        %dma_wait3A_99 = arith.constant 0 : i32
        %dma_wait3A_100 = tpu.memref_slice %arg7[%dma_wait3A_98, %dma_wait3A_99] : memref<10240x128xf32, #tpu.memory_space<vmem_shared>> -> memref<10240x128xf32, #tpu.memory_space<vmem_shared>>
        tpu.wait_indirect_dma semaphore(%run_scoped3A : memref<!tpu.dma_semaphore, #tpu.memory_space<semaphore_mem>>) src(%arg12 : memref<128x128xf32, #tpu.memory_space<vmem>>) dst(%dma_wait3A_100 : memref<10240x128xf32, #tpu.memory_space<vmem_shared>>)
        tpu.yield
      }) : () -> ()
      %convert_element_type3A_91 = arith.extui %lt3A_80 : i1 to i32
      %cond3A_92 = arith.constant 0 : i32
      %cond3A_93 = arith.cmpi ne, %convert_element_type3A_91, %cond3A_92 : i32
      scf.if %cond3A_93 {
        %dma_start3A_95 = tpu.memref_slice %arg3[%add3A_74] : memref<323584xi32, #tpu.memory_space<hbm>> -> memref<128xi32, #tpu.memory_space<hbm>>
        %dma_start3A_96 = tpu.memref_slice %arg3[%add3A_74] : memref<323584xi32, #tpu.memory_space<hbm>> -> memref<128xi32, #tpu.memory_space<hbm>>
        tpu.enqueue_dma source(%dma_start3A_96 : memref<128xi32, #tpu.memory_space<hbm>>) target(%arg10 : memref<128xi32, #tpu.memory_space<vmem>>) target_semaphore(%arg15 : memref<!tpu.dma_semaphore, #tpu.memory_space<semaphore_mem>>)
        %dma_start3A_97 = tpu.memref_slice %arg4[%add3A_74] : memref<323584xi32, #tpu.memory_space<hbm>> -> memref<128xi32, #tpu.memory_space<hbm>>
        %dma_start3A_98 = tpu.memref_slice %arg4[%add3A_74] : memref<323584xi32, #tpu.memory_space<hbm>> -> memref<128xi32, #tpu.memory_space<hbm>>
        tpu.enqueue_dma source(%dma_start3A_98 : memref<128xi32, #tpu.memory_space<hbm>>) target(%arg11 : memref<128xi32, #tpu.memory_space<vmem>>) target_semaphore(%arg16 : memref<!tpu.dma_semaphore, #tpu.memory_space<semaphore_mem>>)
      } else {
      }
      %scan3A_94 = arith.constant 0 : i32
      scf.yield %scan3A_94 : i32
    }
    %scan3A_23 = arith.constant 39 : i32
    %add3A_24 = arith.constant 9984 : i32
    %add3A_25 = arith.addi %mul3A_6, %add3A_24 : i32
    %dma_wait3A = tpu.memref_slice %arg3[%add3A_25] : memref<323584xi32, #tpu.memory_space<hbm>> -> memref<128xi32, #tpu.memory_space<hbm>>
    %dma_wait3A_26 = tpu.memref_slice %arg3[%add3A_25] : memref<323584xi32, #tpu.memory_space<hbm>> -> memref<128xi32, #tpu.memory_space<hbm>>
    tpu.wait_dma2 semaphore(%arg13 : memref<!tpu.dma_semaphore, #tpu.memory_space<semaphore_mem>>) src(%dma_wait3A_26 : memref<128xi32, #tpu.memory_space<hbm>>) dst(%arg8 : memref<128xi32, #tpu.memory_space<vmem>>)
    %dma_wait3A_27 = tpu.memref_slice %arg4[%add3A_25] : memref<323584xi32, #tpu.memory_space<hbm>> -> memref<128xi32, #tpu.memory_space<hbm>>
    %dma_wait3A_28 = tpu.memref_slice %arg4[%add3A_25] : memref<323584xi32, #tpu.memory_space<hbm>> -> memref<128xi32, #tpu.memory_space<hbm>>
    tpu.wait_dma2 semaphore(%arg14 : memref<!tpu.dma_semaphore, #tpu.memory_space<semaphore_mem>>) src(%dma_wait3A_28 : memref<128xi32, #tpu.memory_space<hbm>>) dst(%arg9 : memref<128xi32, #tpu.memory_space<vmem>>)
    %dma_start3A_29 = arith.constant 0 : i32
    %dma_start3A_30 = arith.constant 0 : i32
    %dma_start3A_31 = tpu.memref_slice %arg2[%dma_start3A_29, %dma_start3A_30] : memref<10240x128xf32, #tpu.memory_space<hbm>> -> memref<10240x128xf32, #tpu.memory_space<hbm>>
    tpu.enqueue_indirect_dma source(%dma_start3A_31 : memref<10240x128xf32, #tpu.memory_space<hbm>>) target(%arg12 : memref<128x128xf32, #tpu.memory_space<vmem>>) offsets(%arg8 : memref<128xi32, #tpu.memory_space<vmem>>) semaphore(%arg17 : memref<!tpu.dma_semaphore, #tpu.memory_space<semaphore_mem>>)
    %dma_wait3A_32 = arith.constant 0 : i32
    %dma_wait3A_33 = arith.constant 0 : i32
    %dma_wait3A_34 = tpu.memref_slice %arg2[%dma_wait3A_32, %dma_wait3A_33] : memref<10240x128xf32, #tpu.memory_space<hbm>> -> memref<10240x128xf32, #tpu.memory_space<hbm>>
    tpu.wait_indirect_dma semaphore(%arg17 : memref<!tpu.dma_semaphore, #tpu.memory_space<semaphore_mem>>) src(%dma_wait3A_34 : memref<10240x128xf32, #tpu.memory_space<hbm>>) dst(%arg12 : memref<128x128xf32, #tpu.memory_space<vmem>>)
    "tpu.region"() ({
      %run_scoped3A = tpu.sem_alloc : memref<!tpu.dma_semaphore, #tpu.memory_space<semaphore_mem>>
      %dma_start3A_44 = arith.constant 0 : i32
      %dma_start3A_45 = arith.constant 0 : i32
      %dma_start3A_46 = tpu.memref_slice %arg7[%dma_start3A_44, %dma_start3A_45] : memref<10240x128xf32, #tpu.memory_space<vmem_shared>> -> memref<10240x128xf32, #tpu.memory_space<vmem_shared>>
      tpu.enqueue_indirect_dma source(%arg12 : memref<128x128xf32, #tpu.memory_space<vmem>>) target(%dma_start3A_46 : memref<10240x128xf32, #tpu.memory_space<vmem_shared>>) offsets(%arg9 : memref<128xi32, #tpu.memory_space<vmem>>) semaphore(%run_scoped3A : memref<!tpu.dma_semaphore, #tpu.memory_space<semaphore_mem>>) {add = true}
      %dma_wait3A_47 = arith.constant 0 : i32
      %dma_wait3A_48 = arith.constant 0 : i32
      %dma_wait3A_49 = tpu.memref_slice %arg7[%dma_wait3A_47, %dma_wait3A_48] : memref<10240x128xf32, #tpu.memory_space<vmem_shared>> -> memref<10240x128xf32, #tpu.memory_space<vmem_shared>>
      tpu.wait_indirect_dma semaphore(%run_scoped3A : memref<!tpu.dma_semaphore, #tpu.memory_space<semaphore_mem>>) src(%arg12 : memref<128x128xf32, #tpu.memory_space<vmem>>) dst(%dma_wait3A_49 : memref<10240x128xf32, #tpu.memory_space<vmem_shared>>)
      tpu.yield
    }) : () -> ()
    %cond3A = arith.constant 0 : i32
    %barrier3A_35 = arith.constant 0 : index
    tpu.barrier barrier_id(%barrier3A_35)
    %eq3A = arith.constant 0 : i32
    %eq3A_36 = arith.cmpi eq, %arg0, %eq3A : i32
    %convert_element_type3A = arith.extui %eq3A_36 : i1 to i32
    %cond3A_37 = arith.constant 0 : i32
    %cond3A_38 = arith.cmpi ne, %convert_element_type3A, %cond3A_37 : i32
    scf.if %cond3A_38 {
      "tpu.region"() ({
        %run_scoped3A = tpu.sem_alloc : memref<!tpu.dma_semaphore, #tpu.memory_space<semaphore_mem>>
        %dma_start3A_44 = arith.constant 0 : i32
        %dma_start3A_45 = tpu.memref_slice %arg5[%mul3A_0, %dma_start3A_44] : memref<10240x128xf32, #tpu.memory_space<hbm>> -> memref<640x128xf32, #tpu.memory_space<hbm>>
        %dma_start3A_46 = arith.constant 0 : i32
        %dma_start3A_47 = tpu.memref_slice %arg7[%mul3A_0, %dma_start3A_46] : memref<10240x128xf32, #tpu.memory_space<vmem_shared>> -> memref<640x128xf32, #tpu.memory_space<vmem_shared>>
        tpu.enqueue_dma source(%dma_start3A_47 : memref<640x128xf32, #tpu.memory_space<vmem_shared>>) target(%dma_start3A_45 : memref<640x128xf32, #tpu.memory_space<hbm>>) target_semaphore(%run_scoped3A : memref<!tpu.dma_semaphore, #tpu.memory_space<semaphore_mem>>)
        %dma_wait3A_48 = arith.constant 0 : i32
        %dma_wait3A_49 = tpu.memref_slice %arg5[%mul3A_0, %dma_wait3A_48] : memref<10240x128xf32, #tpu.memory_space<hbm>> -> memref<640x128xf32, #tpu.memory_space<hbm>>
        %dma_wait3A_50 = arith.constant 0 : i32
        %dma_wait3A_51 = tpu.memref_slice %arg7[%mul3A_0, %dma_wait3A_50] : memref<10240x128xf32, #tpu.memory_space<vmem_shared>> -> memref<640x128xf32, #tpu.memory_space<vmem_shared>>
        tpu.wait_dma2 semaphore(%run_scoped3A : memref<!tpu.dma_semaphore, #tpu.memory_space<semaphore_mem>>) src(%dma_wait3A_51 : memref<640x128xf32, #tpu.memory_space<vmem_shared>>) dst(%dma_wait3A_49 : memref<640x128xf32, #tpu.memory_space<hbm>>)
        tpu.yield
      }) : () -> ()
    } else {
    }
    %eq3A_39 = arith.constant 1 : i32
    %eq3A_40 = arith.cmpi eq, %arg0, %eq3A_39 : i32
    %convert_element_type3A_41 = arith.extui %eq3A_40 : i1 to i32
    %cond3A_42 = arith.constant 0 : i32
    %cond3A_43 = arith.cmpi ne, %convert_element_type3A_41, %cond3A_42 : i32
    scf.if %cond3A_43 {
      "tpu.region"() ({
        %run_scoped3A = tpu.sem_alloc : memref<!tpu.dma_semaphore, #tpu.memory_space<semaphore_mem>>
        %dma_start3A_44 = arith.constant 0 : i32
        %dma_start3A_45 = tpu.memref_slice %arg6[%mul3A_0, %dma_start3A_44] : memref<10240x128xf32, #tpu.memory_space<hbm>> -> memref<640x128xf32, #tpu.memory_space<hbm>>
        %dma_start3A_46 = arith.constant 0 : i32
        %dma_start3A_47 = tpu.memref_slice %arg7[%mul3A_0, %dma_start3A_46] : memref<10240x128xf32, #tpu.memory_space<vmem_shared>> -> memref<640x128xf32, #tpu.memory_space<vmem_shared>>
        tpu.enqueue_dma source(%dma_start3A_47 : memref<640x128xf32, #tpu.memory_space<vmem_shared>>) target(%dma_start3A_45 : memref<640x128xf32, #tpu.memory_space<hbm>>) target_semaphore(%run_scoped3A : memref<!tpu.dma_semaphore, #tpu.memory_space<semaphore_mem>>)
        %dma_wait3A_48 = arith.constant 0 : i32
        %dma_wait3A_49 = tpu.memref_slice %arg6[%mul3A_0, %dma_wait3A_48] : memref<10240x128xf32, #tpu.memory_space<hbm>> -> memref<640x128xf32, #tpu.memory_space<hbm>>
        %dma_wait3A_50 = arith.constant 0 : i32
        %dma_wait3A_51 = tpu.memref_slice %arg7[%mul3A_0, %dma_wait3A_50] : memref<10240x128xf32, #tpu.memory_space<vmem_shared>> -> memref<640x128xf32, #tpu.memory_space<vmem_shared>>
        tpu.wait_dma2 semaphore(%run_scoped3A : memref<!tpu.dma_semaphore, #tpu.memory_space<semaphore_mem>>) src(%dma_wait3A_51 : memref<640x128xf32, #tpu.memory_space<vmem_shared>>) dst(%dma_wait3A_49 : memref<640x128xf32, #tpu.memory_space<hbm>>)
        tpu.yield
      }) : () -> ()
    } else {
    }
    return
  }
}

module attributes {stable_mosaic.version = 14 : i64} {
  func.func @_l1_body(%arg0: i32, %arg1: memref<512x128xf32, #tpu.memory_space<vmem>>, %arg2: memref<128x256xf32, #tpu.memory_space<vmem>>, %arg3: memref<1x256xf32, #tpu.memory_space<vmem>>, %arg4: memref<1x256xf32, #tpu.memory_space<vmem>>, %arg5: memref<512x16xf32, #tpu.memory_space<vmem>>, %arg6: memref<512x16xf32, #tpu.memory_space<vmem>>, %arg7: memref<512x128xf32, #tpu.memory_space<vmem>>, %arg8: memref<512x128xf32, #tpu.memory_space<vmem>>, %arg9: memref<512x1xf32, #tpu.memory_space<vmem>>) attributes {dimension_semantics = [#tpu.dimension_semantics<arbitrary>], iteration_bounds = array<i64: 20>, scalar_prefetch = 0 : i64, scratch_operands = 0 : i64, tpu.core_type = #tpu.core_type<tc>, window_params = [{transform_indices = @transform_0, window_bounds = array<i64: 512, 128>}, {pipeline_mode = #tpu.pipeline_mode<synchronous>, transform_indices = @transform_1, window_bounds = array<i64: 128, 256>}, {pipeline_mode = #tpu.pipeline_mode<synchronous>, transform_indices = @transform_2, window_bounds = array<i64: 1, 256>}, {pipeline_mode = #tpu.pipeline_mode<synchronous>, transform_indices = @transform_3, window_bounds = array<i64: 1, 256>}, {transform_indices = @transform_4, window_bounds = array<i64: 512, 16>}, {transform_indices = @transform_5, window_bounds = array<i64: 512, 16>}, {transform_indices = @transform_6, window_bounds = array<i64: 512, 128>}, {transform_indices = @transform_7, window_bounds = array<i64: 512, 128>}, {transform_indices = @transform_8, window_bounds = array<i64: 512, 1>}]} {
    %mul3A = arith.constant 512 : i32
    %mul3A_0 = arith.muli %arg0, %mul3A : i32
    %iota3A = tpu.iota {dimensions = array<i32: 0>} : vector<512x1xi32>
    %add3A = vector.broadcast %mul3A_0 : i32 to vector<512x1xi32>
    %add3A_1 = arith.addi %add3A, %iota3A : vector<512x1xi32>
    %get3A = arith.constant 0 : index
    %get3A_2 = arith.constant 0 : index
    %get3A_3 = vector.load %arg5[%get3A, %get3A_2] : memref<512x16xf32, #tpu.memory_space<vmem>>, vector<512x1xf32>
    %get3A_4 = arith.constant 0 : index
    %get3A_5 = arith.constant 0 : index
    %get3A_6 = vector.load %arg6[%get3A_4, %get3A_5] : memref<512x16xf32, #tpu.memory_space<vmem>>, vector<512x1xf32>
    %add3A_7 = arith.addf %get3A_3, %get3A_6 : vector<512x1xf32>
    %add3A_8 = arith.constant 1.000000e+00 : f32
    %add3A_9 = vector.broadcast %add3A_8 : f32 to vector<512x1xf32>
    %add3A_10 = arith.addf %add3A_7, %add3A_9 : vector<512x1xf32>
    %lt3A = arith.constant 10000 : i32
    %lt3A_11 = vector.broadcast %lt3A : i32 to vector<512x1xi32>
    %lt3A_12 = arith.cmpi slt, %add3A_1, %lt3A_11 : vector<512x1xi32>
    %rsqrt3A = math.rsqrt %add3A_10 : vector<512x1xf32>
    %jit3A = arith.constant 0.000000e+00 : f32
    %broadcast_in_dim3A = vector.broadcast %jit3A : f32 to vector<512x1xf32>
    %select_n3A = arith.select %lt3A_12, %rsqrt3A, %broadcast_in_dim3A : vector<512x1xi1>, vector<512x1xf32>
    %swap3A = arith.constant 0 : index
    %swap3A_13 = arith.constant 0 : index
    %swap3A_14 = vector.load %arg9[%swap3A, %swap3A_13] : memref<512x1xf32, #tpu.memory_space<vmem>>, vector<512x1xf32>
    tpu.vector_store %arg9[%swap3A, %swap3A_13], %select_n3A {strides = array<i32>} : memref<512x1xf32, #tpu.memory_space<vmem>>, vector<512x1xf32>,
    %get3A_15 = arith.constant 0 : index
    %get3A_16 = arith.constant 0 : index
    %get3A_17 = vector.load %arg3[%get3A_15, %get3A_16] : memref<1x256xf32, #tpu.memory_space<vmem>>, vector<1x256xf32>
    %get3A_18 = arith.constant 0 : index
    %get3A_19 = arith.constant 0 : index
    %get3A_20 = vector.load %arg4[%get3A_18, %get3A_19] : memref<1x256xf32, #tpu.memory_space<vmem>>, vector<1x256xf32>
    %add3A_21 = arith.constant 9.99999974E-6 : f32
    %add3A_22 = vector.broadcast %add3A_21 : f32 to vector<1x256xf32>
    %add3A_23 = arith.addf %get3A_20, %add3A_22 : vector<1x256xf32>
    %rsqrt3A_24 = math.rsqrt %add3A_23 : vector<1x256xf32>
    %mul3A_25 = arith.mulf %get3A_17, %rsqrt3A_24 : vector<1x256xf32>
    %get3A_26 = arith.constant 0 : index
    %get3A_27 = arith.constant 0 : index
    %get3A_28 = vector.load %arg1[%get3A_26, %get3A_27] : memref<512x128xf32, #tpu.memory_space<vmem>>, vector<512x128xf32>
    %get3A_29 = arith.constant 0 : index
    %get3A_30 = arith.constant 0 : index
    %get3A_31 = vector.load %arg2[%get3A_29, %get3A_30] : memref<128x256xf32, #tpu.memory_space<vmem>>, vector<128x256xf32>
    %dot_general3A = arith.constant dense<0.000000e+00> : vector<512x256xf32>
    %dot_general3A_32 = tpu.matmul %get3A_28, %get3A_31, %dot_general3A {dimension_numbers = #tpu.dot_dimension_numbers<[1], [0], [0], [1], [0, 0, 1, 1], [], []>, transpose_lhs_hint = false} : vector<512x128xf32>, vector<128x256xf32>, vector<512x256xf32> -> vector<512x256xf32>
    %mul3A_33 = vector.broadcast %mul3A_25 : vector<1x256xf32> to vector<512x256xf32>
    %mul3A_34 = arith.mulf %dot_general3A_32, %mul3A_33 : vector<512x256xf32>
    %mul3A_35 = vector.broadcast %select_n3A : vector<512x1xf32> to vector<512x256xf32>
    %mul3A_36 = arith.mulf %mul3A_34, %mul3A_35 : vector<512x256xf32>
    %slice3A = vector.extract_strided_slice %mul3A_36 {offsets = [0, 0], sizes = [512, 128], strides = [1, 1]} : vector<512x256xf32> to vector<512x128xf32>
    %swap3A_37 = arith.constant 0 : index
    %swap3A_38 = arith.constant 0 : index
    %swap3A_39 = vector.load %arg7[%swap3A_37, %swap3A_38] : memref<512x128xf32, #tpu.memory_space<vmem>>, vector<512x128xf32>
    tpu.vector_store %arg7[%swap3A_37, %swap3A_38], %slice3A {strides = array<i32>} : memref<512x128xf32, #tpu.memory_space<vmem>>, vector<512x128xf32>,
    %slice3A_40 = vector.extract_strided_slice %mul3A_36 {offsets = [0, 128], sizes = [512, 128], strides = [1, 1]} : vector<512x256xf32> to vector<512x128xf32>
    %swap3A_41 = arith.constant 0 : index
    %swap3A_42 = arith.constant 0 : index
    %swap3A_43 = vector.load %arg8[%swap3A_41, %swap3A_42] : memref<512x128xf32, #tpu.memory_space<vmem>>, vector<512x128xf32>
    tpu.vector_store %arg8[%swap3A_41, %swap3A_42], %slice3A_40 {strides = array<i32>} : memref<512x128xf32, #tpu.memory_space<vmem>>, vector<512x128xf32>,
    return
  }
  func.func @transform_0(%arg0: i32) -> (i32, i32) {
    %c0_i32 = arith.constant 0 : i32
    %c0_i32_0 = arith.constant 0 : i32
    return %arg0, %c0_i32 : i32, i32
  }
  func.func @transform_1(%arg0: i32) -> (i32, i32) {
    %c0_i32 = arith.constant 0 : i32
    %c0_i32_0 = arith.constant 0 : i32
    %c0_i32_1 = arith.constant 0 : i32
    return %c0_i32, %c0_i32_0 : i32, i32
  }
  func.func @transform_2(%arg0: i32) -> (i32, i32) {
    %c0_i32 = arith.constant 0 : i32
    %c0_i32_0 = arith.constant 0 : i32
    %c0_i32_1 = arith.constant 0 : i32
    return %c0_i32, %c0_i32_0 : i32, i32
  }
  func.func @transform_3(%arg0: i32) -> (i32, i32) {
    %c0_i32 = arith.constant 0 : i32
    %c0_i32_0 = arith.constant 0 : i32
    %c0_i32_1 = arith.constant 0 : i32
    return %c0_i32, %c0_i32_0 : i32, i32
  }
  func.func @transform_4(%arg0: i32) -> (i32, i32) {
    %c0_i32 = arith.constant 0 : i32
    %c0_i32_0 = arith.constant 0 : i32
    return %arg0, %c0_i32 : i32, i32
  }
  func.func @transform_5(%arg0: i32) -> (i32, i32) {
    %c0_i32 = arith.constant 0 : i32
    %c0_i32_0 = arith.constant 0 : i32
    return %arg0, %c0_i32 : i32, i32
  }
  func.func @transform_6(%arg0: i32) -> (i32, i32) {
    %c0_i32 = arith.constant 0 : i32
    %c0_i32_0 = arith.constant 0 : i32
    return %arg0, %c0_i32 : i32, i32
  }
  func.func @transform_7(%arg0: i32) -> (i32, i32) {
    %c0_i32 = arith.constant 0 : i32
    %c0_i32_0 = arith.constant 0 : i32
    return %arg0, %c0_i32 : i32, i32
  }
  func.func @transform_8(%arg0: i32) -> (i32, i32) {
    %c0_i32 = arith.constant 0 : i32
    %c0_i32_0 = arith.constant 0 : i32
    return %arg0, %c0_i32 : i32, i32
  }
}

module attributes {stable_mosaic.version = 14 : i64} {
  func.func @_mid_body(%arg0: i32, %arg1: memref<512x128xf32, #tpu.memory_space<vmem>>, %arg2: memref<512x128xf32, #tpu.memory_space<vmem>>, %arg3: memref<512x1xf32, #tpu.memory_space<vmem>>, %arg4: memref<1x256xf32, #tpu.memory_space<vmem>>, %arg5: memref<1x256xf32, #tpu.memory_space<vmem>>, %arg6: memref<1x256xf32, #tpu.memory_space<vmem>>, %arg7: memref<1x256xf32, #tpu.memory_space<vmem>>, %arg8: memref<1x256xf32, #tpu.memory_space<vmem>>, %arg9: memref<1x256xf32, #tpu.memory_space<vmem>>, %arg10: memref<1x256xf32, #tpu.memory_space<vmem>>, %arg11: memref<256x256xf32, #tpu.memory_space<vmem>>, %arg12: memref<512x128xf32, #tpu.memory_space<vmem>>, %arg13: memref<512x128xf32, #tpu.memory_space<vmem>>) attributes {dimension_semantics = [#tpu.dimension_semantics<arbitrary>], iteration_bounds = array<i64: 20>, scalar_prefetch = 0 : i64, scratch_operands = 0 : i64, tpu.core_type = #tpu.core_type<tc>, window_params = [{transform_indices = @transform_0, window_bounds = array<i64: 512, 128>}, {transform_indices = @transform_1, window_bounds = array<i64: 512, 128>}, {transform_indices = @transform_2, window_bounds = array<i64: 512, 1>}, {pipeline_mode = #tpu.pipeline_mode<synchronous>, transform_indices = @transform_3, window_bounds = array<i64: 1, 256>}, {pipeline_mode = #tpu.pipeline_mode<synchronous>, transform_indices = @transform_4, window_bounds = array<i64: 1, 256>}, {pipeline_mode = #tpu.pipeline_mode<synchronous>, transform_indices = @transform_5, window_bounds = array<i64: 1, 256>}, {pipeline_mode = #tpu.pipeline_mode<synchronous>, transform_indices = @transform_6, window_bounds = array<i64: 1, 256>}, {pipeline_mode = #tpu.pipeline_mode<synchronous>, transform_indices = @transform_7, window_bounds = array<i64: 1, 256>}, {pipeline_mode = #tpu.pipeline_mode<synchronous>, transform_indices = @transform_8, window_bounds = array<i64: 1, 256>}, {pipeline_mode = #tpu.pipeline_mode<synchronous>, transform_indices = @transform_9, window_bounds = array<i64: 1, 256>}, {pipeline_mode = #tpu.pipeline_mode<synchronous>, transform_indices = @transform_10, window_bounds = array<i64: 256, 256>}, {transform_indices = @transform_11, window_bounds = array<i64: 512, 128>}, {transform_indices = @transform_12, window_bounds = array<i64: 512, 128>}]} {
    %get3A = arith.constant 0 : index
    %get3A_0 = arith.constant 0 : index
    %get3A_1 = vector.load %arg5[%get3A, %get3A_0] : memref<1x256xf32, #tpu.memory_space<vmem>>, vector<1x256xf32>
    %get3A_2 = arith.constant 0 : index
    %get3A_3 = arith.constant 0 : index
    %get3A_4 = vector.load %arg8[%get3A_2, %get3A_3] : memref<1x256xf32, #tpu.memory_space<vmem>>, vector<1x256xf32>
    %add3A = arith.constant 9.99999974E-6 : f32
    %add3A_5 = vector.broadcast %add3A : f32 to vector<1x256xf32>
    %add3A_6 = arith.addf %get3A_4, %add3A_5 : vector<1x256xf32>
    %rsqrt3A = math.rsqrt %add3A_6 : vector<1x256xf32>
    %mul3A = arith.mulf %get3A_1, %rsqrt3A : vector<1x256xf32>
    %get3A_7 = arith.constant 0 : index
    %get3A_8 = arith.constant 0 : index
    %get3A_9 = vector.load %arg4[%get3A_7, %get3A_8] : memref<1x256xf32, #tpu.memory_space<vmem>>, vector<1x256xf32>
    %mul3A_10 = arith.mulf %get3A_9, %mul3A : vector<1x256xf32>
    %get3A_11 = arith.constant 0 : index
    %get3A_12 = arith.constant 0 : index
    %get3A_13 = vector.load %arg6[%get3A_11, %get3A_12] : memref<1x256xf32, #tpu.memory_space<vmem>>, vector<1x256xf32>
    %add3A_14 = arith.addf %mul3A_10, %get3A_13 : vector<1x256xf32>
    %get3A_15 = arith.constant 0 : index
    %get3A_16 = arith.constant 0 : index
    %get3A_17 = vector.load %arg7[%get3A_15, %get3A_16] : memref<1x256xf32, #tpu.memory_space<vmem>>, vector<1x256xf32>
    %mul3A_18 = arith.mulf %get3A_17, %mul3A : vector<1x256xf32>
    %sub3A = arith.subf %add3A_14, %mul3A_18 : vector<1x256xf32>
    %get3A_19 = arith.constant 0 : index
    %get3A_20 = arith.constant 0 : index
    %get3A_21 = vector.load %arg3[%get3A_19, %get3A_20] : memref<512x1xf32, #tpu.memory_space<vmem>>, vector<512x1xf32>
    %get3A_22 = arith.constant 0 : index
    %get3A_23 = arith.constant 0 : index
    %get3A_24 = vector.load %arg1[%get3A_22, %get3A_23] : memref<512x128xf32, #tpu.memory_space<vmem>>, vector<512x128xf32>
    %get3A_25 = arith.constant 0 : index
    %get3A_26 = arith.constant 0 : index
    %get3A_27 = vector.load %arg2[%get3A_25, %get3A_26] : memref<512x128xf32, #tpu.memory_space<vmem>>, vector<512x128xf32>
    %concatenate3A = tpu.concatenate %get3A_24, %get3A_27 in 1 : vector<512x128xf32>, vector<512x128xf32> -> vector<512x256xf32>
    %mul3A_28 = vector.broadcast %get3A_21 : vector<512x1xf32> to vector<512x256xf32>
    %mul3A_29 = arith.mulf %concatenate3A, %mul3A_28 : vector<512x256xf32>
    %add3A_30 = vector.broadcast %sub3A : vector<1x256xf32> to vector<512x256xf32>
    %add3A_31 = arith.addf %mul3A_29, %add3A_30 : vector<512x256xf32>
    %max3A = arith.constant 0.000000e+00 : f32
    %max3A_32 = vector.broadcast %max3A : f32 to vector<512x256xf32>
    %max3A_33 = arith.maximumf %add3A_31, %max3A_32 : vector<512x256xf32>
    %get3A_34 = arith.constant 0 : index
    %get3A_35 = arith.constant 0 : index
    %get3A_36 = vector.load %arg9[%get3A_34, %get3A_35] : memref<1x256xf32, #tpu.memory_space<vmem>>, vector<1x256xf32>
    %get3A_37 = arith.constant 0 : index
    %get3A_38 = arith.constant 0 : index
    %get3A_39 = vector.load %arg10[%get3A_37, %get3A_38] : memref<1x256xf32, #tpu.memory_space<vmem>>, vector<1x256xf32>
    %add3A_40 = arith.constant 9.99999974E-6 : f32
    %add3A_41 = vector.broadcast %add3A_40 : f32 to vector<1x256xf32>
    %add3A_42 = arith.addf %get3A_39, %add3A_41 : vector<1x256xf32>
    %rsqrt3A_43 = math.rsqrt %add3A_42 : vector<1x256xf32>
    %mul3A_44 = arith.mulf %get3A_36, %rsqrt3A_43 : vector<1x256xf32>
    %get3A_45 = arith.constant 0 : index
    %get3A_46 = arith.constant 0 : index
    %get3A_47 = vector.load %arg11[%get3A_45, %get3A_46] : memref<256x256xf32, #tpu.memory_space<vmem>>, vector<256x256xf32>
    %dot_general3A = arith.constant dense<0.000000e+00> : vector<512x256xf32>
    %dot_general3A_48 = tpu.matmul %max3A_33, %get3A_47, %dot_general3A {dimension_numbers = #tpu.dot_dimension_numbers<[1], [0], [0], [1], [0, 0, 1, 1], [], []>, transpose_lhs_hint = false} : vector<512x256xf32>, vector<256x256xf32>, vector<512x256xf32> -> vector<512x256xf32>
    %mul3A_49 = vector.broadcast %mul3A_44 : vector<1x256xf32> to vector<512x256xf32>
    %mul3A_50 = arith.mulf %dot_general3A_48, %mul3A_49 : vector<512x256xf32>
    %mul3A_51 = vector.broadcast %get3A_21 : vector<512x1xf32> to vector<512x256xf32>
    %mul3A_52 = arith.mulf %mul3A_50, %mul3A_51 : vector<512x256xf32>
    %slice3A = vector.extract_strided_slice %mul3A_52 {offsets = [0, 0], sizes = [512, 128], strides = [1, 1]} : vector<512x256xf32> to vector<512x128xf32>
    %swap3A = arith.constant 0 : index
    %swap3A_53 = arith.constant 0 : index
    %swap3A_54 = vector.load %arg12[%swap3A, %swap3A_53] : memref<512x128xf32, #tpu.memory_space<vmem>>, vector<512x128xf32>
    tpu.vector_store %arg12[%swap3A, %swap3A_53], %slice3A {strides = array<i32>} : memref<512x128xf32, #tpu.memory_space<vmem>>, vector<512x128xf32>,
    %slice3A_55 = vector.extract_strided_slice %mul3A_52 {offsets = [0, 128], sizes = [512, 128], strides = [1, 1]} : vector<512x256xf32> to vector<512x128xf32>
    %swap3A_56 = arith.constant 0 : index
    %swap3A_57 = arith.constant 0 : index
    %swap3A_58 = vector.load %arg13[%swap3A_56, %swap3A_57] : memref<512x128xf32, #tpu.memory_space<vmem>>, vector<512x128xf32>
    tpu.vector_store %arg13[%swap3A_56, %swap3A_57], %slice3A_55 {strides = array<i32>} : memref<512x128xf32, #tpu.memory_space<vmem>>, vector<512x128xf32>,
    return
  }
  func.func @transform_0(%arg0: i32) -> (i32, i32) {
    %c0_i32 = arith.constant 0 : i32
    %c0_i32_0 = arith.constant 0 : i32
    return %arg0, %c0_i32 : i32, i32
  }
  func.func @transform_1(%arg0: i32) -> (i32, i32) {
    %c0_i32 = arith.constant 0 : i32
    %c0_i32_0 = arith.constant 0 : i32
    return %arg0, %c0_i32 : i32, i32
  }
  func.func @transform_2(%arg0: i32) -> (i32, i32) {
    %c0_i32 = arith.constant 0 : i32
    %c0_i32_0 = arith.constant 0 : i32
    return %arg0, %c0_i32 : i32, i32
  }
  func.func @transform_3(%arg0: i32) -> (i32, i32) {
    %c0_i32 = arith.constant 0 : i32
    %c0_i32_0 = arith.constant 0 : i32
    %c0_i32_1 = arith.constant 0 : i32
    return %c0_i32, %c0_i32_0 : i32, i32
  }
  func.func @transform_4(%arg0: i32) -> (i32, i32) {
    %c0_i32 = arith.constant 0 : i32
    %c0_i32_0 = arith.constant 0 : i32
    %c0_i32_1 = arith.constant 0 : i32
    return %c0_i32, %c0_i32_0 : i32, i32
  }
  func.func @transform_5(%arg0: i32) -> (i32, i32) {
    %c0_i32 = arith.constant 0 : i32
    %c0_i32_0 = arith.constant 0 : i32
    %c0_i32_1 = arith.constant 0 : i32
    return %c0_i32, %c0_i32_0 : i32, i32
  }
  func.func @transform_6(%arg0: i32) -> (i32, i32) {
    %c0_i32 = arith.constant 0 : i32
    %c0_i32_0 = arith.constant 0 : i32
    %c0_i32_1 = arith.constant 0 : i32
    return %c0_i32, %c0_i32_0 : i32, i32
  }
  func.func @transform_7(%arg0: i32) -> (i32, i32) {
    %c0_i32 = arith.constant 0 : i32
    %c0_i32_0 = arith.constant 0 : i32
    %c0_i32_1 = arith.constant 0 : i32
    return %c0_i32, %c0_i32_0 : i32, i32
  }
  func.func @transform_8(%arg0: i32) -> (i32, i32) {
    %c0_i32 = arith.constant 0 : i32
    %c0_i32_0 = arith.constant 0 : i32
    %c0_i32_1 = arith.constant 0 : i32
    return %c0_i32, %c0_i32_0 : i32, i32
  }
  func.func @transform_9(%arg0: i32) -> (i32, i32) {
    %c0_i32 = arith.constant 0 : i32
    %c0_i32_0 = arith.constant 0 : i32
    %c0_i32_1 = arith.constant 0 : i32
    return %c0_i32, %c0_i32_0 : i32, i32
  }
  func.func @transform_10(%arg0: i32) -> (i32, i32) {
    %c0_i32 = arith.constant 0 : i32
    %c0_i32_0 = arith.constant 0 : i32
    %c0_i32_1 = arith.constant 0 : i32
    return %c0_i32, %c0_i32_0 : i32, i32
  }
  func.func @transform_11(%arg0: i32) -> (i32, i32) {
    %c0_i32 = arith.constant 0 : i32
    %c0_i32_0 = arith.constant 0 : i32
    return %arg0, %c0_i32 : i32, i32
  }
  func.func @transform_12(%arg0: i32) -> (i32, i32) {
    %c0_i32 = arith.constant 0 : i32
    %c0_i32_0 = arith.constant 0 : i32
    return %arg0, %c0_i32 : i32, i32
  }
}

module attributes {stable_mosaic.version = 14 : i64} {
  func.func @_l3_body(%arg0: i32, %arg1: memref<512x128xf32, #tpu.memory_space<vmem>>, %arg2: memref<512x128xf32, #tpu.memory_space<vmem>>, %arg3: memref<512x1xf32, #tpu.memory_space<vmem>>, %arg4: memref<1x256xf32, #tpu.memory_space<vmem>>, %arg5: memref<1x256xf32, #tpu.memory_space<vmem>>, %arg6: memref<1x256xf32, #tpu.memory_space<vmem>>, %arg7: memref<1x256xf32, #tpu.memory_space<vmem>>, %arg8: memref<1x256xf32, #tpu.memory_space<vmem>>, %arg9: memref<256x128xf32, #tpu.memory_space<vmem>>, %arg10: memref<512x128xf32, #tpu.memory_space<vmem>>) attributes {dimension_semantics = [#tpu.dimension_semantics<arbitrary>], iteration_bounds = array<i64: 20>, scalar_prefetch = 0 : i64, scratch_operands = 0 : i64, tpu.core_type = #tpu.core_type<tc>, window_params = [{transform_indices = @transform_0, window_bounds = array<i64: 512, 128>}, {transform_indices = @transform_1, window_bounds = array<i64: 512, 128>}, {transform_indices = @transform_2, window_bounds = array<i64: 512, 1>}, {pipeline_mode = #tpu.pipeline_mode<synchronous>, transform_indices = @transform_3, window_bounds = array<i64: 1, 256>}, {pipeline_mode = #tpu.pipeline_mode<synchronous>, transform_indices = @transform_4, window_bounds = array<i64: 1, 256>}, {pipeline_mode = #tpu.pipeline_mode<synchronous>, transform_indices = @transform_5, window_bounds = array<i64: 1, 256>}, {pipeline_mode = #tpu.pipeline_mode<synchronous>, transform_indices = @transform_6, window_bounds = array<i64: 1, 256>}, {pipeline_mode = #tpu.pipeline_mode<synchronous>, transform_indices = @transform_7, window_bounds = array<i64: 1, 256>}, {pipeline_mode = #tpu.pipeline_mode<synchronous>, transform_indices = @transform_8, window_bounds = array<i64: 256, 128>}, {transform_indices = @transform_9, window_bounds = array<i64: 512, 128>}]} {
    %get3A = arith.constant 0 : index
    %get3A_0 = arith.constant 0 : index
    %get3A_1 = vector.load %arg5[%get3A, %get3A_0] : memref<1x256xf32, #tpu.memory_space<vmem>>, vector<1x256xf32>
    %get3A_2 = arith.constant 0 : index
    %get3A_3 = arith.constant 0 : index
    %get3A_4 = vector.load %arg8[%get3A_2, %get3A_3] : memref<1x256xf32, #tpu.memory_space<vmem>>, vector<1x256xf32>
    %add3A = arith.constant 9.99999974E-6 : f32
    %add3A_5 = vector.broadcast %add3A : f32 to vector<1x256xf32>
    %add3A_6 = arith.addf %get3A_4, %add3A_5 : vector<1x256xf32>
    %rsqrt3A = math.rsqrt %add3A_6 : vector<1x256xf32>
    %mul3A = arith.mulf %get3A_1, %rsqrt3A : vector<1x256xf32>
    %get3A_7 = arith.constant 0 : index
    %get3A_8 = arith.constant 0 : index
    %get3A_9 = vector.load %arg4[%get3A_7, %get3A_8] : memref<1x256xf32, #tpu.memory_space<vmem>>, vector<1x256xf32>
    %mul3A_10 = arith.mulf %get3A_9, %mul3A : vector<1x256xf32>
    %get3A_11 = arith.constant 0 : index
    %get3A_12 = arith.constant 0 : index
    %get3A_13 = vector.load %arg6[%get3A_11, %get3A_12] : memref<1x256xf32, #tpu.memory_space<vmem>>, vector<1x256xf32>
    %add3A_14 = arith.addf %mul3A_10, %get3A_13 : vector<1x256xf32>
    %get3A_15 = arith.constant 0 : index
    %get3A_16 = arith.constant 0 : index
    %get3A_17 = vector.load %arg7[%get3A_15, %get3A_16] : memref<1x256xf32, #tpu.memory_space<vmem>>, vector<1x256xf32>
    %mul3A_18 = arith.mulf %get3A_17, %mul3A : vector<1x256xf32>
    %sub3A = arith.subf %add3A_14, %mul3A_18 : vector<1x256xf32>
    %get3A_19 = arith.constant 0 : index
    %get3A_20 = arith.constant 0 : index
    %get3A_21 = vector.load %arg3[%get3A_19, %get3A_20] : memref<512x1xf32, #tpu.memory_space<vmem>>, vector<512x1xf32>
    %get3A_22 = arith.constant 0 : index
    %get3A_23 = arith.constant 0 : index
    %get3A_24 = vector.load %arg1[%get3A_22, %get3A_23] : memref<512x128xf32, #tpu.memory_space<vmem>>, vector<512x128xf32>
    %get3A_25 = arith.constant 0 : index
    %get3A_26 = arith.constant 0 : index
    %get3A_27 = vector.load %arg2[%get3A_25, %get3A_26] : memref<512x128xf32, #tpu.memory_space<vmem>>, vector<512x128xf32>
    %concatenate3A = tpu.concatenate %get3A_24, %get3A_27 in 1 : vector<512x128xf32>, vector<512x128xf32> -> vector<512x256xf32>
    %mul3A_28 = vector.broadcast %get3A_21 : vector<512x1xf32> to vector<512x256xf32>
    %mul3A_29 = arith.mulf %concatenate3A, %mul3A_28 : vector<512x256xf32>
    %add3A_30 = vector.broadcast %sub3A : vector<1x256xf32> to vector<512x256xf32>
    %add3A_31 = arith.addf %mul3A_29, %add3A_30 : vector<512x256xf32>
    %max3A = arith.constant 0.000000e+00 : f32
    %max3A_32 = vector.broadcast %max3A : f32 to vector<512x256xf32>
    %max3A_33 = arith.maximumf %add3A_31, %max3A_32 : vector<512x256xf32>
    %get3A_34 = arith.constant 0 : index
    %get3A_35 = arith.constant 0 : index
    %get3A_36 = vector.load %arg9[%get3A_34, %get3A_35] : memref<256x128xf32, #tpu.memory_space<vmem>>, vector<256x128xf32>
    %dot_general3A = arith.constant dense<0.000000e+00> : vector<512x128xf32>
    %dot_general3A_37 = tpu.matmul %max3A_33, %get3A_36, %dot_general3A {dimension_numbers = #tpu.dot_dimension_numbers<[1], [0], [0], [1], [0, 0, 1, 1], [], []>, transpose_lhs_hint = false} : vector<512x256xf32>, vector<256x128xf32>, vector<512x128xf32> -> vector<512x128xf32>
    %mul3A_38 = vector.broadcast %get3A_21 : vector<512x1xf32> to vector<512x128xf32>
    %mul3A_39 = arith.mulf %dot_general3A_37, %mul3A_38 : vector<512x128xf32>
    %swap3A = arith.constant 0 : index
    %swap3A_40 = arith.constant 0 : index
    %swap3A_41 = vector.load %arg10[%swap3A, %swap3A_40] : memref<512x128xf32, #tpu.memory_space<vmem>>, vector<512x128xf32>
    tpu.vector_store %arg10[%swap3A, %swap3A_40], %mul3A_39 {strides = array<i32>} : memref<512x128xf32, #tpu.memory_space<vmem>>, vector<512x128xf32>,
    return
  }
  func.func @transform_0(%arg0: i32) -> (i32, i32) {
    %c0_i32 = arith.constant 0 : i32
    %c0_i32_0 = arith.constant 0 : i32
    return %arg0, %c0_i32 : i32, i32
  }
  func.func @transform_1(%arg0: i32) -> (i32, i32) {
    %c0_i32 = arith.constant 0 : i32
    %c0_i32_0 = arith.constant 0 : i32
    return %arg0, %c0_i32 : i32, i32
  }
  func.func @transform_2(%arg0: i32) -> (i32, i32) {
    %c0_i32 = arith.constant 0 : i32
    %c0_i32_0 = arith.constant 0 : i32
    return %arg0, %c0_i32 : i32, i32
  }
  func.func @transform_3(%arg0: i32) -> (i32, i32) {
    %c0_i32 = arith.constant 0 : i32
    %c0_i32_0 = arith.constant 0 : i32
    %c0_i32_1 = arith.constant 0 : i32
    return %c0_i32, %c0_i32_0 : i32, i32
  }
  func.func @transform_4(%arg0: i32) -> (i32, i32) {
    %c0_i32 = arith.constant 0 : i32
    %c0_i32_0 = arith.constant 0 : i32
    %c0_i32_1 = arith.constant 0 : i32
    return %c0_i32, %c0_i32_0 : i32, i32
  }
  func.func @transform_5(%arg0: i32) -> (i32, i32) {
    %c0_i32 = arith.constant 0 : i32
    %c0_i32_0 = arith.constant 0 : i32
    %c0_i32_1 = arith.constant 0 : i32
    return %c0_i32, %c0_i32_0 : i32, i32
  }
  func.func @transform_6(%arg0: i32) -> (i32, i32) {
    %c0_i32 = arith.constant 0 : i32
    %c0_i32_0 = arith.constant 0 : i32
    %c0_i32_1 = arith.constant 0 : i32
    return %c0_i32, %c0_i32_0 : i32, i32
  }
  func.func @transform_7(%arg0: i32) -> (i32, i32) {
    %c0_i32 = arith.constant 0 : i32
    %c0_i32_0 = arith.constant 0 : i32
    %c0_i32_1 = arith.constant 0 : i32
    return %c0_i32, %c0_i32_0 : i32, i32
  }
  func.func @transform_8(%arg0: i32) -> (i32, i32) {
    %c0_i32 = arith.constant 0 : i32
    %c0_i32_0 = arith.constant 0 : i32
    %c0_i32_1 = arith.constant 0 : i32
    return %c0_i32, %c0_i32_0 : i32, i32
  }
  func.func @transform_9(%arg0: i32) -> (i32, i32) {
    %c0_i32 = arith.constant 0 : i32
    %c0_i32_0 = arith.constant 0 : i32
    return %arg0, %c0_i32 : i32, i32
  }
}

module attributes {stable_mosaic.version = 14 : i64} {
  func.func @_fin_body(%arg0: i32, %arg1: memref<512x128xf32, #tpu.memory_space<vmem>>, %arg2: memref<512x128xf32, #tpu.memory_space<vmem>>, %arg3: memref<512x128xf32, #tpu.memory_space<vmem>>, %arg4: memref<512x1xf32, #tpu.memory_space<vmem>>, %arg5: memref<1x128xf32, #tpu.memory_space<vmem>>, %arg6: memref<512x128xf32, #tpu.memory_space<vmem>>) attributes {dimension_semantics = [#tpu.dimension_semantics<arbitrary>], iteration_bounds = array<i64: 20>, scalar_prefetch = 0 : i64, scratch_operands = 0 : i64, tpu.core_type = #tpu.core_type<tc>, window_params = [{transform_indices = @transform_0, window_bounds = array<i64: 512, 128>}, {transform_indices = @transform_1, window_bounds = array<i64: 512, 128>}, {transform_indices = @transform_2, window_bounds = array<i64: 512, 128>}, {transform_indices = @transform_3, window_bounds = array<i64: 512, 1>}, {pipeline_mode = #tpu.pipeline_mode<synchronous>, transform_indices = @transform_4, window_bounds = array<i64: 1, 128>}, {transform_indices = @transform_5, window_bounds = array<i64: 512, 128>}]} {
    %get3A = arith.constant 0 : index
    %get3A_0 = arith.constant 0 : index
    %get3A_1 = vector.load %arg1[%get3A, %get3A_0] : memref<512x128xf32, #tpu.memory_space<vmem>>, vector<512x128xf32>
    %get3A_2 = arith.constant 0 : index
    %get3A_3 = arith.constant 0 : index
    %get3A_4 = vector.load %arg2[%get3A_2, %get3A_3] : memref<512x128xf32, #tpu.memory_space<vmem>>, vector<512x128xf32>
    %add3A = arith.addf %get3A_1, %get3A_4 : vector<512x128xf32>
    %get3A_5 = arith.constant 0 : index
    %get3A_6 = arith.constant 0 : index
    %get3A_7 = vector.load %arg3[%get3A_5, %get3A_6] : memref<512x128xf32, #tpu.memory_space<vmem>>, vector<512x128xf32>
    %sub3A = arith.subf %add3A, %get3A_7 : vector<512x128xf32>
    %get3A_8 = arith.constant 0 : index
    %get3A_9 = arith.constant 0 : index
    %get3A_10 = vector.load %arg4[%get3A_8, %get3A_9] : memref<512x1xf32, #tpu.memory_space<vmem>>, vector<512x1xf32>
    %mul3A = vector.broadcast %get3A_10 : vector<512x1xf32> to vector<512x128xf32>
    %mul3A_11 = arith.mulf %sub3A, %mul3A : vector<512x128xf32>
    %get3A_12 = arith.constant 0 : index
    %get3A_13 = arith.constant 0 : index
    %get3A_14 = vector.load %arg5[%get3A_12, %get3A_13] : memref<1x128xf32, #tpu.memory_space<vmem>>, vector<1x128xf32>
    %add3A_15 = vector.broadcast %get3A_14 : vector<1x128xf32> to vector<512x128xf32>
    %add3A_16 = arith.addf %mul3A_11, %add3A_15 : vector<512x128xf32>
    %swap3A = arith.constant 0 : index
    %swap3A_17 = arith.constant 0 : index
    %swap3A_18 = vector.load %arg6[%swap3A, %swap3A_17] : memref<512x128xf32, #tpu.memory_space<vmem>>, vector<512x128xf32>
    tpu.vector_store %arg6[%swap3A, %swap3A_17], %add3A_16 {strides = array<i32>} : memref<512x128xf32, #tpu.memory_space<vmem>>, vector<512x128xf32>,
    return
  }
  func.func @transform_0(%arg0: i32) -> (i32, i32) {
    %c0_i32 = arith.constant 0 : i32
    %c0_i32_0 = arith.constant 0 : i32
    return %arg0, %c0_i32 : i32, i32
  }
  func.func @transform_1(%arg0: i32) -> (i32, i32) {
    %c0_i32 = arith.constant 0 : i32
    %c0_i32_0 = arith.constant 0 : i32
    return %arg0, %c0_i32 : i32, i32
  }
  func.func @transform_2(%arg0: i32) -> (i32, i32) {
    %c0_i32 = arith.constant 0 : i32
    %c0_i32_0 = arith.constant 0 : i32
    return %arg0, %c0_i32 : i32, i32
  }
  func.func @transform_3(%arg0: i32) -> (i32, i32) {
    %c0_i32 = arith.constant 0 : i32
    %c0_i32_0 = arith.constant 0 : i32
    return %arg0, %c0_i32 : i32, i32
  }
  func.func @transform_4(%arg0: i32) -> (i32, i32) {
    %c0_i32 = arith.constant 0 : i32
    %c0_i32_0 = arith.constant 0 : i32
    %c0_i32_1 = arith.constant 0 : i32
    return %c0_i32, %c0_i32_0 : i32, i32
  }
  func.func @transform_5(%arg0: i32) -> (i32, i32) {
    %c0_i32 = arith.constant 0 : i32
    %c0_i32_0 = arith.constant 0 : i32
    return %arg0, %c0_i32 : i32, i32
  }
}

</mosaic_0001>

<sc_bundles>
// kernel: kernel.10.cloned.1.call-start
scs
__scs_entry_jumppad:
0x0: {  	(pc) =	sbr.rel $0x88, $3  }
0x1: {  	(tag) =	ssettag $0x0;
	lr =	simm.s32 $0x1  }
0x2: {  	[smem:$0x3F91] =	sst lr;
	_ =	strace $0xD0000000  }
0x3: {  	_ = 	snop  }
0x4: {  	_ = 	snop  }
0x5: {  	_ = 	snop  }
0x6: {  	_ = 	snop  }
0x7: {  	_ = 	snop  }
__scs_overlays_trampoline_lowered:
0x8: {  	[smem:$0x3FA0] =	sst s0  }
0x9: {  	[smem:$0x3FA1] =	sst s1  }
0xa: {  	[smem:$0x3FA2] =	sst s2  }
0xb: {  	[smem:$0x3FA3] =	sst s3  }
0xc: {  	[smem:$0x3FA4] =	sst s4  }
0xd: {  	[smem:$0x3FA5] =	sst s5  }
0xe: {  	[smem:$0x3FA6] =	sst s6  }
0xf: {  	[smem:$0x3FA7] =	sst s7  }
0x10: {  	[smem:$0x3FA8] =	sst s8  }
0x11: {  	[smem:$0x3FA9] =	sst s9;
	s0 =	simm.s32 @!p0 $0x0  }
0x12: {  	s1 =	sld [smem:$0x3F8F];
	s0 =	simm.s32 @p0 $0x1  }
0x13: {  	[smem:$0x3FAA] =	sst s0;
	s0 =	simm.s32 @!p1 $0x0  }
0x14: {  	s2 =	sld [smem:$0x3F8E];
	s0 =	simm.s32 @p1 $0x1  }
0x15: {  	[smem:$0x3FAB] =	sst s0;
	s0 =	simm.s32 @!p2 $0x0  }
0x16: {  	s3 =	sld [smem:$0x3FDB];
	s0 =	simm.s32 @p2 $0x1  }
0x17: {  	s4 =	simm.s32 $0x1BF5;
	[smem:$0x3FAD] =	sst s0  }
0x18: {  	s0 =	sld [smem:$0x3F90];
	_ =	swait.ge [sflag:s4], $0x0  }
0x19: {  	s7 =	sld [smem:$0x3F91]  }
0x1a: {  	s8 =	sadd.s32 $0xFFFFE003, lr  }
0x1b: {  	s9 =	sadd.s32 $0xFFFFFEF7, lr;
	s5 =	simm.s32 $0xFFFFFFFF;
	p2 =	slt.u32 s8, $0xFFFFF086  }
0x1c: {  	p1 =	slt.u32 s9, $0xF7A;
	s5 =	simm.s32 @!p2 $0x0  }
0x1d: {  	s5 =	simm.s32 @p1 $0x1;
	p0 =	seq.s32 s7, s2  }
0x1e: {  	s7 =	smul.u32 @!p0 $0xF7A, s2;
	p2 =	seq.s32 @!p0 s5, $0x0  }
0x1f: {  	s9 =	smul.u32 $0xF7A, s1;
	s8 =	simm.s32 @!p0 $0x1BF5;
	p2 =	por !p2, p0  }
0x20: {  	[sflag:s8] =	ssyncset.s32 @!p0 $0xFFFFF086;
	s6 =	sadd.s32 @!p0 s3, s7;
	s7 =	simm.s32 @!p0 $0x108  }
0x21: {  	s3 =	sadd.s32 s3, s9;
	s6 =	sadd.s32 @!p0 $0x88, s6;
	s7 =	simm.s32 @p2 $0x1082  }
0x22: {  	[simem:s7], [sflag:s8] =	dma.local @!p0 [hbm:s6], $0xF7A  }
0x23: {  	s9 =	sor.u32 $0xD0000000, s2;
	s6 =	simm.s32 $0x108;
	_ =	swait.ge @!p0 [sflag:s8], $0x0  }
0x24: {  	s3 =	sadd.s32 $0x88, s3;
	s6 =	simm.s32 @!p1 $0x1082;
	[sflag:s4] =	ssyncset.s32 $0xFFFFF086  }
0x25: {  	[simem:s6], [sflag:s4] =	dma.local [hbm:s3], $0xF7A  }
0x26: {  	[smem:$0x3F91] =	sst s1;
	(tag) =	ssettag s2;
	_ =	strace s9  }
0x27: {  	s1 =	sld [smem:$0x3FA1]  }
0x28: {  	s2 =	sld [smem:$0x3FA2]  }
0x29: {  	s4 =	sld [smem:$0x3FA4]  }
0x2a: {  	p0 =	seq.s32 s5, $0x0;
	s5 =	sld [smem:$0x3FA5]  }
0x2b: {  	s6 =	sld [smem:$0x3FA6]  }
0x2c: {  	s7 =	sld [smem:$0x3FA7]  }
0x2d: {  	s3 =	simm.s32 $0x108;
	s8 =	sld [smem:$0x3FA8]  }
0x2e: {  	s3 =	simm.s32 @!p0 $0x1082;
	s9 =	sld [smem:$0x3FA9]  }
0x2f: {  	lr =	sadd.s32 s0, s3;
	s0 =	sld [smem:$0x3FA0]  }
0x30: {  	s3 =	sld [smem:$0x3FA3]  }
0x31: {  	[smem:$0x3FAC] =	sst s10  }
0x32: {  	s10 =	sld [smem:$0x3FAA];
	_ =	sdelay $0x3  }
0x33: {  	p0 =	seq.s32 s10, $0x1;
	s10 =	sld [smem:$0x3FAC];
	_ =	sdelay $0x3  }
0x34: {  	[smem:$0x3FAC] =	sst s10  }
0x35: {  	s10 =	sld [smem:$0x3FAB];
	_ =	sdelay $0x3  }
0x36: {  	p1 =	seq.s32 s10, $0x1;
	s10 =	sld [smem:$0x3FAC];
	_ =	sdelay $0x3  }
0x37: {  	[smem:$0x3FAC] =	sst s10  }
0x38: {  	s10 =	sld [smem:$0x3FAD]  }
0x39: {  	_ = 	snop;
	(pc) =	sbr.ind lr, $3  }
0x3a: {  	_ = 	snop  }
0x3b: {  	_ = 	snop  }
0x3c: {  	p2 =	seq.s32 s10, $0x1;
	s10 =	sld [smem:$0x3FAC]  }
0x3d: {  	_ =	shalt  }
0x3e: {  	_ =	shalt  }
0x3f: {  	_ =	shalt  }
0x40: {  	_ =	shalt  }
0x41: {  	_ =	shalt  }
0x42: {  	_ =	shalt  }
0x43: {  	_ =	shalt  }
0x44: {  	_ =	shalt  }
0x45: {  	_ =	shalt  }
0x46: {  	_ =	shalt  }
0x47: {  	_ =	shalt  }
0x48: {  	_ =	shalt  }
0x49: {  	_ =	shalt  }
0x4a: {  	_ =	shalt  }
0x4b: {  	_ =	shalt  }
0x4c: {  	_ =	shalt  }
0x4d: {  	_ =	shalt  }
0x4e: {  	_ =	shalt  }
0x4f: {  	_ =	shalt  }
0x50: {  	_ =	shalt  }
0x51: {  	_ =	shalt  }
0x52: {  	_ =	shalt  }
0x53: {  	_ =	shalt  }
0x54: {  	_ =	shalt  }
0x55: {  	_ =	shalt  }
0x56: {  	_ =	shalt  }
0x57: {  	_ =	shalt  }
0x58: {  	_ =	shalt  }
0x59: {  	_ =	shalt  }
0x5a: {  	_ =	shalt  }
0x5b: {  	_ =	shalt  }
0x5c: {  	_ =	shalt  }
0x5d: {  	_ =	shalt  }
0x5e: {  	_ =	shalt  }
0x5f: {  	_ =	shalt  }
0x60: {  	_ =	shalt  }
0x61: {  	_ =	shalt  }
0x62: {  	_ =	shalt  }
0x63: {  	_ =	shalt  }
0x64: {  	_ =	shalt  }
0x65: {  	_ =	shalt  }
0x66: {  	_ =	shalt  }
0x67: {  	_ =	shalt  }
0x68: {  	_ =	shalt  }
0x69: {  	_ =	shalt  }
0x6a: {  	_ =	shalt  }
0x6b: {  	_ =	shalt  }
0x6c: {  	_ =	shalt  }
0x6d: {  	_ =	shalt  }
0x6e: {  	_ =	shalt  }
0x6f: {  	_ =	shalt  }
0x70: {  	_ =	shalt  }
0x71: {  	_ =	shalt  }
0x72: {  	_ =	shalt  }
0x73: {  	_ =	shalt  }
0x74: {  	_ =	shalt  }
0x75: {  	_ =	shalt  }
0x76: {  	_ =	shalt  }
0x77: {  	_ =	shalt  }
0x78: {  	_ =	shalt  }
0x79: {  	_ =	shalt  }
0x7a: {  	_ =	shalt  }
0x7b: {  	_ =	shalt  }
0x7c: {  	_ =	shalt  }
0x7d: {  	_ =	shalt  }
0x7e: {  	_ =	shalt  }
0x7f: {  	_ =	shalt  }
0x80: {  	_ =	shalt  }
0x81: {  	_ =	shalt  }
0x82: {  	_ =	shalt  }
0x83: {  	_ =	shalt  }
0x84: {  	_ =	shalt  }
0x85: {  	_ =	shalt  }
0x86: {  	_ =	shalt  }
0x87: {  	_ =	shalt  }
.Lfunc_end0:
.L_simem_size_0:
called_computation_lowered:
.L_overlay_start_0:
0x88: {  	s2 =	sld [smem:$0x3FD9]  }
0x89: {  	s3 =	sld [smem:$0x3FFE];
	_ =	sdelay $0x1  }
0x8a: {  	s1 =	srdreg.scid  }
0x8b: {  	s0 =	sand.u32 $0x1, s1  }
0x8c: {  	s17 =	sshll.u32 s0, $0xA;
	s2 =	sadd.s32 s3, s2  }
0x8d: {  	s2 =	sadd.s32 s2, s17  }
0x8e: {  	[smem:$0x3FB8] =	sst s2  }
0x8f: {  	_ = 	snop  }
0x90: {  	s2 =	sld [smem:$0x3FD0];
	(tm) =	ssettm $0x1  }
0x91: {  	s18 =	sld [smem:$0x3FFB];
	_ =	sdelay $0x3  }
0x92: {  	_ =	strace s18  }
0x93: {  	s3 =	sld [smem:$0x3FFC];
	_ =	sdelay $0x3  }
0x94: {  	_ =	strace s3  }
0x95: {  	s3 =	sld [smem:$0x3FFD];
	_ =	sdelay $0x3  }
0x96: {  	_ =	strace s3  }
0x97: {  	_ =	strace $0x8FFFFFFF  }
0x98: {  	s19 =	sld [smem:$0x3FDB];
	_ =	sdelay $0x1  }
0x99: {  	s4 =	simm.s32 $_scs_section_size  }
0x9a: {  	s5 =	simm.s32 $_size__tile_overlayer_lowered;
	s6 =	simm.s32 $_tile_overlayer_lowered  }
0x9b: {  	s22 =	simm.s32 $0x1BFF;
	s21 =	sshll.u32 s6, $0x1;
	s3 =	sadd.s32 s4, s19  }
0x9c: {  	s7 =	simm.s32 $0x0;
	s20 =	sshll.u32 s5, $0x1;
	s5 =	sadd.s32 s21, s3  }
0x9d: {  	[timem:s7], [sflag:s22] =	dma.local [hbm:s5], s20  }
0x9e: {  	_ =	swait.ge [sflag:s22], s20  }
0x9f: {  	s4 =	ssub.s32 $0x0, s20;
	[sflag:s22] =	ssyncset.done $0x0  }
0xa0: {  	[sflag:s22] =	ssyncadd.s32 s4;
	_ =	sdelay $0x1  }
0xa1: {  	s23 =	simm.s32 $0x1B8B  }
0xa2: {  	_ =	swait.ge [sflag:s23], $0x1  }
0xa3: {  	[sflag:s23] =	ssyncset.done $0x0  }
0xa4: {  	s25 =	simm.s32 $0x1B8E;
	s24 =	sld [smem:$0x3FFE];
	[sflag:s23] =	ssyncadd.s32 $0xFFFFFFFF  }
0xa5: {  	s26 =	simm.s32 $execute0_lowered;
	[smem:$0x3FD2] =	sst s25  }
0xa6: {  	s5 =	sshll.u32 s26, $0x1;
	_ =	strace $0x80000046;
	[dreg:$0x1] =	wrdreg $0xFFFFFFFF  }
0xa7: {  	s28 =	simm.s32 $_size_execute0_lowered;
	s3 =	sadd.s32 s3, s5;
	[dreg:$0x0] =	wrdreg $0x0  }
0xa8: {  	s5 =	sshll.u32 s28, $0x1;
	[dreg:$0x2] =	wrdreg s3  }
0xa9: {  	[dreg:$0x3] =	wrdreg s5  }
0xaa: {  	[dreg:$0x4] =	wrdreg $0xC0  }
0xab: {  	_ =	task [dreg:s7], $0x5FFFF  }
0xac: {  	[dreg:$0x1] =	wrdreg $0xFFFFFFFF  }
0xad: {  	[dreg:$0x0] =	wrdreg $0x60  }
0xae: {  	[dreg:$0x2] =	wrdreg s2  }
0xaf: {  	[dreg:$0x3] =	wrdreg s24  }
0xb0: {  	[dreg:$0x4] =	wrdreg $0x0  }
0xb1: {  	[dreg:$0x5] =	wrdreg $0x9  }
0xb2: {  	_ =	task.clear_ibuf [dreg:s7], $0x6FFFF;
	_ =	strace $0x90000046  }
0xb3: {  	s29 =	simm.s32 $0x9;
	_ =	strace $0x80000048  }
0xb4: {  	_ =	swait.ge [sflag:s29], $0x1  }
0xb5: {  	[sflag:s29] =	ssyncadd.s32 $0xFFFFFFFF  }
0xb6: {  	_ =	strace $0x90000048  }
0xb7: {  	_ =	sfence  }
0xb8: {  	s30 =	sld [smem:$0x0];
	_ =	sdelay $0x2  }
0xb9: {  	s31 =	sshll.u32 s1, $0xD;
	s1 =	sshrl.u32 s1, $0x2  }
0xba: {  	s3 =	sand.u32 $0x4000, s31;
	s1 =	sadd.s32 s1, s30  }
0xbb: {  	s0 =	sor.u32 s3, s0;
	s1 =	sshll.u32 s1, $0x11  }
0xbc: {  	s0 =	sor.u32 s1, s0  }
0xbd: {  	s0 =	sadd.s32 $0x8F2B, s0  }
0xbe: {  	[sflag:s0] =	ssyncadd.remote.s32 $0x1  }
0xbf: {  	_ =	sfence.sel $0xFFFF  }
0xc0: {  	[dreg:$0x0] =	wrdreg $0xFFFFFFFF;
	(pc) =	sbr.abs _section_cstart, $3  }
0xc1: {  	[dreg:$0x1] =	wrdreg $0xFFFFFFFF  }
0xc2: {  	_ =	task.clear_ibuf [dreg:s7], $0x2FFFF;
	_ =	strace $0x9FFFFFFF  }
0xc3: {  	(tm) =	ssettm $0x7FFFFFFF  }
tec
execute0_lowered:
.L_overlay_start_1:
0x0: {  	(tag) =	ssettag $0x1  }
0x1: {  	s1 =	rddreg [dreg:$0x0]  }
0x2: {  	s14 =	rddreg [dreg:$0x1]  }
0x3: {  	s2 =	rddreg [dreg:$0x2]  }
0x4: {  	s3 =	srdreg.scid;
	s0 =	rddreg [dreg:$0x3]  }
0x5: {  	s4 =	simm.s32 $0x0;
	s16 =	simm.s32 $0x2E200;
	s19 =	simm.s32 $0xA800  }
0x6: {  	s20 =	simm.s32 $0xA880;
	s21 =	simm.s32 $0x1;
	s22 =	simm.s32 $0x80  }
0x7: {  	s23 =	simm.s32 $0x6800;
	s8 =	sand.u32 $0x1, s3;
	s3 =	stileid.u32  }
0x8: {  	s24 =	simm.s32 $0x2;
	s25 =	simm.s32 $0x0;
	s7 =	smul.u32 $0x50000, s3  }
0x9: {  	[smem:$0x7FF] =	sst s4;
	s5 =	sshll.u32 s8, $0x4;
	s15 =	smul.u32 $0x2800, s3  }
0xa: {  	s6 =	ssub.s32 $0x2, s8;
	_ =	strace $0x80000047;
	s12 =	smul.u32 $0x27800, s8  }
0xb: {  	p0 =	seq.s32 s8, $0x1;
	s13 =	smul.u32 $0x2780, s3;
	s5 =	sor.u32 s3, s5  }
0xc: {  	s9 =	sshrl.u32 s6, $0x1;
	s16 =	simm.s32 @!p0 $0x6200;
	s5 =	smul.u32 $0x2780, s5  }
0xd: {  	s9 =	ssub.s32 s6, s9;
	s29 =	sshrl.u32 s7, $0x2;
	s17 =	sadd.s32 s13, s12  }
0xe: {  	s14 =	sadd.s32 s16, s14;
	s8 =	smax.u32 s9, $0x1;
	s18 =	sadd.s32 $0x180, s17  }
0xf: {  	s14 =	sadd.s32 s14, s15;
	s16 =	sadd.s32 $0x100, s17;
	s17 =	simm.s32 $0x2800  }
0x10: {  	s30 =	sshrl.u32 s5, $0x3;
	s5 =	sadd.s32 s29, s2;
	s31 =	sshrl.u32 s18, $0x3  }
0x11: {  	s18 =	simm.s32 $0x3;
	s6 =	sadd.s32 s1, s30;
	s9 =	sadd.s32 $0x4000, s5  }
0x12: {  	s10 =	sadd.s32 $0x8000, s5;
	s11 =	sadd.s32 $0xC000, s5;
	s12 =	sadd.s32 $0x10000, s5  }
0x13: {  	v0 =	vimm.f32 $0.0e+00;
	v1 =	vimm.f32 $1.000000000e+00;
	s15 =	sadd.s32 s31, s1;
	s7 =	sadd.s32 $0x10, s6;
	s13 =	sadd.s32 $0x4E0, s6  }
.LBB2_1:
0x14: {  	s26 =	simm.s32 $0x200;
	s28 =	simm.s32 $0x0  }
.LBB2_2:
0x15: {  	p0 =	sne.s32 s26, $0xFE00;
	[tilespmem:s28+$0x2800] =	vst v0;
	s29 =	smov.u32 s26;
	s26 =	sadd.s32 $0x200, s26  }
.Ltmp0:
0x16: {  	[tilespmem:s28+$0x6800] =	vst v1;
	(pc) =	sbr.rel @p0 .LBB2_2-.Ltmp0, $2  }
0x17: {  	_ =	sdelay $0x2  }
0x18: {  	s28 =	sshra.s32 s29, $0x2  }
0x19: {  	[tilespmem:s28+$0x2800] =	vst v0  }
0x1a: {  	[tilespmem:s28+$0x6800] =	vst v1  }
0x1b: {  	[spmem:s5] =	stream.linear.scatter [tilespmem:s17], [sflag:$0x3], $0x4000, $0x38;
	[tilespmem:$0xA900] =	vst v63  }
0x1c: {  	_ =	swait.ge [sflag:s18], $0x4000  }
0x1d: {  	[sflag:s18] =	ssyncset.done $0x0  }
0x1e: {  	[sflag:s18] =	ssyncadd.s32 $0xFFFFC000  }
0x1f: {  	[spmem:s9] =	stream.linear.scatter [tilespmem:s17], [sflag:$0x3], $0x4000, $0x38;
	[tilespmem:$0xA900] =	vst v63  }
0x20: {  	_ =	swait.ge [sflag:s18], $0x4000  }
0x21: {  	[sflag:s18] =	ssyncset.done $0x0  }
0x22: {  	[sflag:s18] =	ssyncadd.s32 $0xFFFFC000  }
0x23: {  	[spmem:s10] =	stream.linear.scatter [tilespmem:s17], [sflag:$0x3], $0x4000, $0x38;
	[tilespmem:$0xA900] =	vst v63  }
0x24: {  	_ =	swait.ge [sflag:s18], $0x4000  }
0x25: {  	[sflag:s18] =	ssyncset.done $0x0  }
0x26: {  	[sflag:s18] =	ssyncadd.s32 $0xFFFFC000  }
0x27: {  	[spmem:s11] =	stream.linear.scatter [tilespmem:s17], [sflag:$0x3], $0x4000, $0x38;
	[tilespmem:$0xA900] =	vst v63  }
0x28: {  	_ =	swait.ge [sflag:s18], $0x4000  }
0x29: {  	[sflag:s18] =	ssyncset.done $0x0  }
0x2a: {  	[sflag:s18] =	ssyncadd.s32 $0xFFFFC000  }
0x2b: {  	[spmem:s12] =	stream.linear.scatter [tilespmem:s17], [sflag:$0x3], $0x4000, $0x38;
	[tilespmem:$0xA900] =	vst v63  }
0x2c: {  	_ =	swait.ge [sflag:s18], $0x4000  }
0x2d: {  	[sflag:s18] =	ssyncset.done $0x0  }
0x2e: {  	[sflag:s18] =	ssyncadd.s32 $0xFFFFC000  }
0x2f: {  	s26 =	simm.s32 $0x0;
	[bflag:$0x0] =	sbarrier.arrive $0xFFFF  }
0x30: {  	[tilespmem:s19], [sflag:$0x1] =	stream.linear.gather [hbm4b:s6+s26], $0x80, $0x38;
	[tilespmem:$0xA900] =	vst v63  }
0x31: {  	_ = 	snop  }
0x32: {  	[tilespmem:s20], [sflag:$0x2] =	stream.linear.gather [hbm4b:s7+s26], $0x80, $0x38;
	[tilespmem:$0xA900] =	vst v63  }
0x33: {  	_ =	swait.ge [sflag:s21], $0x80  }
0x34: {  	[sflag:s21] =	ssyncset.done $0x0  }
0x35: {  	[sflag:s21] =	ssyncadd.s32 $0xFFFFFF80  }
0x36: {  	[spmem:s2] =	stream.indirect.scatter.add.f32 [tilespmem:s23], [sflag:$0x3], $0x10, s19, s22, $0xb8;
	[tilespmem:$0xA900] =	vst v63  }
0x37: {  	_ =	swait.ge [sflag:s18], $0x800  }
0x38: {  	s31 =	sshrl.u32 s16, $0x3;
	[sflag:s18] =	ssyncset.done $0x0  }
0x39: {  	s26 =	sadd.s32 s1, s31;
	[sflag:s18] =	ssyncadd.s32 $0xFFFFF800  }
0x3a: {  	[tilespmem:s19], [sflag:$0x1] =	stream.linear.gather [hbm4b:s26+s4], $0x80, $0x38;
	[tilespmem:$0xA900] =	vst v63  }
0x3b: {  	_ =	swait.ge [sflag:s24], $0x80  }
0x3c: {  	[sflag:s24] =	ssyncset.done $0x0  }
0x3d: {  	[sflag:s24] =	ssyncadd.s32 $0xFFFFFF80  }
0x3e: {  	[spmem:s2] =	stream.indirect.scatter.add.f32 [tilespmem:s23], [sflag:$0x3], $0x10, s20, s22, $0xb8;
	[tilespmem:$0xA900] =	vst v63  }
0x3f: {  	_ =	swait.ge [sflag:s18], $0x800  }
0x40: {  	s29 =	sadd.s32 $0x0, s15;
	[sflag:s18] =	ssyncset.done $0x0  }
0x41: {  	s28 =	sadd.s32 $0x100, s16;
	s26 =	simm.s32 $0x20;
	[sflag:s18] =	ssyncadd.s32 $0xFFFFF800  }
.LBB2_4:
0x42: {  	[tilespmem:s20], [sflag:$0x2] =	stream.linear.gather [hbm4b:s29+s4], $0x80, $0x38;
	[tilespmem:$0xA900] =	vst v63  }
0x43: {  	s29 =	smov.u32 s26  }
0x44: {  	p0 =	sne.s32 s26, $0x4A0;
	s26 =	sadd.s32 $0x20, s26;
	_ =	swait.ge [sflag:s21], $0x80  }
0x45: {  	[sflag:s21] =	ssyncset.done $0x0  }
0x46: {  	[sflag:s21] =	ssyncadd.s32 $0xFFFFFF80  }
0x47: {  	[spmem:s2] =	stream.indirect.scatter.add.f32 [tilespmem:s23], [sflag:$0x3], $0x10, s19, s22, $0xb8;
	[tilespmem:$0xA900] =	vst v63  }
0x48: {  	_ =	swait.ge [sflag:s18], $0x800  }
0x49: {  	s30 =	sshrl.u32 s28, $0x3;
	[sflag:s18] =	ssyncset.done $0x0  }
0x4a: {  	s30 =	sadd.s32 s1, s30;
	[sflag:s18] =	ssyncadd.s32 $0xFFFFF800  }
0x4b: {  	[tilespmem:s19], [sflag:$0x1] =	stream.linear.gather [hbm4b:s30+s4], $0x80, $0x38;
	[tilespmem:$0xA900] =	vst v63  }
0x4c: {  	_ =	swait.ge [sflag:s24], $0x80  }
0x4d: {  	[sflag:s24] =	ssyncset.done $0x0  }
.Ltmp1:
0x4e: {  	[sflag:s24] =	ssyncadd.s32 $0xFFFFFF80;
	(pc) =	sbr.rel @p0 .LBB2_4-.Ltmp1, $4  }
0x4f: {  	[spmem:s2] =	stream.indirect.scatter.add.f32 [tilespmem:s23], [sflag:$0x3], $0x10, s20, s22, $0xb8;
	[tilespmem:$0xA900] =	vst v63  }
0x50: {  	_ =	swait.ge [sflag:s18], $0x800  }
0x51: {  	[sflag:s18] =	ssyncset.done $0x0  }
0x52: {  	s28 =	sadd.s32 $0x100, s28;
	s29 =	sadd.s32 s29, s15;
	[sflag:s18] =	ssyncadd.s32 $0xFFFFF800  }
0x53: {  	[tilespmem:s20], [sflag:$0x2] =	stream.linear.gather [hbm4b:s29+s4], $0x80, $0x38;
	[tilespmem:$0xA900] =	vst v63  }
0x54: {  	_ =	swait.ge [sflag:s21], $0x80  }
0x55: {  	[sflag:s21] =	ssyncset.done $0x0  }
0x56: {  	[sflag:s21] =	ssyncadd.s32 $0xFFFFFF80  }
0x57: {  	[spmem:s2] =	stream.indirect.scatter.add.f32 [tilespmem:s23], [sflag:$0x3], $0x10, s19, s22, $0xb8;
	[tilespmem:$0xA900] =	vst v63  }
0x58: {  	_ =	swait.ge [sflag:s18], $0x800  }
0x59: {  	[sflag:s18] =	ssyncset.done $0x0  }
0x5a: {  	[sflag:s18] =	ssyncadd.s32 $0xFFFFF800  }
0x5b: {  	[tilespmem:s19], [sflag:$0x1] =	stream.linear.gather [hbm4b:s13+s4], $0x80, $0x38;
	[tilespmem:$0xA900] =	vst v63  }
0x5c: {  	_ =	swait.ge [sflag:s24], $0x80  }
0x5d: {  	[sflag:s24] =	ssyncset.done $0x0  }
0x5e: {  	[sflag:s24] =	ssyncadd.s32 $0xFFFFFF80  }
0x5f: {  	[spmem:s2] =	stream.indirect.scatter.add.f32 [tilespmem:s23], [sflag:$0x3], $0x10, s20, s22, $0xb8;
	[tilespmem:$0xA900] =	vst v63  }
0x60: {  	_ =	swait.ge [sflag:s18], $0x800  }
0x61: {  	[sflag:s18] =	ssyncset.done $0x0  }
0x62: {  	[sflag:s18] =	ssyncadd.s32 $0xFFFFF800  }
0x63: {  	_ =	swait.ge [sflag:s21], $0x80  }
0x64: {  	[sflag:s21] =	ssyncset.done $0x0  }
0x65: {  	[sflag:s21] =	ssyncadd.s32 $0xFFFFFF80  }
0x66: {  	[spmem:s2] =	stream.indirect.scatter.add.f32 [tilespmem:s23], [sflag:$0x3], $0x10, s19, s22, $0xb8;
	[tilespmem:$0xA900] =	vst v63  }
0x67: {  	_ =	swait.ge [sflag:s18], $0x800  }
0x68: {  	s26 =	sshll.u32 s3, $0x6;
	s25 =	sadd.s32 $0x1, s25;
	[sflag:s18] =	ssyncset.done $0x0  }
0x69: {  	s28 =	sshrl.u32 s5, $0x3;
	p0 =	sne.s32 s25, s8;
	[sflag:s18] =	ssyncadd.s32 $0xFFFFF800  }
.Ltmp2:
0x6a: {  	s26 =	sor.u32 $0x1C03, s26;
	[bflag:$0x0] =	sbarrier.arrive $0xFFFF;
	(pc) =	sbr.rel @p0 .LBB2_1-.Ltmp2, $4  }
0x6b: {  	[hbm:s14], [sflag:s26] =	dma.local [spmem:s28], $0x2800  }
0x6c: {  	_ =	swait.ge [sflag:s18], $0x2800  }
0x6d: {  	[sflag:s18] =	ssyncset.done $0x0  }
0x6e: {  	[sflag:s18] =	ssyncadd.s32 $0xFFFFD800  }
0x6f: {  	_ =	sfence.sel $0x180000  }
0x70: {  	[bflag:$0x0] =	sbarrier.arrive $0xFFFF  }
0x71: {  	p0 =	sne.s32 s3, $0x0;
	_ =	strace $0x90000047  }
0x72: {  	s0 =	sadd.s32 @!p0 $0x100000, s0;
	[bflag:$0x2] =	sbarrier.arrive $0xFFFF  }
0x73: {  	[sflag:s0] =	ssyncadd.tile.s32 @!p0 $0x1;
	_ =	shalt  }
.Lfunc_end2:
_tile_overlayer_lowered:
.L_overlay_start_2:
0x74: {  	(tag) =	ssettag $0x2  }
0x75: {  	s0 =	rddreg [dreg:$0x0];
	s2 =	stileid.u32  }
0x76: {  	s1 =	rddreg [dreg:$0x1];
	p0 =	sne.s32 s2, $0x0  }
0x77: {  	s3 =	rddreg [dreg:$0x2];
	[bflag:$0x3] =	sbarrier.arrive $0xFFFF;
	s2 =	simm.s32 @!p0 $0x1C03  }
0x78: {  	[timem:s3], [sflag:s2] =	dma.local @!p0 [hbm:s0], s1  }
0x79: {  	s0 =	simm.s32 @!p0 $0x3  }
0x7a: {  	_ =	swait.ge @!p0 [sflag:s0], s1  }
0x7b: {  	s1 =	ssub.s32 @!p0 $0x0, s1;
	[sflag:s0] =	ssyncset.done @!p0 $0x0  }
0x7c: {  	[sflag:s0] =	ssyncadd.s32 @!p0 s1  }
0x7d: {  	[bflag:$0x3] =	sbarrier.arrive $0xFFFF  }
0x7e: {  	_ =	shalt  }

// kernel: kernel.13.cloned.1.call-start
scs
__scs_entry_jumppad:
0x0: {  	(pc) =	sbr.rel $0x88, $3  }
0x1: {  	(tag) =	ssettag $0x0;
	lr =	simm.s32 $0x1  }
0x2: {  	[smem:$0x3F91] =	sst lr;
	_ =	strace $0xD0000000  }
0x3: {  	_ = 	snop  }
0x4: {  	_ = 	snop  }
0x5: {  	_ = 	snop  }
0x6: {  	_ = 	snop  }
0x7: {  	_ = 	snop  }
__scs_overlays_trampoline_lowered:
0x8: {  	[smem:$0x3FA0] =	sst s0  }
0x9: {  	[smem:$0x3FA1] =	sst s1  }
0xa: {  	[smem:$0x3FA2] =	sst s2  }
0xb: {  	[smem:$0x3FA3] =	sst s3  }
0xc: {  	[smem:$0x3FA4] =	sst s4  }
0xd: {  	[smem:$0x3FA5] =	sst s5  }
0xe: {  	[smem:$0x3FA6] =	sst s6  }
0xf: {  	[smem:$0x3FA7] =	sst s7  }
0x10: {  	[smem:$0x3FA8] =	sst s8  }
0x11: {  	[smem:$0x3FA9] =	sst s9;
	s0 =	simm.s32 @!p0 $0x0  }
0x12: {  	s1 =	sld [smem:$0x3F8F];
	s0 =	simm.s32 @p0 $0x1  }
0x13: {  	[smem:$0x3FAA] =	sst s0;
	s0 =	simm.s32 @!p1 $0x0  }
0x14: {  	s2 =	sld [smem:$0x3F8E];
	s0 =	simm.s32 @p1 $0x1  }
0x15: {  	[smem:$0x3FAB] =	sst s0;
	s0 =	simm.s32 @!p2 $0x0  }
0x16: {  	s3 =	sld [smem:$0x3FDB];
	s0 =	simm.s32 @p2 $0x1  }
0x17: {  	s4 =	simm.s32 $0x1BF5;
	[smem:$0x3FAD] =	sst s0  }
0x18: {  	s0 =	sld [smem:$0x3F90];
	_ =	swait.ge [sflag:s4], $0x0  }
0x19: {  	s7 =	sld [smem:$0x3F91]  }
0x1a: {  	s8 =	sadd.s32 $0xFFFFE003, lr  }
0x1b: {  	s9 =	sadd.s32 $0xFFFFFEF7, lr;
	s5 =	simm.s32 $0xFFFFFFFF;
	p2 =	slt.u32 s8, $0xFFFFF086  }
0x1c: {  	p1 =	slt.u32 s9, $0xF7A;
	s5 =	simm.s32 @!p2 $0x0  }
0x1d: {  	s5 =	simm.s32 @p1 $0x1;
	p0 =	seq.s32 s7, s2  }
0x1e: {  	s7 =	smul.u32 @!p0 $0xF7A, s2;
	p2 =	seq.s32 @!p0 s5, $0x0  }
0x1f: {  	s9 =	smul.u32 $0xF7A, s1;
	s8 =	simm.s32 @!p0 $0x1BF5;
	p2 =	por !p2, p0  }
0x20: {  	[sflag:s8] =	ssyncset.s32 @!p0 $0xFFFFF086;
	s6 =	sadd.s32 @!p0 s3, s7;
	s7 =	simm.s32 @!p0 $0x108  }
0x21: {  	s3 =	sadd.s32 s3, s9;
	s6 =	sadd.s32 @!p0 $0x88, s6;
	s7 =	simm.s32 @p2 $0x1082  }
0x22: {  	[simem:s7], [sflag:s8] =	dma.local @!p0 [hbm:s6], $0xF7A  }
0x23: {  	s9 =	sor.u32 $0xD0000000, s2;
	s6 =	simm.s32 $0x108;
	_ =	swait.ge @!p0 [sflag:s8], $0x0  }
0x24: {  	s3 =	sadd.s32 $0x88, s3;
	s6 =	simm.s32 @!p1 $0x1082;
	[sflag:s4] =	ssyncset.s32 $0xFFFFF086  }
0x25: {  	[simem:s6], [sflag:s4] =	dma.local [hbm:s3], $0xF7A  }
0x26: {  	[smem:$0x3F91] =	sst s1;
	(tag) =	ssettag s2;
	_ =	strace s9  }
0x27: {  	s1 =	sld [smem:$0x3FA1]  }
0x28: {  	s2 =	sld [smem:$0x3FA2]  }
0x29: {  	s4 =	sld [smem:$0x3FA4]  }
0x2a: {  	p0 =	seq.s32 s5, $0x0;
	s5 =	sld [smem:$0x3FA5]  }
0x2b: {  	s6 =	sld [smem:$0x3FA6]  }
0x2c: {  	s7 =	sld [smem:$0x3FA7]  }
0x2d: {  	s3 =	simm.s32 $0x108;
	s8 =	sld [smem:$0x3FA8]  }
0x2e: {  	s3 =	simm.s32 @!p0 $0x1082;
	s9 =	sld [smem:$0x3FA9]  }
0x2f: {  	lr =	sadd.s32 s0, s3;
	s0 =	sld [smem:$0x3FA0]  }
0x30: {  	s3 =	sld [smem:$0x3FA3]  }
0x31: {  	[smem:$0x3FAC] =	sst s10  }
0x32: {  	s10 =	sld [smem:$0x3FAA];
	_ =	sdelay $0x3  }
0x33: {  	p0 =	seq.s32 s10, $0x1;
	s10 =	sld [smem:$0x3FAC];
	_ =	sdelay $0x3  }
0x34: {  	[smem:$0x3FAC] =	sst s10  }
0x35: {  	s10 =	sld [smem:$0x3FAB];
	_ =	sdelay $0x3  }
0x36: {  	p1 =	seq.s32 s10, $0x1;
	s10 =	sld [smem:$0x3FAC];
	_ =	sdelay $0x3  }
0x37: {  	[smem:$0x3FAC] =	sst s10  }
0x38: {  	s10 =	sld [smem:$0x3FAD]  }
0x39: {  	_ = 	snop;
	(pc) =	sbr.ind lr, $3  }
0x3a: {  	_ = 	snop  }
0x3b: {  	_ = 	snop  }
0x3c: {  	p2 =	seq.s32 s10, $0x1;
	s10 =	sld [smem:$0x3FAC]  }
0x3d: {  	_ =	shalt  }
0x3e: {  	_ =	shalt  }
0x3f: {  	_ =	shalt  }
0x40: {  	_ =	shalt  }
0x41: {  	_ =	shalt  }
0x42: {  	_ =	shalt  }
0x43: {  	_ =	shalt  }
0x44: {  	_ =	shalt  }
0x45: {  	_ =	shalt  }
0x46: {  	_ =	shalt  }
0x47: {  	_ =	shalt  }
0x48: {  	_ =	shalt  }
0x49: {  	_ =	shalt  }
0x4a: {  	_ =	shalt  }
0x4b: {  	_ =	shalt  }
0x4c: {  	_ =	shalt  }
0x4d: {  	_ =	shalt  }
0x4e: {  	_ =	shalt  }
0x4f: {  	_ =	shalt  }
0x50: {  	_ =	shalt  }
0x51: {  	_ =	shalt  }
0x52: {  	_ =	shalt  }
0x53: {  	_ =	shalt  }
0x54: {  	_ =	shalt  }
0x55: {  	_ =	shalt  }
0x56: {  	_ =	shalt  }
0x57: {  	_ =	shalt  }
0x58: {  	_ =	shalt  }
0x59: {  	_ =	shalt  }
0x5a: {  	_ =	shalt  }
0x5b: {  	_ =	shalt  }
0x5c: {  	_ =	shalt  }
0x5d: {  	_ =	shalt  }
0x5e: {  	_ =	shalt  }
0x5f: {  	_ =	shalt  }
0x60: {  	_ =	shalt  }
0x61: {  	_ =	shalt  }
0x62: {  	_ =	shalt  }
0x63: {  	_ =	shalt  }
0x64: {  	_ =	shalt  }
0x65: {  	_ =	shalt  }
0x66: {  	_ =	shalt  }
0x67: {  	_ =	shalt  }
0x68: {  	_ =	shalt  }
0x69: {  	_ =	shalt  }
0x6a: {  	_ =	shalt  }
0x6b: {  	_ =	shalt  }
0x6c: {  	_ =	shalt  }
0x6d: {  	_ =	shalt  }
0x6e: {  	_ =	shalt  }
0x6f: {  	_ =	shalt  }
0x70: {  	_ =	shalt  }
0x71: {  	_ =	shalt  }
0x72: {  	_ =	shalt  }
0x73: {  	_ =	shalt  }
0x74: {  	_ =	shalt  }
0x75: {  	_ =	shalt  }
0x76: {  	_ =	shalt  }
0x77: {  	_ =	shalt  }
0x78: {  	_ =	shalt  }
0x79: {  	_ =	shalt  }
0x7a: {  	_ =	shalt  }
0x7b: {  	_ =	shalt  }
0x7c: {  	_ =	shalt  }
0x7d: {  	_ =	shalt  }
0x7e: {  	_ =	shalt  }
0x7f: {  	_ =	shalt  }
0x80: {  	_ =	shalt  }
0x81: {  	_ =	shalt  }
0x82: {  	_ =	shalt  }
0x83: {  	_ =	shalt  }
0x84: {  	_ =	shalt  }
0x85: {  	_ =	shalt  }
0x86: {  	_ =	shalt  }
0x87: {  	_ =	shalt  }
.Lfunc_end0:
.L_simem_size_0:
called_computation.1_lowered:
.L_overlay_start_0:
0x88: {  	s2 =	sld [smem:$0x3FD9]  }
0x89: {  	s3 =	sld [smem:$0x3FFE];
	_ =	sdelay $0x1  }
0x8a: {  	s1 =	srdreg.scid  }
0x8b: {  	s0 =	sand.u32 $0x1, s1  }
0x8c: {  	s17 =	sshll.u32 s0, $0xA;
	s2 =	sadd.s32 s3, s2  }
0x8d: {  	s2 =	sadd.s32 s2, s17  }
0x8e: {  	[smem:$0x3FB8] =	sst s2  }
0x8f: {  	_ = 	snop  }
0x90: {  	s2 =	sld [smem:$0x3FD0];
	(tm) =	ssettm $0x1  }
0x91: {  	s18 =	sld [smem:$0x3FFB];
	_ =	sdelay $0x3  }
0x92: {  	_ =	strace s18  }
0x93: {  	s3 =	sld [smem:$0x3FFC];
	_ =	sdelay $0x3  }
0x94: {  	_ =	strace s3  }
0x95: {  	s3 =	sld [smem:$0x3FFD];
	_ =	sdelay $0x3  }
0x96: {  	_ =	strace s3  }
0x97: {  	_ =	strace $0x8FFFFFFF  }
0x98: {  	s19 =	sld [smem:$0x3FDB];
	_ =	sdelay $0x1  }
0x99: {  	s4 =	simm.s32 $_scs_section_size  }
0x9a: {  	s5 =	simm.s32 $_size__tile_overlayer_lowered;
	s6 =	simm.s32 $_tile_overlayer_lowered  }
0x9b: {  	s22 =	simm.s32 $0x1BFF;
	s21 =	sshll.u32 s6, $0x1;
	s3 =	sadd.s32 s4, s19  }
0x9c: {  	s7 =	simm.s32 $0x0;
	s20 =	sshll.u32 s5, $0x1;
	s5 =	sadd.s32 s21, s3  }
0x9d: {  	[timem:s7], [sflag:s22] =	dma.local [hbm:s5], s20  }
0x9e: {  	_ =	swait.ge [sflag:s22], s20  }
0x9f: {  	s4 =	ssub.s32 $0x0, s20;
	[sflag:s22] =	ssyncset.done $0x0  }
0xa0: {  	[sflag:s22] =	ssyncadd.s32 s4;
	_ =	sdelay $0x1  }
0xa1: {  	s23 =	simm.s32 $0x1B8B  }
0xa2: {  	_ =	swait.ge [sflag:s23], $0x1  }
0xa3: {  	[sflag:s23] =	ssyncset.done $0x0  }
0xa4: {  	s25 =	simm.s32 $0x1B8E;
	s24 =	sld [smem:$0x3FFE];
	[sflag:s23] =	ssyncadd.s32 $0xFFFFFFFF  }
0xa5: {  	s26 =	simm.s32 $execute0_lowered;
	[smem:$0x3FD2] =	sst s25  }
0xa6: {  	s5 =	sshll.u32 s26, $0x1;
	_ =	strace $0x80000049;
	[dreg:$0x1] =	wrdreg $0xFFFFFFFF  }
0xa7: {  	s28 =	simm.s32 $_size_execute0_lowered;
	s3 =	sadd.s32 s3, s5;
	[dreg:$0x0] =	wrdreg $0x0  }
0xa8: {  	s5 =	sshll.u32 s28, $0x1;
	[dreg:$0x2] =	wrdreg s3  }
0xa9: {  	[dreg:$0x3] =	wrdreg s5  }
0xaa: {  	[dreg:$0x4] =	wrdreg $0xC0  }
0xab: {  	_ =	task [dreg:s7], $0x5FFFF  }
0xac: {  	[dreg:$0x1] =	wrdreg $0xFFFFFFFF  }
0xad: {  	[dreg:$0x0] =	wrdreg $0x60  }
0xae: {  	[dreg:$0x2] =	wrdreg s24  }
0xaf: {  	[dreg:$0x3] =	wrdreg s2  }
0xb0: {  	[dreg:$0x4] =	wrdreg $0x0  }
0xb1: {  	[dreg:$0x5] =	wrdreg $0x9  }
0xb2: {  	_ =	task.clear_ibuf [dreg:s7], $0x6FFFF;
	_ =	strace $0x90000049  }
0xb3: {  	s29 =	simm.s32 $0x9;
	_ =	strace $0x8000004B  }
0xb4: {  	_ =	swait.ge [sflag:s29], $0x1  }
0xb5: {  	[sflag:s29] =	ssyncadd.s32 $0xFFFFFFFF  }
0xb6: {  	_ =	strace $0x9000004B  }
0xb7: {  	_ =	sfence  }
0xb8: {  	s30 =	sld [smem:$0x0];
	_ =	sdelay $0x2  }
0xb9: {  	s31 =	sshll.u32 s1, $0xD;
	s1 =	sshrl.u32 s1, $0x2  }
0xba: {  	s3 =	sand.u32 $0x4000, s31;
	s1 =	sadd.s32 s1, s30  }
0xbb: {  	s0 =	sor.u32 s3, s0;
	s1 =	sshll.u32 s1, $0x11  }
0xbc: {  	s0 =	sor.u32 s1, s0  }
0xbd: {  	s0 =	sadd.s32 $0x8F2B, s0  }
0xbe: {  	[sflag:s0] =	ssyncadd.remote.s32 $0x1  }
0xbf: {  	_ =	sfence.sel $0xFFFF  }
0xc0: {  	[dreg:$0x0] =	wrdreg $0xFFFFFFFF;
	(pc) =	sbr.abs _section_cstart, $3  }
0xc1: {  	[dreg:$0x1] =	wrdreg $0xFFFFFFFF  }
0xc2: {  	_ =	task.clear_ibuf [dreg:s7], $0x2FFFF;
	_ =	strace $0x9FFFFFFF  }
0xc3: {  	(tm) =	ssettm $0x7FFFFFFF  }
tec
execute0_lowered:
.L_overlay_start_1:
0x0: {  	(tag) =	ssettag $0x1  }
0x1: {  	s5 =	rddreg [dreg:$0x0]  }
0x2: {  	s13 =	rddreg [dreg:$0x1]  }
0x3: {  	s1 =	rddreg [dreg:$0x2]  }
0x4: {  	s2 =	simm.s32 $0x0;
	s6 =	srdreg.scid;
	s0 =	stileid.u32  }
0x5: {  	s18 =	simm.s32 $0x14180;
	s20 =	simm.s32 $0x6;
	s21 =	simm.s32 $0x1  }
0x6: {  	s22 =	simm.s32 $0x2;
	s23 =	simm.s32 $0x80;
	s24 =	simm.s32 $0x14200  }
0x7: {  	s25 =	simm.s32 $0x5;
	s28 =	simm.s32 $0x4;
	s29 =	simm.s32 $0x0  }
0x8: {  	[smem:$0x7FF] =	sst s2;
	s10 =	sadd.s32 $0x6200, s5;
	s7 =	smul.u32 $0x4F00, s0  }
0x9: {  	s4 =	sadd.s32 $0x2E200, s5;
	s9 =	sand.u32 $0x1, s6;
	s16 =	smul.u32 $0x50000, s0  }
0xa: {  	s14 =	sadd.s32 $0x56200, s5;
	s11 =	sadd.s32 $0x88000, s5;
	s30 =	smul.u32 $0x2800, s0  }
0xb: {  	s12 =	sadd.s32 $0xB0000, s5;
	s31 =	smul.u32 $0x9E0, s0;
	s17 =	sshll.u32 s0, $0x6  }
0xc: {  	_ =	strace $0x8000004A;
	s6 =	ssub.s32 $0x2, s9;
	p0 =	seq.s32 s9, $0x0  }
0xd: {  	s26 =	sshrl.u32 s6, $0x1;
	s7 =	sshrl.u32 s7, $0x3;
	s16 =	sshrl.u32 s16, $0x2  }
0xe: {  	s4 =	smov.u32 @p0 s10;
	s12 =	smov.u32 @p0 s11;
	s11 =	sor.u32 $0x1C06, s17  }
0xf: {  	s17 =	simm.s32 $0x14100;
	s15 =	ssub.s32 s6, s26;
	s5 =	sadd.s32 s14, s7  }
.Ltmp0:
0x10: {  	s6 =	sadd.s32 s13, s7;
	s8 =	sor.u32 $0x10, s7;
	(pc) =	sbr.rel .LBB2_1-.Ltmp0, $4  }
0x11: {  	s19 =	sadd.s32 s16, s1;
	s10 =	sadd.s32 s4, s30;
	s12 =	sadd.s32 s12, s30  }
0x12: {  	s16 =	simm.s32 $0x14080;
	s26 =	simm.s32 $0x3;
	s7 =	sadd.s32 s14, s8  }
0x13: {  	s8 =	sadd.s32 s13, s8;
	s9 =	smax.u32 s15, $0x1;
	s13 =	sadd.s32 s31, s13  }
0x14: {  	s14 =	sadd.s32 s31, s14;
	s15 =	simm.s32 $0x14000;
	s19 =	sshrl.u32 s19, $0x3  }
.LBB2_4:
0x15: {  	s29 =	sadd.s32 $0x1, s29  }
0x16: {  	p0 =	sne.s32 s29, s9  }
.Ltmp1:
0x17: {  	[bflag:$0x0] =	sbarrier.arrive $0xFFFF;
	(pc) =	sbr.rel @!p0 .LBB2_5-.Ltmp1, $4  }
0x18: {  	[hbm:s12], [sflag:s11] =	dma.local [spmem:s19], $0x2800  }
0x19: {  	_ =	swait.ge [sflag:s20], $0x2800  }
0x1a: {  	[sflag:s20] =	ssyncset.done $0x0  }
0x1b: {  	[sflag:s20] =	ssyncadd.s32 $0xFFFFD800  }
.LBB2_1:
0x1c: {  	[tilespmem:s15], [sflag:$0x1] =	stream.linear.gather [hbm4b:s5+s2], $0x80, $0x38;
	[tilespmem:$0x18200] =	vst v63  }
0x1d: {  	_ = 	snop  }
0x1e: {  	[tilespmem:s16], [sflag:$0x2] =	stream.linear.gather [hbm4b:s6+s2], $0x80, $0x38;
	[tilespmem:$0x18200] =	vst v63  }
0x1f: {  	_ = 	snop  }
0x20: {  	[tilespmem:s17], [sflag:$0x3] =	stream.linear.gather [hbm4b:s7+s2], $0x80, $0x38;
	[tilespmem:$0x18200] =	vst v63  }
0x21: {  	_ = 	snop  }
0x22: {  	[tilespmem:s18], [sflag:$0x4] =	stream.linear.gather [hbm4b:s8+s2], $0x80, $0x38;
	[tilespmem:$0x18200] =	vst v63  }
0x23: {  	[spmem:s19], [sflag:s11] =	dma.local [hbm:s10], $0x2800  }
0x24: {  	_ =	swait.ge [sflag:s20], $0x2800  }
0x25: {  	[sflag:s20] =	ssyncset.done $0x0  }
0x26: {  	[sflag:s20] =	ssyncadd.s32 $0xFFFFD800  }
0x27: {  	s30 =	simm.s32 $0xFFFFF640;
	[bflag:$0x0] =	sbarrier.arrive $0xFFFF  }
.LBB2_2:
0x28: {  	_ =	swait.ge [sflag:s21], $0x80  }
0x29: {  	[sflag:s21] =	ssyncset.done $0x0  }
0x2a: {  	[sflag:s21] =	ssyncadd.s32 $0xFFFFFF80  }
0x2b: {  	_ =	swait.ge [sflag:s22], $0x80  }
0x2c: {  	[sflag:s22] =	ssyncset.done $0x0  }
0x2d: {  	[sflag:s22] =	ssyncadd.s32 $0xFFFFFF80  }
0x2e: {  	[tilespmem:s24], [sflag:$0x5] =	stream.indirect.gather [hbm4b:s4+s23], $0x80, s15, s23, $0xb8;
	[tilespmem:$0x18200] =	vst v63  }
0x2f: {  	_ =	swait.ge [sflag:s25], $0x4000  }
0x30: {  	[sflag:s25] =	ssyncset.done $0x0  }
0x31: {  	[sflag:s25] =	ssyncadd.s32 $0xFFFFC000  }
0x32: {  	[spmem:s1] =	stream.indirect.scatter.add.f32 [tilespmem:s24], [sflag:$0x6], $0x80, s16, s23, $0xb8;
	[tilespmem:$0x18200] =	vst v63  }
0x33: {  	p0 =	seq.s32 s30, $0x0;
	_ =	swait.ge [sflag:s20], $0x4000  }
0x34: {  	s31 =	sadd.s32 @!p0 s30, s14;
	s0 =	simm.s32 @!p0 $0x0;
	[sflag:s20] =	ssyncset.done $0x0  }
0x35: {  	s3 =	simm.s32 @!p0 $0x14000;
	s31 =	sadd.s32 @!p0 $0x9E0, s31;
	[sflag:s20] =	ssyncadd.s32 $0xFFFFC000  }
0x36: {  	[tilespmem:s3], [sflag:$0x1] =	stream.linear.gather @!p0 [hbm4b:s31+s0], $0x80, $0x38;
	[tilespmem:$0x18200] =	vst v63  }
0x37: {  	s3 =	sadd.s32 @!p0 s30, s13  }
0x38: {  	s31 =	simm.s32 @!p0 $0x14080;
	s3 =	sadd.s32 @!p0 $0x9E0, s3  }
0x39: {  	[tilespmem:s31], [sflag:$0x2] =	stream.linear.gather @!p0 [hbm4b:s3+s0], $0x80, $0x38;
	[tilespmem:$0x18200] =	vst v63  }
0x3a: {  	_ =	swait.ge [sflag:s26], $0x80  }
0x3b: {  	[sflag:s26] =	ssyncset.done $0x0  }
0x3c: {  	[sflag:s26] =	ssyncadd.s32 $0xFFFFFF80  }
0x3d: {  	_ =	swait.ge [sflag:s28], $0x80  }
0x3e: {  	[sflag:s28] =	ssyncset.done $0x0  }
0x3f: {  	[sflag:s28] =	ssyncadd.s32 $0xFFFFFF80  }
0x40: {  	[tilespmem:s24], [sflag:$0x5] =	stream.indirect.gather [hbm4b:s4+s23], $0x80, s17, s23, $0xb8;
	[tilespmem:$0x18200] =	vst v63  }
0x41: {  	_ =	swait.ge [sflag:s25], $0x4000  }
0x42: {  	[sflag:s25] =	ssyncset.done $0x0  }
.Ltmp2:
0x43: {  	[sflag:s25] =	ssyncadd.s32 $0xFFFFC000;
	(pc) =	sbr.rel @p0 .LBB2_4-.Ltmp2, $4  }
0x44: {  	[spmem:s1] =	stream.indirect.scatter.add.f32 [tilespmem:s24], [sflag:$0x6], $0x80, s18, s23, $0xb8;
	[tilespmem:$0x18200] =	vst v63  }
0x45: {  	_ =	swait.ge [sflag:s20], $0x4000  }
0x46: {  	[sflag:s20] =	ssyncset.done $0x0  }
0x47: {  	[sflag:s20] =	ssyncadd.s32 $0xFFFFC000  }
.Ltmp3:
0x48: {  	s0 =	sadd.s32 s30, s14;
	(pc) =	sbr.rel .LBB2_2-.Ltmp3, $4  }
0x49: {  	s31 =	sadd.s32 s30, s13;
	s0 =	sadd.s32 $0x9F0, s0  }
0x4a: {  	[tilespmem:s17], [sflag:$0x3] =	stream.linear.gather [hbm4b:s0+s2], $0x80, $0x38;
	[tilespmem:$0x18200] =	vst v63  }
0x4b: {  	s30 =	sadd.s32 $0x20, s30;
	s0 =	sadd.s32 $0x9F0, s31  }
0x4c: {  	[tilespmem:s18], [sflag:$0x4] =	stream.linear.gather [hbm4b:s0+s2], $0x80, $0x38;
	[tilespmem:$0x18200] =	vst v63  }
.LBB2_5:
0x4d: {  	_ =	sfence.sel $0x180000  }
0x4e: {  	[bflag:$0x0] =	sbarrier.arrive $0xFFFF  }
0x4f: {  	_ =	strace $0x9000004A  }
0x50: {  	s0 =	stileid.u32;
	[bflag:$0x2] =	sbarrier.arrive $0xFFFF  }
0x51: {  	p0 =	sne.s32 s0, $0x0;
	s0 =	rddreg [dreg:$0x3]  }
0x52: {  	s0 =	sadd.s32 @!p0 $0x100000, s0  }
0x53: {  	[sflag:s0] =	ssyncadd.tile.s32 @!p0 $0x1;
	_ =	shalt  }
.Lfunc_end2:
_tile_overlayer_lowered:
.L_overlay_start_2:
0x54: {  	(tag) =	ssettag $0x2  }
0x55: {  	s0 =	rddreg [dreg:$0x0];
	s2 =	stileid.u32  }
0x56: {  	s1 =	rddreg [dreg:$0x1];
	p0 =	sne.s32 s2, $0x0  }
0x57: {  	s3 =	rddreg [dreg:$0x2];
	[bflag:$0x3] =	sbarrier.arrive $0xFFFF;
	s2 =	simm.s32 @!p0 $0x1C06  }
0x58: {  	[timem:s3], [sflag:s2] =	dma.local @!p0 [hbm:s0], s1  }
0x59: {  	s0 =	simm.s32 @!p0 $0x6  }
0x5a: {  	_ =	swait.ge @!p0 [sflag:s0], s1  }
0x5b: {  	s1 =	ssub.s32 @!p0 $0x0, s1;
	[sflag:s0] =	ssyncset.done @!p0 $0x0  }
0x5c: {  	[sflag:s0] =	ssyncadd.s32 @!p0 s1  }
0x5d: {  	[bflag:$0x3] =	sbarrier.arrive $0xFFFF  }
0x5e: {  	_ =	shalt  }

// kernel: kernel.16.cloned.1.call-start
scs
__scs_entry_jumppad:
0x0: {  	(pc) =	sbr.rel $0x88, $3  }
0x1: {  	(tag) =	ssettag $0x0;
	lr =	simm.s32 $0x1  }
0x2: {  	[smem:$0x3F91] =	sst lr;
	_ =	strace $0xD0000000  }
0x3: {  	_ = 	snop  }
0x4: {  	_ = 	snop  }
0x5: {  	_ = 	snop  }
0x6: {  	_ = 	snop  }
0x7: {  	_ = 	snop  }
__scs_overlays_trampoline_lowered:
0x8: {  	[smem:$0x3FA0] =	sst s0  }
0x9: {  	[smem:$0x3FA1] =	sst s1  }
0xa: {  	[smem:$0x3FA2] =	sst s2  }
0xb: {  	[smem:$0x3FA3] =	sst s3  }
0xc: {  	[smem:$0x3FA4] =	sst s4  }
0xd: {  	[smem:$0x3FA5] =	sst s5  }
0xe: {  	[smem:$0x3FA6] =	sst s6  }
0xf: {  	[smem:$0x3FA7] =	sst s7  }
0x10: {  	[smem:$0x3FA8] =	sst s8  }
0x11: {  	[smem:$0x3FA9] =	sst s9;
	s0 =	simm.s32 @!p0 $0x0  }
0x12: {  	s1 =	sld [smem:$0x3F8F];
	s0 =	simm.s32 @p0 $0x1  }
0x13: {  	[smem:$0x3FAA] =	sst s0;
	s0 =	simm.s32 @!p1 $0x0  }
0x14: {  	s2 =	sld [smem:$0x3F8E];
	s0 =	simm.s32 @p1 $0x1  }
0x15: {  	[smem:$0x3FAB] =	sst s0;
	s0 =	simm.s32 @!p2 $0x0  }
0x16: {  	s3 =	sld [smem:$0x3FDB];
	s0 =	simm.s32 @p2 $0x1  }
0x17: {  	s4 =	simm.s32 $0x1BF5;
	[smem:$0x3FAD] =	sst s0  }
0x18: {  	s0 =	sld [smem:$0x3F90];
	_ =	swait.ge [sflag:s4], $0x0  }
0x19: {  	s7 =	sld [smem:$0x3F91]  }
0x1a: {  	s8 =	sadd.s32 $0xFFFFE003, lr  }
0x1b: {  	s9 =	sadd.s32 $0xFFFFFEF7, lr;
	s5 =	simm.s32 $0xFFFFFFFF;
	p2 =	slt.u32 s8, $0xFFFFF086  }
0x1c: {  	p1 =	slt.u32 s9, $0xF7A;
	s5 =	simm.s32 @!p2 $0x0  }
0x1d: {  	s5 =	simm.s32 @p1 $0x1;
	p0 =	seq.s32 s7, s2  }
0x1e: {  	s7 =	smul.u32 @!p0 $0xF7A, s2;
	p2 =	seq.s32 @!p0 s5, $0x0  }
0x1f: {  	s9 =	smul.u32 $0xF7A, s1;
	s8 =	simm.s32 @!p0 $0x1BF5;
	p2 =	por !p2, p0  }
0x20: {  	[sflag:s8] =	ssyncset.s32 @!p0 $0xFFFFF086;
	s6 =	sadd.s32 @!p0 s3, s7;
	s7 =	simm.s32 @!p0 $0x108  }
0x21: {  	s3 =	sadd.s32 s3, s9;
	s6 =	sadd.s32 @!p0 $0x88, s6;
	s7 =	simm.s32 @p2 $0x1082  }
0x22: {  	[simem:s7], [sflag:s8] =	dma.local @!p0 [hbm:s6], $0xF7A  }
0x23: {  	s9 =	sor.u32 $0xD0000000, s2;
	s6 =	simm.s32 $0x108;
	_ =	swait.ge @!p0 [sflag:s8], $0x0  }
0x24: {  	s3 =	sadd.s32 $0x88, s3;
	s6 =	simm.s32 @!p1 $0x1082;
	[sflag:s4] =	ssyncset.s32 $0xFFFFF086  }
0x25: {  	[simem:s6], [sflag:s4] =	dma.local [hbm:s3], $0xF7A  }
0x26: {  	[smem:$0x3F91] =	sst s1;
	(tag) =	ssettag s2;
	_ =	strace s9  }
0x27: {  	s1 =	sld [smem:$0x3FA1]  }
0x28: {  	s2 =	sld [smem:$0x3FA2]  }
0x29: {  	s4 =	sld [smem:$0x3FA4]  }
0x2a: {  	p0 =	seq.s32 s5, $0x0;
	s5 =	sld [smem:$0x3FA5]  }
0x2b: {  	s6 =	sld [smem:$0x3FA6]  }
0x2c: {  	s7 =	sld [smem:$0x3FA7]  }
0x2d: {  	s3 =	simm.s32 $0x108;
	s8 =	sld [smem:$0x3FA8]  }
0x2e: {  	s3 =	simm.s32 @!p0 $0x1082;
	s9 =	sld [smem:$0x3FA9]  }
0x2f: {  	lr =	sadd.s32 s0, s3;
	s0 =	sld [smem:$0x3FA0]  }
0x30: {  	s3 =	sld [smem:$0x3FA3]  }
0x31: {  	[smem:$0x3FAC] =	sst s10  }
0x32: {  	s10 =	sld [smem:$0x3FAA];
	_ =	sdelay $0x3  }
0x33: {  	p0 =	seq.s32 s10, $0x1;
	s10 =	sld [smem:$0x3FAC];
	_ =	sdelay $0x3  }
0x34: {  	[smem:$0x3FAC] =	sst s10  }
0x35: {  	s10 =	sld [smem:$0x3FAB];
	_ =	sdelay $0x3  }
0x36: {  	p1 =	seq.s32 s10, $0x1;
	s10 =	sld [smem:$0x3FAC];
	_ =	sdelay $0x3  }
0x37: {  	[smem:$0x3FAC] =	sst s10  }
0x38: {  	s10 =	sld [smem:$0x3FAD]  }
0x39: {  	_ = 	snop;
	(pc) =	sbr.ind lr, $3  }
0x3a: {  	_ = 	snop  }
0x3b: {  	_ = 	snop  }
0x3c: {  	p2 =	seq.s32 s10, $0x1;
	s10 =	sld [smem:$0x3FAC]  }
0x3d: {  	_ =	shalt  }
0x3e: {  	_ =	shalt  }
0x3f: {  	_ =	shalt  }
0x40: {  	_ =	shalt  }
0x41: {  	_ =	shalt  }
0x42: {  	_ =	shalt  }
0x43: {  	_ =	shalt  }
0x44: {  	_ =	shalt  }
0x45: {  	_ =	shalt  }
0x46: {  	_ =	shalt  }
0x47: {  	_ =	shalt  }
0x48: {  	_ =	shalt  }
0x49: {  	_ =	shalt  }
0x4a: {  	_ =	shalt  }
0x4b: {  	_ =	shalt  }
0x4c: {  	_ =	shalt  }
0x4d: {  	_ =	shalt  }
0x4e: {  	_ =	shalt  }
0x4f: {  	_ =	shalt  }
0x50: {  	_ =	shalt  }
0x51: {  	_ =	shalt  }
0x52: {  	_ =	shalt  }
0x53: {  	_ =	shalt  }
0x54: {  	_ =	shalt  }
0x55: {  	_ =	shalt  }
0x56: {  	_ =	shalt  }
0x57: {  	_ =	shalt  }
0x58: {  	_ =	shalt  }
0x59: {  	_ =	shalt  }
0x5a: {  	_ =	shalt  }
0x5b: {  	_ =	shalt  }
0x5c: {  	_ =	shalt  }
0x5d: {  	_ =	shalt  }
0x5e: {  	_ =	shalt  }
0x5f: {  	_ =	shalt  }
0x60: {  	_ =	shalt  }
0x61: {  	_ =	shalt  }
0x62: {  	_ =	shalt  }
0x63: {  	_ =	shalt  }
0x64: {  	_ =	shalt  }
0x65: {  	_ =	shalt  }
0x66: {  	_ =	shalt  }
0x67: {  	_ =	shalt  }
0x68: {  	_ =	shalt  }
0x69: {  	_ =	shalt  }
0x6a: {  	_ =	shalt  }
0x6b: {  	_ =	shalt  }
0x6c: {  	_ =	shalt  }
0x6d: {  	_ =	shalt  }
0x6e: {  	_ =	shalt  }
0x6f: {  	_ =	shalt  }
0x70: {  	_ =	shalt  }
0x71: {  	_ =	shalt  }
0x72: {  	_ =	shalt  }
0x73: {  	_ =	shalt  }
0x74: {  	_ =	shalt  }
0x75: {  	_ =	shalt  }
0x76: {  	_ =	shalt  }
0x77: {  	_ =	shalt  }
0x78: {  	_ =	shalt  }
0x79: {  	_ =	shalt  }
0x7a: {  	_ =	shalt  }
0x7b: {  	_ =	shalt  }
0x7c: {  	_ =	shalt  }
0x7d: {  	_ =	shalt  }
0x7e: {  	_ =	shalt  }
0x7f: {  	_ =	shalt  }
0x80: {  	_ =	shalt  }
0x81: {  	_ =	shalt  }
0x82: {  	_ =	shalt  }
0x83: {  	_ =	shalt  }
0x84: {  	_ =	shalt  }
0x85: {  	_ =	shalt  }
0x86: {  	_ =	shalt  }
0x87: {  	_ =	shalt  }
.Lfunc_end0:
.L_simem_size_0:
called_computation.2_lowered:
.L_overlay_start_0:
0x88: {  	s2 =	sld [smem:$0x3FD9]  }
0x89: {  	s3 =	sld [smem:$0x3FFE];
	_ =	sdelay $0x1  }
0x8a: {  	s1 =	srdreg.scid  }
0x8b: {  	s0 =	sand.u32 $0x1, s1  }
0x8c: {  	s17 =	sshll.u32 s0, $0xA;
	s2 =	sadd.s32 s3, s2  }
0x8d: {  	s2 =	sadd.s32 s2, s17  }
0x8e: {  	[smem:$0x3FB8] =	sst s2  }
0x8f: {  	_ = 	snop  }
0x90: {  	s2 =	sld [smem:$0x3FD0];
	(tm) =	ssettm $0x1  }
0x91: {  	s18 =	sld [smem:$0x3FFB];
	_ =	sdelay $0x3  }
0x92: {  	_ =	strace s18  }
0x93: {  	s3 =	sld [smem:$0x3FFC];
	_ =	sdelay $0x3  }
0x94: {  	_ =	strace s3  }
0x95: {  	s3 =	sld [smem:$0x3FFD];
	_ =	sdelay $0x3  }
0x96: {  	_ =	strace s3  }
0x97: {  	_ =	strace $0x8FFFFFFF  }
0x98: {  	s19 =	sld [smem:$0x3FDB];
	_ =	sdelay $0x1  }
0x99: {  	s4 =	simm.s32 $_scs_section_size  }
0x9a: {  	s5 =	simm.s32 $_size__tile_overlayer_lowered;
	s6 =	simm.s32 $_tile_overlayer_lowered  }
0x9b: {  	s22 =	simm.s32 $0x1BFF;
	s21 =	sshll.u32 s6, $0x1;
	s3 =	sadd.s32 s4, s19  }
0x9c: {  	s7 =	simm.s32 $0x0;
	s20 =	sshll.u32 s5, $0x1;
	s5 =	sadd.s32 s21, s3  }
0x9d: {  	[timem:s7], [sflag:s22] =	dma.local [hbm:s5], s20  }
0x9e: {  	_ =	swait.ge [sflag:s22], s20  }
0x9f: {  	s4 =	ssub.s32 $0x0, s20;
	[sflag:s22] =	ssyncset.done $0x0  }
0xa0: {  	[sflag:s22] =	ssyncadd.s32 s4;
	_ =	sdelay $0x1  }
0xa1: {  	s23 =	simm.s32 $0x1B8B  }
0xa2: {  	_ =	swait.ge [sflag:s23], $0x1  }
0xa3: {  	[sflag:s23] =	ssyncset.done $0x0  }
0xa4: {  	s25 =	simm.s32 $0x1B8E;
	s24 =	sld [smem:$0x3FFE];
	[sflag:s23] =	ssyncadd.s32 $0xFFFFFFFF  }
0xa5: {  	s26 =	simm.s32 $execute0_lowered;
	[smem:$0x3FD2] =	sst s25  }
0xa6: {  	s5 =	sshll.u32 s26, $0x1;
	_ =	strace $0x8000004C;
	[dreg:$0x1] =	wrdreg $0xFFFFFFFF  }
0xa7: {  	s28 =	simm.s32 $_size_execute0_lowered;
	s3 =	sadd.s32 s3, s5;
	[dreg:$0x0] =	wrdreg $0x0  }
0xa8: {  	s5 =	sshll.u32 s28, $0x1;
	[dreg:$0x2] =	wrdreg s3  }
0xa9: {  	[dreg:$0x3] =	wrdreg s5  }
0xaa: {  	[dreg:$0x4] =	wrdreg $0xC0  }
0xab: {  	_ =	task [dreg:s7], $0x5FFFF  }
0xac: {  	[dreg:$0x1] =	wrdreg $0xFFFFFFFF  }
0xad: {  	[dreg:$0x0] =	wrdreg $0x60  }
0xae: {  	[dreg:$0x2] =	wrdreg s24  }
0xaf: {  	[dreg:$0x3] =	wrdreg s2  }
0xb0: {  	[dreg:$0x4] =	wrdreg $0x0  }
0xb1: {  	[dreg:$0x5] =	wrdreg $0x9  }
0xb2: {  	_ =	task.clear_ibuf [dreg:s7], $0x6FFFF;
	_ =	strace $0x9000004C  }
0xb3: {  	s29 =	simm.s32 $0x9;
	_ =	strace $0x8000004E  }
0xb4: {  	_ =	swait.ge [sflag:s29], $0x1  }
0xb5: {  	[sflag:s29] =	ssyncadd.s32 $0xFFFFFFFF  }
0xb6: {  	_ =	strace $0x9000004E  }
0xb7: {  	_ =	sfence  }
0xb8: {  	s30 =	sld [smem:$0x0];
	_ =	sdelay $0x2  }
0xb9: {  	s31 =	sshll.u32 s1, $0xD;
	s1 =	sshrl.u32 s1, $0x2  }
0xba: {  	s3 =	sand.u32 $0x4000, s31;
	s1 =	sadd.s32 s1, s30  }
0xbb: {  	s0 =	sor.u32 s3, s0;
	s1 =	sshll.u32 s1, $0x11  }
0xbc: {  	s0 =	sor.u32 s1, s0  }
0xbd: {  	s0 =	sadd.s32 $0x8F2B, s0  }
0xbe: {  	[sflag:s0] =	ssyncadd.remote.s32 $0x1  }
0xbf: {  	_ =	sfence.sel $0xFFFF  }
0xc0: {  	[dreg:$0x0] =	wrdreg $0xFFFFFFFF;
	(pc) =	sbr.abs _section_cstart, $3  }
0xc1: {  	[dreg:$0x1] =	wrdreg $0xFFFFFFFF  }
0xc2: {  	_ =	task.clear_ibuf [dreg:s7], $0x2FFFF;
	_ =	strace $0x9FFFFFFF  }
0xc3: {  	(tm) =	ssettm $0x7FFFFFFF  }
tec
execute0_lowered:
.L_overlay_start_1:
0x0: {  	(tag) =	ssettag $0x1  }
0x1: {  	s5 =	rddreg [dreg:$0x0]  }
0x2: {  	s13 =	rddreg [dreg:$0x1]  }
0x3: {  	s1 =	rddreg [dreg:$0x2]  }
0x4: {  	s2 =	simm.s32 $0x0;
	s6 =	srdreg.scid;
	s0 =	stileid.u32  }
0x5: {  	s18 =	simm.s32 $0x14180;
	s20 =	simm.s32 $0x6;
	s21 =	simm.s32 $0x1  }
0x6: {  	s22 =	simm.s32 $0x2;
	s23 =	simm.s32 $0x80;
	s24 =	simm.s32 $0x14200  }
0x7: {  	s25 =	simm.s32 $0x5;
	s28 =	simm.s32 $0x4;
	s29 =	simm.s32 $0x0  }
0x8: {  	[smem:$0x7FF] =	sst s2;
	s10 =	sadd.s32 $0x6200, s5;
	s7 =	smul.u32 $0x4F00, s0  }
0x9: {  	s4 =	sadd.s32 $0x2E200, s5;
	s9 =	sand.u32 $0x1, s6;
	s16 =	smul.u32 $0x50000, s0  }
0xa: {  	s14 =	sadd.s32 $0x56200, s5;
	s11 =	sadd.s32 $0x88000, s5;
	s30 =	smul.u32 $0x2800, s0  }
0xb: {  	s12 =	sadd.s32 $0xB0000, s5;
	s31 =	smul.u32 $0x9E0, s0;
	s17 =	sshll.u32 s0, $0x6  }
0xc: {  	_ =	strace $0x8000004D;
	s6 =	ssub.s32 $0x2, s9;
	p0 =	seq.s32 s9, $0x0  }
0xd: {  	s26 =	sshrl.u32 s6, $0x1;
	s7 =	sshrl.u32 s7, $0x3;
	s16 =	sshrl.u32 s16, $0x2  }
0xe: {  	s4 =	smov.u32 @p0 s10;
	s12 =	smov.u32 @p0 s11;
	s11 =	sor.u32 $0x1C06, s17  }
0xf: {  	s17 =	simm.s32 $0x14100;
	s15 =	ssub.s32 s6, s26;
	s5 =	sadd.s32 s14, s7  }
.Ltmp0:
0x10: {  	s6 =	sadd.s32 s13, s7;
	s8 =	sor.u32 $0x10, s7;
	(pc) =	sbr.rel .LBB2_1-.Ltmp0, $4  }
0x11: {  	s19 =	sadd.s32 s16, s1;
	s10 =	sadd.s32 s4, s30;
	s12 =	sadd.s32 s12, s30  }
0x12: {  	s16 =	simm.s32 $0x14080;
	s26 =	simm.s32 $0x3;
	s7 =	sadd.s32 s14, s8  }
0x13: {  	s8 =	sadd.s32 s13, s8;
	s9 =	smax.u32 s15, $0x1;
	s13 =	sadd.s32 s31, s13  }
0x14: {  	s14 =	sadd.s32 s31, s14;
	s15 =	simm.s32 $0x14000;
	s19 =	sshrl.u32 s19, $0x3  }
.LBB2_4:
0x15: {  	s29 =	sadd.s32 $0x1, s29  }
0x16: {  	p0 =	sne.s32 s29, s9  }
.Ltmp1:
0x17: {  	[bflag:$0x0] =	sbarrier.arrive $0xFFFF;
	(pc) =	sbr.rel @!p0 .LBB2_5-.Ltmp1, $4  }
0x18: {  	[hbm:s12], [sflag:s11] =	dma.local [spmem:s19], $0x2800  }
0x19: {  	_ =	swait.ge [sflag:s20], $0x2800  }
0x1a: {  	[sflag:s20] =	ssyncset.done $0x0  }
0x1b: {  	[sflag:s20] =	ssyncadd.s32 $0xFFFFD800  }
.LBB2_1:
0x1c: {  	[tilespmem:s15], [sflag:$0x1] =	stream.linear.gather [hbm4b:s5+s2], $0x80, $0x38;
	[tilespmem:$0x18200] =	vst v63  }
0x1d: {  	_ = 	snop  }
0x1e: {  	[tilespmem:s16], [sflag:$0x2] =	stream.linear.gather [hbm4b:s6+s2], $0x80, $0x38;
	[tilespmem:$0x18200] =	vst v63  }
0x1f: {  	_ = 	snop  }
0x20: {  	[tilespmem:s17], [sflag:$0x3] =	stream.linear.gather [hbm4b:s7+s2], $0x80, $0x38;
	[tilespmem:$0x18200] =	vst v63  }
0x21: {  	_ = 	snop  }
0x22: {  	[tilespmem:s18], [sflag:$0x4] =	stream.linear.gather [hbm4b:s8+s2], $0x80, $0x38;
	[tilespmem:$0x18200] =	vst v63  }
0x23: {  	[spmem:s19], [sflag:s11] =	dma.local [hbm:s10], $0x2800  }
0x24: {  	_ =	swait.ge [sflag:s20], $0x2800  }
0x25: {  	[sflag:s20] =	ssyncset.done $0x0  }
0x26: {  	[sflag:s20] =	ssyncadd.s32 $0xFFFFD800  }
0x27: {  	s30 =	simm.s32 $0xFFFFF640;
	[bflag:$0x0] =	sbarrier.arrive $0xFFFF  }
.LBB2_2:
0x28: {  	_ =	swait.ge [sflag:s21], $0x80  }
0x29: {  	[sflag:s21] =	ssyncset.done $0x0  }
0x2a: {  	[sflag:s21] =	ssyncadd.s32 $0xFFFFFF80  }
0x2b: {  	_ =	swait.ge [sflag:s22], $0x80  }
0x2c: {  	[sflag:s22] =	ssyncset.done $0x0  }
0x2d: {  	[sflag:s22] =	ssyncadd.s32 $0xFFFFFF80  }
0x2e: {  	[tilespmem:s24], [sflag:$0x5] =	stream.indirect.gather [hbm4b:s4+s23], $0x80, s15, s23, $0xb8;
	[tilespmem:$0x18200] =	vst v63  }
0x2f: {  	_ =	swait.ge [sflag:s25], $0x4000  }
0x30: {  	[sflag:s25] =	ssyncset.done $0x0  }
0x31: {  	[sflag:s25] =	ssyncadd.s32 $0xFFFFC000  }
0x32: {  	[spmem:s1] =	stream.indirect.scatter.add.f32 [tilespmem:s24], [sflag:$0x6], $0x80, s16, s23, $0xb8;
	[tilespmem:$0x18200] =	vst v63  }
0x33: {  	p0 =	seq.s32 s30, $0x0;
	_ =	swait.ge [sflag:s20], $0x4000  }
0x34: {  	s31 =	sadd.s32 @!p0 s30, s14;
	s0 =	simm.s32 @!p0 $0x0;
	[sflag:s20] =	ssyncset.done $0x0  }
0x35: {  	s3 =	simm.s32 @!p0 $0x14000;
	s31 =	sadd.s32 @!p0 $0x9E0, s31;
	[sflag:s20] =	ssyncadd.s32 $0xFFFFC000  }
0x36: {  	[tilespmem:s3], [sflag:$0x1] =	stream.linear.gather @!p0 [hbm4b:s31+s0], $0x80, $0x38;
	[tilespmem:$0x18200] =	vst v63  }
0x37: {  	s3 =	sadd.s32 @!p0 s30, s13  }
0x38: {  	s31 =	simm.s32 @!p0 $0x14080;
	s3 =	sadd.s32 @!p0 $0x9E0, s3  }
0x39: {  	[tilespmem:s31], [sflag:$0x2] =	stream.linear.gather @!p0 [hbm4b:s3+s0], $0x80, $0x38;
	[tilespmem:$0x18200] =	vst v63  }
0x3a: {  	_ =	swait.ge [sflag:s26], $0x80  }
0x3b: {  	[sflag:s26] =	ssyncset.done $0x0  }
0x3c: {  	[sflag:s26] =	ssyncadd.s32 $0xFFFFFF80  }
0x3d: {  	_ =	swait.ge [sflag:s28], $0x80  }
0x3e: {  	[sflag:s28] =	ssyncset.done $0x0  }
0x3f: {  	[sflag:s28] =	ssyncadd.s32 $0xFFFFFF80  }
0x40: {  	[tilespmem:s24], [sflag:$0x5] =	stream.indirect.gather [hbm4b:s4+s23], $0x80, s17, s23, $0xb8;
	[tilespmem:$0x18200] =	vst v63  }
0x41: {  	_ =	swait.ge [sflag:s25], $0x4000  }
0x42: {  	[sflag:s25] =	ssyncset.done $0x0  }
.Ltmp2:
0x43: {  	[sflag:s25] =	ssyncadd.s32 $0xFFFFC000;
	(pc) =	sbr.rel @p0 .LBB2_4-.Ltmp2, $4  }
0x44: {  	[spmem:s1] =	stream.indirect.scatter.add.f32 [tilespmem:s24], [sflag:$0x6], $0x80, s18, s23, $0xb8;
	[tilespmem:$0x18200] =	vst v63  }
0x45: {  	_ =	swait.ge [sflag:s20], $0x4000  }
0x46: {  	[sflag:s20] =	ssyncset.done $0x0  }
0x47: {  	[sflag:s20] =	ssyncadd.s32 $0xFFFFC000  }
.Ltmp3:
0x48: {  	s0 =	sadd.s32 s30, s14;
	(pc) =	sbr.rel .LBB2_2-.Ltmp3, $4  }
0x49: {  	s31 =	sadd.s32 s30, s13;
	s0 =	sadd.s32 $0x9F0, s0  }
0x4a: {  	[tilespmem:s17], [sflag:$0x3] =	stream.linear.gather [hbm4b:s0+s2], $0x80, $0x38;
	[tilespmem:$0x18200] =	vst v63  }
0x4b: {  	s30 =	sadd.s32 $0x20, s30;
	s0 =	sadd.s32 $0x9F0, s31  }
0x4c: {  	[tilespmem:s18], [sflag:$0x4] =	stream.linear.gather [hbm4b:s0+s2], $0x80, $0x38;
	[tilespmem:$0x18200] =	vst v63  }
.LBB2_5:
0x4d: {  	_ =	sfence.sel $0x180000  }
0x4e: {  	[bflag:$0x0] =	sbarrier.arrive $0xFFFF  }
0x4f: {  	_ =	strace $0x9000004D  }
0x50: {  	s0 =	stileid.u32;
	[bflag:$0x2] =	sbarrier.arrive $0xFFFF  }
0x51: {  	p0 =	sne.s32 s0, $0x0;
	s0 =	rddreg [dreg:$0x3]  }
0x52: {  	s0 =	sadd.s32 @!p0 $0x100000, s0  }
0x53: {  	[sflag:s0] =	ssyncadd.tile.s32 @!p0 $0x1;
	_ =	shalt  }
.Lfunc_end2:
_tile_overlayer_lowered:
.L_overlay_start_2:
0x54: {  	(tag) =	ssettag $0x2  }
0x55: {  	s0 =	rddreg [dreg:$0x0];
	s2 =	stileid.u32  }
0x56: {  	s1 =	rddreg [dreg:$0x1];
	p0 =	sne.s32 s2, $0x0  }
0x57: {  	s3 =	rddreg [dreg:$0x2];
	[bflag:$0x3] =	sbarrier.arrive $0xFFFF;
	s2 =	simm.s32 @!p0 $0x1C06  }
0x58: {  	[timem:s3], [sflag:s2] =	dma.local @!p0 [hbm:s0], s1  }
0x59: {  	s0 =	simm.s32 @!p0 $0x6  }
0x5a: {  	_ =	swait.ge @!p0 [sflag:s0], s1  }
0x5b: {  	s1 =	ssub.s32 @!p0 $0x0, s1;
	[sflag:s0] =	ssyncset.done @!p0 $0x0  }
0x5c: {  	[sflag:s0] =	ssyncadd.s32 @!p0 s1  }
0x5d: {  	[bflag:$0x3] =	sbarrier.arrive $0xFFFF  }
0x5e: {  	_ =	shalt  }

// kernel: kernel.19.cloned.1.call-start
scs
__scs_entry_jumppad:
0x0: {  	(pc) =	sbr.rel $0x88, $3  }
0x1: {  	(tag) =	ssettag $0x0;
	lr =	simm.s32 $0x1  }
0x2: {  	[smem:$0x3F91] =	sst lr;
	_ =	strace $0xD0000000  }
0x3: {  	_ = 	snop  }
0x4: {  	_ = 	snop  }
0x5: {  	_ = 	snop  }
0x6: {  	_ = 	snop  }
0x7: {  	_ = 	snop  }
__scs_overlays_trampoline_lowered:
0x8: {  	[smem:$0x3FA0] =	sst s0  }
0x9: {  	[smem:$0x3FA1] =	sst s1  }
0xa: {  	[smem:$0x3FA2] =	sst s2  }
0xb: {  	[smem:$0x3FA3] =	sst s3  }
0xc: {  	[smem:$0x3FA4] =	sst s4  }
0xd: {  	[smem:$0x3FA5] =	sst s5  }
0xe: {  	[smem:$0x3FA6] =	sst s6  }
0xf: {  	[smem:$0x3FA7] =	sst s7  }
0x10: {  	[smem:$0x3FA8] =	sst s8  }
0x11: {  	[smem:$0x3FA9] =	sst s9;
	s0 =	simm.s32 @!p0 $0x0  }
0x12: {  	s1 =	sld [smem:$0x3F8F];
	s0 =	simm.s32 @p0 $0x1  }
0x13: {  	[smem:$0x3FAA] =	sst s0;
	s0 =	simm.s32 @!p1 $0x0  }
0x14: {  	s2 =	sld [smem:$0x3F8E];
	s0 =	simm.s32 @p1 $0x1  }
0x15: {  	[smem:$0x3FAB] =	sst s0;
	s0 =	simm.s32 @!p2 $0x0  }
0x16: {  	s3 =	sld [smem:$0x3FDB];
	s0 =	simm.s32 @p2 $0x1  }
0x17: {  	s4 =	simm.s32 $0x1BF5;
	[smem:$0x3FAD] =	sst s0  }
0x18: {  	s0 =	sld [smem:$0x3F90];
	_ =	swait.ge [sflag:s4], $0x0  }
0x19: {  	s7 =	sld [smem:$0x3F91]  }
0x1a: {  	s8 =	sadd.s32 $0xFFFFE003, lr  }
0x1b: {  	s9 =	sadd.s32 $0xFFFFFEF7, lr;
	s5 =	simm.s32 $0xFFFFFFFF;
	p2 =	slt.u32 s8, $0xFFFFF086  }
0x1c: {  	p1 =	slt.u32 s9, $0xF7A;
	s5 =	simm.s32 @!p2 $0x0  }
0x1d: {  	s5 =	simm.s32 @p1 $0x1;
	p0 =	seq.s32 s7, s2  }
0x1e: {  	s7 =	smul.u32 @!p0 $0xF7A, s2;
	p2 =	seq.s32 @!p0 s5, $0x0  }
0x1f: {  	s9 =	smul.u32 $0xF7A, s1;
	s8 =	simm.s32 @!p0 $0x1BF5;
	p2 =	por !p2, p0  }
0x20: {  	[sflag:s8] =	ssyncset.s32 @!p0 $0xFFFFF086;
	s6 =	sadd.s32 @!p0 s3, s7;
	s7 =	simm.s32 @!p0 $0x108  }
0x21: {  	s3 =	sadd.s32 s3, s9;
	s6 =	sadd.s32 @!p0 $0x88, s6;
	s7 =	simm.s32 @p2 $0x1082  }
0x22: {  	[simem:s7], [sflag:s8] =	dma.local @!p0 [hbm:s6], $0xF7A  }
0x23: {  	s9 =	sor.u32 $0xD0000000, s2;
	s6 =	simm.s32 $0x108;
	_ =	swait.ge @!p0 [sflag:s8], $0x0  }
0x24: {  	s3 =	sadd.s32 $0x88, s3;
	s6 =	simm.s32 @!p1 $0x1082;
	[sflag:s4] =	ssyncset.s32 $0xFFFFF086  }
0x25: {  	[simem:s6], [sflag:s4] =	dma.local [hbm:s3], $0xF7A  }
0x26: {  	[smem:$0x3F91] =	sst s1;
	(tag) =	ssettag s2;
	_ =	strace s9  }
0x27: {  	s1 =	sld [smem:$0x3FA1]  }
0x28: {  	s2 =	sld [smem:$0x3FA2]  }
0x29: {  	s4 =	sld [smem:$0x3FA4]  }
0x2a: {  	p0 =	seq.s32 s5, $0x0;
	s5 =	sld [smem:$0x3FA5]  }
0x2b: {  	s6 =	sld [smem:$0x3FA6]  }
0x2c: {  	s7 =	sld [smem:$0x3FA7]  }
0x2d: {  	s3 =	simm.s32 $0x108;
	s8 =	sld [smem:$0x3FA8]  }
0x2e: {  	s3 =	simm.s32 @!p0 $0x1082;
	s9 =	sld [smem:$0x3FA9]  }
0x2f: {  	lr =	sadd.s32 s0, s3;
	s0 =	sld [smem:$0x3FA0]  }
0x30: {  	s3 =	sld [smem:$0x3FA3]  }
0x31: {  	[smem:$0x3FAC] =	sst s10  }
0x32: {  	s10 =	sld [smem:$0x3FAA];
	_ =	sdelay $0x3  }
0x33: {  	p0 =	seq.s32 s10, $0x1;
	s10 =	sld [smem:$0x3FAC];
	_ =	sdelay $0x3  }
0x34: {  	[smem:$0x3FAC] =	sst s10  }
0x35: {  	s10 =	sld [smem:$0x3FAB];
	_ =	sdelay $0x3  }
0x36: {  	p1 =	seq.s32 s10, $0x1;
	s10 =	sld [smem:$0x3FAC];
	_ =	sdelay $0x3  }
0x37: {  	[smem:$0x3FAC] =	sst s10  }
0x38: {  	s10 =	sld [smem:$0x3FAD]  }
0x39: {  	_ = 	snop;
	(pc) =	sbr.ind lr, $3  }
0x3a: {  	_ = 	snop  }
0x3b: {  	_ = 	snop  }
0x3c: {  	p2 =	seq.s32 s10, $0x1;
	s10 =	sld [smem:$0x3FAC]  }
0x3d: {  	_ =	shalt  }
0x3e: {  	_ =	shalt  }
0x3f: {  	_ =	shalt  }
0x40: {  	_ =	shalt  }
0x41: {  	_ =	shalt  }
0x42: {  	_ =	shalt  }
0x43: {  	_ =	shalt  }
0x44: {  	_ =	shalt  }
0x45: {  	_ =	shalt  }
0x46: {  	_ =	shalt  }
0x47: {  	_ =	shalt  }
0x48: {  	_ =	shalt  }
0x49: {  	_ =	shalt  }
0x4a: {  	_ =	shalt  }
0x4b: {  	_ =	shalt  }
0x4c: {  	_ =	shalt  }
0x4d: {  	_ =	shalt  }
0x4e: {  	_ =	shalt  }
0x4f: {  	_ =	shalt  }
0x50: {  	_ =	shalt  }
0x51: {  	_ =	shalt  }
0x52: {  	_ =	shalt  }
0x53: {  	_ =	shalt  }
0x54: {  	_ =	shalt  }
0x55: {  	_ =	shalt  }
0x56: {  	_ =	shalt  }
0x57: {  	_ =	shalt  }
0x58: {  	_ =	shalt  }
0x59: {  	_ =	shalt  }
0x5a: {  	_ =	shalt  }
0x5b: {  	_ =	shalt  }
0x5c: {  	_ =	shalt  }
0x5d: {  	_ =	shalt  }
0x5e: {  	_ =	shalt  }
0x5f: {  	_ =	shalt  }
0x60: {  	_ =	shalt  }
0x61: {  	_ =	shalt  }
0x62: {  	_ =	shalt  }
0x63: {  	_ =	shalt  }
0x64: {  	_ =	shalt  }
0x65: {  	_ =	shalt  }
0x66: {  	_ =	shalt  }
0x67: {  	_ =	shalt  }
0x68: {  	_ =	shalt  }
0x69: {  	_ =	shalt  }
0x6a: {  	_ =	shalt  }
0x6b: {  	_ =	shalt  }
0x6c: {  	_ =	shalt  }
0x6d: {  	_ =	shalt  }
0x6e: {  	_ =	shalt  }
0x6f: {  	_ =	shalt  }
0x70: {  	_ =	shalt  }
0x71: {  	_ =	shalt  }
0x72: {  	_ =	shalt  }
0x73: {  	_ =	shalt  }
0x74: {  	_ =	shalt  }
0x75: {  	_ =	shalt  }
0x76: {  	_ =	shalt  }
0x77: {  	_ =	shalt  }
0x78: {  	_ =	shalt  }
0x79: {  	_ =	shalt  }
0x7a: {  	_ =	shalt  }
0x7b: {  	_ =	shalt  }
0x7c: {  	_ =	shalt  }
0x7d: {  	_ =	shalt  }
0x7e: {  	_ =	shalt  }
0x7f: {  	_ =	shalt  }
0x80: {  	_ =	shalt  }
0x81: {  	_ =	shalt  }
0x82: {  	_ =	shalt  }
0x83: {  	_ =	shalt  }
0x84: {  	_ =	shalt  }
0x85: {  	_ =	shalt  }
0x86: {  	_ =	shalt  }
0x87: {  	_ =	shalt  }
.Lfunc_end0:
.L_simem_size_0:
called_computation.3_lowered:
.L_overlay_start_0:
0x88: {  	s2 =	sld [smem:$0x3FD9]  }
0x89: {  	s3 =	sld [smem:$0x3FFE];
	_ =	sdelay $0x1  }
0x8a: {  	s1 =	srdreg.scid  }
0x8b: {  	s0 =	sand.u32 $0x1, s1  }
0x8c: {  	s17 =	sshll.u32 s0, $0xA;
	s2 =	sadd.s32 s3, s2  }
0x8d: {  	s2 =	sadd.s32 s2, s17  }
0x8e: {  	[smem:$0x3FB8] =	sst s2  }
0x8f: {  	_ = 	snop  }
0x90: {  	s2 =	sld [smem:$0x3FD0];
	(tm) =	ssettm $0x1  }
0x91: {  	s18 =	sld [smem:$0x3FFB];
	_ =	sdelay $0x3  }
0x92: {  	_ =	strace s18  }
0x93: {  	s3 =	sld [smem:$0x3FFC];
	_ =	sdelay $0x3  }
0x94: {  	_ =	strace s3  }
0x95: {  	s3 =	sld [smem:$0x3FFD];
	_ =	sdelay $0x3  }
0x96: {  	_ =	strace s3  }
0x97: {  	_ =	strace $0x8FFFFFFF  }
0x98: {  	s19 =	sld [smem:$0x3FDB];
	_ =	sdelay $0x1  }
0x99: {  	s4 =	simm.s32 $_scs_section_size  }
0x9a: {  	s5 =	simm.s32 $_size__tile_overlayer_lowered;
	s6 =	simm.s32 $_tile_overlayer_lowered  }
0x9b: {  	s22 =	simm.s32 $0x1BFF;
	s21 =	sshll.u32 s6, $0x1;
	s3 =	sadd.s32 s4, s19  }
0x9c: {  	s7 =	simm.s32 $0x0;
	s20 =	sshll.u32 s5, $0x1;
	s5 =	sadd.s32 s21, s3  }
0x9d: {  	[timem:s7], [sflag:s22] =	dma.local [hbm:s5], s20  }
0x9e: {  	_ =	swait.ge [sflag:s22], s20  }
0x9f: {  	s4 =	ssub.s32 $0x0, s20;
	[sflag:s22] =	ssyncset.done $0x0  }
0xa0: {  	[sflag:s22] =	ssyncadd.s32 s4;
	_ =	sdelay $0x1  }
0xa1: {  	s23 =	simm.s32 $0x1B8B  }
0xa2: {  	_ =	swait.ge [sflag:s23], $0x1  }
0xa3: {  	[sflag:s23] =	ssyncset.done $0x0  }
0xa4: {  	s25 =	simm.s32 $0x1B8E;
	s24 =	sld [smem:$0x3FFE];
	[sflag:s23] =	ssyncadd.s32 $0xFFFFFFFF  }
0xa5: {  	s26 =	simm.s32 $execute0_lowered;
	[smem:$0x3FD2] =	sst s25  }
0xa6: {  	s5 =	sshll.u32 s26, $0x1;
	_ =	strace $0x8000004F;
	[dreg:$0x1] =	wrdreg $0xFFFFFFFF  }
0xa7: {  	s28 =	simm.s32 $_size_execute0_lowered;
	s3 =	sadd.s32 s3, s5;
	[dreg:$0x0] =	wrdreg $0x0  }
0xa8: {  	s5 =	sshll.u32 s28, $0x1;
	[dreg:$0x2] =	wrdreg s3  }
0xa9: {  	[dreg:$0x3] =	wrdreg s5  }
0xaa: {  	[dreg:$0x4] =	wrdreg $0xC0  }
0xab: {  	_ =	task [dreg:s7], $0x5FFFF  }
0xac: {  	[dreg:$0x1] =	wrdreg $0xFFFFFFFF  }
0xad: {  	[dreg:$0x0] =	wrdreg $0x60  }
0xae: {  	[dreg:$0x2] =	wrdreg s24  }
0xaf: {  	[dreg:$0x3] =	wrdreg s2  }
0xb0: {  	[dreg:$0x4] =	wrdreg $0x0  }
0xb1: {  	[dreg:$0x5] =	wrdreg $0x9  }
0xb2: {  	_ =	task.clear_ibuf [dreg:s7], $0x6FFFF;
	_ =	strace $0x9000004F  }
0xb3: {  	s29 =	simm.s32 $0x9;
	_ =	strace $0x80000051  }
0xb4: {  	_ =	swait.ge [sflag:s29], $0x1  }
0xb5: {  	[sflag:s29] =	ssyncadd.s32 $0xFFFFFFFF  }
0xb6: {  	_ =	strace $0x90000051  }
0xb7: {  	_ =	sfence  }
0xb8: {  	s30 =	sld [smem:$0x0];
	_ =	sdelay $0x2  }
0xb9: {  	s31 =	sshll.u32 s1, $0xD;
	s1 =	sshrl.u32 s1, $0x2  }
0xba: {  	s3 =	sand.u32 $0x4000, s31;
	s1 =	sadd.s32 s1, s30  }
0xbb: {  	s0 =	sor.u32 s3, s0;
	s1 =	sshll.u32 s1, $0x11  }
0xbc: {  	s0 =	sor.u32 s1, s0  }
0xbd: {  	s0 =	sadd.s32 $0x8F2B, s0  }
0xbe: {  	[sflag:s0] =	ssyncadd.remote.s32 $0x1  }
0xbf: {  	_ =	sfence.sel $0xFFFF  }
0xc0: {  	[dreg:$0x0] =	wrdreg $0xFFFFFFFF;
	(pc) =	sbr.abs _section_cstart, $3  }
0xc1: {  	[dreg:$0x1] =	wrdreg $0xFFFFFFFF  }
0xc2: {  	_ =	task.clear_ibuf [dreg:s7], $0x2FFFF;
	_ =	strace $0x9FFFFFFF  }
0xc3: {  	(tm) =	ssettm $0x7FFFFFFF  }
tec
execute0_lowered:
.L_overlay_start_1:
0x0: {  	(tag) =	ssettag $0x1  }
0x1: {  	s0 =	rddreg [dreg:$0x0]  }
0x2: {  	s2 =	rddreg [dreg:$0x1]  }
0x3: {  	s1 =	srdreg.scid;
	s3 =	rddreg [dreg:$0x2]  }
0x4: {  	s12 =	stileid.u32;
	s4 =	simm.s32 $0x0;
	s28 =	simm.s32 $0x2  }
0x5: {  	s29 =	simm.s32 $0x80;
	s30 =	simm.s32 $0x14200;
	s31 =	simm.s32 $0x5  }
0x6: {  	s1 =	sand.u32 $0x1, s1;
	[smem:$0x7FF] =	sst s4;
	s10 =	smul.u32 $0x50000, s12  }
0x7: {  	s6 =	sadd.s32 $0x56200, s0;
	s18 =	smul.u32 $0x2800, s12;
	s21 =	sshll.u32 s12, $0x6  }
0x8: {  	s5 =	sshll.u32 s1, $0x4;
	s7 =	ssub.s32 $0x2, s1;
	_ =	strace $0x80000050  }
0x9: {  	s20 =	smul.u32 $0x27800, s1;
	s13 =	sor.u32 $0x1C06, s21;
	p0 =	seq.s32 s1, $0x1  }
0xa: {  	s1 =	simm.s32 $0x88000;
	s21 =	simm.s32 $0x14000;
	s5 =	sor.u32 s12, s5  }
0xb: {  	s9 =	sshrl.u32 s7, $0x1;
	s19 =	sshrl.u32 s10, $0x2;
	s1 =	simm.s32 @!p0 $0x2E200  }
0xc: {  	s8 =	smul.u32 $0x2780, s5;
	s5 =	sadd.s32 $0x6200, s0;
	s7 =	ssub.s32 s7, s9  }
0xd: {  	s0 =	sadd.s32 s1, s0;
	s1 =	simm.s32 $0x4;
	s22 =	sadd.s32 s5, s18  }
0xe: {  	s23 =	smax.u32 s7, $0x1;
	s7 =	simm.s32 $0x0;
	[dreg:$0x9] =	wrdreg s22  }
0xf: {  	s8 =	sshrl.u32 s8, $0x3;
	[dreg:$0xa] =	wrdreg s23;
	s22 =	simm.s32 $0x14080  }
0x10: {  	s23 =	simm.s32 $0x14100;
	s15 =	sadd.s32 s6, s8;
	s16 =	sadd.s32 $0x10, s8  }
0x11: {  	s11 =	sadd.s32 s2, s8;
	s8 =	sadd.s32 $0x4E0, s8;
	[dreg:$0x4] =	wrdreg s15  }
0x12: {  	[dreg:$0x5] =	wrdreg s11;
	s17 =	sadd.s32 s6, s16;
	s9 =	sadd.s32 s2, s16  }
0x13: {  	s15 =	smul.u32 $0x2780, s12;
	s16 =	sadd.s32 s2, s8;
	[dreg:$0x6] =	wrdreg s17  }
0x14: {  	[dreg:$0x7] =	wrdreg s9;
	s9 =	sadd.s32 s19, s3;
	s17 =	sadd.s32 s0, s18  }
0x15: {  	s0 =	simm.s32 $0x3;
	[dreg:$0x8] =	wrdreg s9;
	s24 =	sadd.s32 s15, s20  }
0x16: {  	s15 =	sadd.s32 s6, s8;
	s25 =	sadd.s32 $0x180, s24;
	s20 =	sadd.s32 $0x100, s24  }
0x17: {  	s24 =	simm.s32 $0x14180;
	s26 =	sshrl.u32 s25, $0x3;
	s25 =	simm.s32 $0x6  }
0x18: {  	s18 =	sadd.s32 s26, s2;
	s19 =	sadd.s32 s26, s6;
	s26 =	simm.s32 $0x1  }
.LBB2_1:
0x19: {  	s8 =	rddreg [dreg:$0x4]  }
0x1a: {  	s14 =	rddreg [dreg:$0x5]  }
0x1b: {  	s9 =	rddreg [dreg:$0x6]  }
0x1c: {  	[tilespmem:s21], [sflag:$0x1] =	stream.linear.gather [hbm4b:s8+s4], $0x80, $0x38;
	[tilespmem:$0x18200] =	vst v63  }
0x1d: {  	s10 =	rddreg [dreg:$0x7]  }
0x1e: {  	[tilespmem:s22], [sflag:$0x2] =	stream.linear.gather [hbm4b:s14+s4], $0x80, $0x38;
	[tilespmem:$0x18200] =	vst v63  }
0x1f: {  	s11 =	rddreg [dreg:$0x8]  }
0x20: {  	[tilespmem:s23], [sflag:$0x3] =	stream.linear.gather [hbm4b:s9+s4], $0x80, $0x38;
	[tilespmem:$0x18200] =	vst v63  }
0x21: {  	s8 =	sshrl.u32 s11, $0x3;
	s9 =	rddreg [dreg:$0x9]  }
0x22: {  	[tilespmem:s24], [sflag:$0x4] =	stream.linear.gather [hbm4b:s10+s4], $0x80, $0x38;
	[tilespmem:$0x18200] =	vst v63  }
0x23: {  	[spmem:s8], [sflag:s13] =	dma.local [hbm:s9], $0x2800  }
0x24: {  	_ =	swait.ge [sflag:s25], $0x2800  }
0x25: {  	[sflag:s25] =	ssyncset.done $0x0  }
0x26: {  	[sflag:s25] =	ssyncadd.s32 $0xFFFFD800  }
0x27: {  	[bflag:$0x0] =	sbarrier.arrive $0xFFFF  }
0x28: {  	_ =	swait.ge [sflag:s26], $0x80  }
0x29: {  	[sflag:s26] =	ssyncset.done $0x0  }
0x2a: {  	[sflag:s26] =	ssyncadd.s32 $0xFFFFFF80  }
0x2b: {  	_ =	swait.ge [sflag:s28], $0x80  }
0x2c: {  	[sflag:s28] =	ssyncset.done $0x0  }
0x2d: {  	[sflag:s28] =	ssyncadd.s32 $0xFFFFFF80  }
0x2e: {  	[tilespmem:s30], [sflag:$0x5] =	stream.indirect.gather [hbm4b:s5+s29], $0x80, s21, s29, $0xb8;
	[tilespmem:$0x18200] =	vst v63  }
0x2f: {  	_ =	swait.ge [sflag:s31], $0x4000  }
0x30: {  	[sflag:s31] =	ssyncset.done $0x0  }
0x31: {  	[sflag:s31] =	ssyncadd.s32 $0xFFFFC000  }
0x32: {  	[spmem:s3] =	stream.indirect.scatter.add.f32 [tilespmem:s30], [sflag:$0x6], $0x80, s22, s29, $0xb8;
	[tilespmem:$0x18200] =	vst v63  }
0x33: {  	_ =	swait.ge [sflag:s25], $0x4000  }
0x34: {  	s12 =	sshrl.u32 s20, $0x3;
	[sflag:s25] =	ssyncset.done $0x0  }
0x35: {  	s10 =	sadd.s32 s6, s12;
	[sflag:s25] =	ssyncadd.s32 $0xFFFFC000  }
0x36: {  	[tilespmem:s21], [sflag:$0x1] =	stream.linear.gather [hbm4b:s10+s4], $0x80, $0x38;
	[tilespmem:$0x18200] =	vst v63  }
0x37: {  	s9 =	sadd.s32 s2, s12  }
0x38: {  	[tilespmem:s22], [sflag:$0x2] =	stream.linear.gather [hbm4b:s9+s4], $0x80, $0x38;
	[tilespmem:$0x18200] =	vst v63  }
0x39: {  	_ =	swait.ge [sflag:s0], $0x80  }
0x3a: {  	[sflag:s0] =	ssyncset.done $0x0  }
0x3b: {  	[sflag:s0] =	ssyncadd.s32 $0xFFFFFF80  }
0x3c: {  	_ =	swait.ge [sflag:s1], $0x80  }
0x3d: {  	[sflag:s1] =	ssyncset.done $0x0  }
0x3e: {  	[sflag:s1] =	ssyncadd.s32 $0xFFFFFF80  }
0x3f: {  	[tilespmem:s30], [sflag:$0x5] =	stream.indirect.gather [hbm4b:s5+s29], $0x80, s23, s29, $0xb8;
	[tilespmem:$0x18200] =	vst v63  }
0x40: {  	_ =	swait.ge [sflag:s31], $0x4000  }
0x41: {  	[sflag:s31] =	ssyncset.done $0x0  }
0x42: {  	[sflag:s31] =	ssyncadd.s32 $0xFFFFC000  }
0x43: {  	[spmem:s3] =	stream.indirect.scatter.add.f32 [tilespmem:s30], [sflag:$0x6], $0x80, s24, s29, $0xb8;
	[tilespmem:$0x18200] =	vst v63  }
0x44: {  	_ =	swait.ge [sflag:s25], $0x4000  }
0x45: {  	s11 =	sadd.s32 $0x0, s18;
	s14 =	sadd.s32 $0x0, s19;
	[sflag:s25] =	ssyncset.done $0x0  }
0x46: {  	s10 =	sadd.s32 $0x100, s20;
	s9 =	simm.s32 $0x20;
	[sflag:s25] =	ssyncadd.s32 $0xFFFFC000  }
0x47: {  	[tilespmem:s23], [sflag:$0x3] =	stream.linear.gather [hbm4b:s14+s4], $0x80, $0x38;
	[tilespmem:$0x18200] =	vst v63  }
.LBB2_2:
0x48: {  	[tilespmem:s24], [sflag:$0x4] =	stream.linear.gather [hbm4b:s11+s4], $0x80, $0x38;
	[tilespmem:$0x18200] =	vst v63  }
0x49: {  	s11 =	smov.u32 s9  }
0x4a: {  	p0 =	sne.s32 s9, $0x4A0;
	s9 =	sadd.s32 $0x20, s9;
	_ =	swait.ge [sflag:s26], $0x80  }
0x4b: {  	[sflag:s26] =	ssyncset.done $0x0  }
0x4c: {  	[sflag:s26] =	ssyncadd.s32 $0xFFFFFF80  }
0x4d: {  	_ =	swait.ge [sflag:s28], $0x80  }
0x4e: {  	[sflag:s28] =	ssyncset.done $0x0  }
0x4f: {  	[sflag:s28] =	ssyncadd.s32 $0xFFFFFF80  }
0x50: {  	[tilespmem:s30], [sflag:$0x5] =	stream.indirect.gather [hbm4b:s5+s29], $0x80, s21, s29, $0xb8;
	[tilespmem:$0x18200] =	vst v63  }
0x51: {  	_ =	swait.ge [sflag:s31], $0x4000  }
0x52: {  	[sflag:s31] =	ssyncset.done $0x0  }
0x53: {  	[sflag:s31] =	ssyncadd.s32 $0xFFFFC000  }
0x54: {  	[spmem:s3] =	stream.indirect.scatter.add.f32 [tilespmem:s30], [sflag:$0x6], $0x80, s22, s29, $0xb8;
	[tilespmem:$0x18200] =	vst v63  }
0x55: {  	_ =	swait.ge [sflag:s25], $0x4000  }
0x56: {  	s12 =	sshrl.u32 s10, $0x3;
	[sflag:s25] =	ssyncset.done $0x0  }
0x57: {  	s14 =	sadd.s32 s6, s12;
	[sflag:s25] =	ssyncadd.s32 $0xFFFFC000  }
0x58: {  	[tilespmem:s21], [sflag:$0x1] =	stream.linear.gather [hbm4b:s14+s4], $0x80, $0x38;
	[tilespmem:$0x18200] =	vst v63  }
0x59: {  	s12 =	sadd.s32 s2, s12  }
0x5a: {  	[tilespmem:s22], [sflag:$0x2] =	stream.linear.gather [hbm4b:s12+s4], $0x80, $0x38;
	[tilespmem:$0x18200] =	vst v63  }
0x5b: {  	_ =	swait.ge [sflag:s0], $0x80  }
0x5c: {  	[sflag:s0] =	ssyncset.done $0x0  }
0x5d: {  	[sflag:s0] =	ssyncadd.s32 $0xFFFFFF80  }
0x5e: {  	_ =	swait.ge [sflag:s1], $0x80  }
0x5f: {  	[sflag:s1] =	ssyncset.done $0x0  }
0x60: {  	[sflag:s1] =	ssyncadd.s32 $0xFFFFFF80  }
0x61: {  	[tilespmem:s30], [sflag:$0x5] =	stream.indirect.gather [hbm4b:s5+s29], $0x80, s23, s29, $0xb8;
	[tilespmem:$0x18200] =	vst v63  }
0x62: {  	_ =	swait.ge [sflag:s31], $0x4000  }
0x63: {  	[sflag:s31] =	ssyncset.done $0x0  }
0x64: {  	[sflag:s31] =	ssyncadd.s32 $0xFFFFC000  }
0x65: {  	[spmem:s3] =	stream.indirect.scatter.add.f32 [tilespmem:s30], [sflag:$0x6], $0x80, s24, s29, $0xb8;
	[tilespmem:$0x18200] =	vst v63  }
.Ltmp0:
0x66: {  	_ =	swait.ge [sflag:s25], $0x4000;
	(pc) =	sbr.rel @p0 .LBB2_2-.Ltmp0, $4  }
0x67: {  	[sflag:s25] =	ssyncset.done $0x0  }
0x68: {  	s12 =	sadd.s32 s11, s19;
	[sflag:s25] =	ssyncadd.s32 $0xFFFFC000  }
0x69: {  	[tilespmem:s23], [sflag:$0x3] =	stream.linear.gather [hbm4b:s12+s4], $0x80, $0x38;
	[tilespmem:$0x18200] =	vst v63  }
0x6a: {  	s10 =	sadd.s32 $0x100, s10;
	s11 =	sadd.s32 s11, s18  }
0x6b: {  	[tilespmem:s24], [sflag:$0x4] =	stream.linear.gather [hbm4b:s11+s4], $0x80, $0x38;
	[tilespmem:$0x18200] =	vst v63  }
0x6c: {  	_ =	swait.ge [sflag:s26], $0x80  }
0x6d: {  	[sflag:s26] =	ssyncset.done $0x0  }
0x6e: {  	[sflag:s26] =	ssyncadd.s32 $0xFFFFFF80  }
0x6f: {  	_ =	swait.ge [sflag:s28], $0x80  }
0x70: {  	[sflag:s28] =	ssyncset.done $0x0  }
0x71: {  	[sflag:s28] =	ssyncadd.s32 $0xFFFFFF80  }
0x72: {  	[tilespmem:s30], [sflag:$0x5] =	stream.indirect.gather [hbm4b:s5+s29], $0x80, s21, s29, $0xb8;
	[tilespmem:$0x18200] =	vst v63  }
0x73: {  	_ =	swait.ge [sflag:s31], $0x4000  }
0x74: {  	[sflag:s31] =	ssyncset.done $0x0  }
0x75: {  	[sflag:s31] =	ssyncadd.s32 $0xFFFFC000  }
0x76: {  	[spmem:s3] =	stream.indirect.scatter.add.f32 [tilespmem:s30], [sflag:$0x6], $0x80, s22, s29, $0xb8;
	[tilespmem:$0x18200] =	vst v63  }
0x77: {  	_ =	swait.ge [sflag:s25], $0x4000  }
0x78: {  	[sflag:s25] =	ssyncset.done $0x0  }
0x79: {  	[sflag:s25] =	ssyncadd.s32 $0xFFFFC000  }
0x7a: {  	[tilespmem:s21], [sflag:$0x1] =	stream.linear.gather [hbm4b:s15+s4], $0x80, $0x38;
	[tilespmem:$0x18200] =	vst v63  }
0x7b: {  	_ = 	snop  }
0x7c: {  	[tilespmem:s22], [sflag:$0x2] =	stream.linear.gather [hbm4b:s16+s4], $0x80, $0x38;
	[tilespmem:$0x18200] =	vst v63  }
0x7d: {  	_ =	swait.ge [sflag:s0], $0x80  }
0x7e: {  	[sflag:s0] =	ssyncset.done $0x0  }
0x7f: {  	[sflag:s0] =	ssyncadd.s32 $0xFFFFFF80  }
0x80: {  	_ =	swait.ge [sflag:s1], $0x80  }
0x81: {  	[sflag:s1] =	ssyncset.done $0x0  }
0x82: {  	[sflag:s1] =	ssyncadd.s32 $0xFFFFFF80  }
0x83: {  	[tilespmem:s30], [sflag:$0x5] =	stream.indirect.gather [hbm4b:s5+s29], $0x80, s23, s29, $0xb8;
	[tilespmem:$0x18200] =	vst v63  }
0x84: {  	_ =	swait.ge [sflag:s31], $0x4000  }
0x85: {  	[sflag:s31] =	ssyncset.done $0x0  }
0x86: {  	[sflag:s31] =	ssyncadd.s32 $0xFFFFC000  }
0x87: {  	[spmem:s3] =	stream.indirect.scatter.add.f32 [tilespmem:s30], [sflag:$0x6], $0x80, s24, s29, $0xb8;
	[tilespmem:$0x18200] =	vst v63  }
0x88: {  	_ =	swait.ge [sflag:s25], $0x4000  }
0x89: {  	[sflag:s25] =	ssyncset.done $0x0  }
0x8a: {  	[sflag:s25] =	ssyncadd.s32 $0xFFFFC000  }
0x8b: {  	_ =	swait.ge [sflag:s26], $0x80  }
0x8c: {  	[sflag:s26] =	ssyncset.done $0x0  }
0x8d: {  	[sflag:s26] =	ssyncadd.s32 $0xFFFFFF80  }
0x8e: {  	_ =	swait.ge [sflag:s28], $0x80  }
0x8f: {  	[sflag:s28] =	ssyncset.done $0x0  }
0x90: {  	[sflag:s28] =	ssyncadd.s32 $0xFFFFFF80  }
0x91: {  	[tilespmem:s30], [sflag:$0x5] =	stream.indirect.gather [hbm4b:s5+s29], $0x80, s21, s29, $0xb8;
	[tilespmem:$0x18200] =	vst v63  }
0x92: {  	_ =	swait.ge [sflag:s31], $0x4000  }
0x93: {  	[sflag:s31] =	ssyncset.done $0x0  }
0x94: {  	[sflag:s31] =	ssyncadd.s32 $0xFFFFC000  }
0x95: {  	[spmem:s3] =	stream.indirect.scatter.add.f32 [tilespmem:s30], [sflag:$0x6], $0x80, s22, s29, $0xb8;
	[tilespmem:$0x18200] =	vst v63  }
0x96: {  	_ =	swait.ge [sflag:s25], $0x4000  }
0x97: {  	[sflag:s25] =	ssyncset.done $0x0  }
0x98: {  	[sflag:s25] =	ssyncadd.s32 $0xFFFFC000  }
0x99: {  	[bflag:$0x0] =	sbarrier.arrive $0xFFFF  }
0x9a: {  	[hbm:s17], [sflag:s13] =	dma.local [spmem:s8], $0x2800  }
0x9b: {  	_ =	swait.ge [sflag:s25], $0x2800  }
0x9c: {  	s7 =	sadd.s32 $0x1, s7;
	s14 =	rddreg [dreg:$0xa]  }
0x9d: {  	p0 =	sne.s32 s7, s14  }
.Ltmp1:
0x9e: {  	_ = 	snop;
	(pc) =	sbr.rel @p0 .LBB2_1-.Ltmp1, $3  }
0x9f: {  	_ =	sdelay $0x1  }
0xa0: {  	[sflag:s25] =	ssyncset.done $0x0  }
0xa1: {  	[sflag:s25] =	ssyncadd.s32 $0xFFFFD800  }
0xa2: {  	_ =	sfence.sel $0x180000  }
0xa3: {  	[bflag:$0x0] =	sbarrier.arrive $0xFFFF  }
0xa4: {  	_ =	strace $0x90000050  }
0xa5: {  	s0 =	stileid.u32;
	[bflag:$0x2] =	sbarrier.arrive $0xFFFF  }
0xa6: {  	p0 =	sne.s32 s0, $0x0;
	s0 =	rddreg [dreg:$0x3]  }
0xa7: {  	s0 =	sadd.s32 @!p0 $0x100000, s0  }
0xa8: {  	[sflag:s0] =	ssyncadd.tile.s32 @!p0 $0x1;
	_ =	shalt  }
.Lfunc_end2:
_tile_overlayer_lowered:
.L_overlay_start_2:
0xa9: {  	(tag) =	ssettag $0x2  }
0xaa: {  	s0 =	rddreg [dreg:$0x0];
	s2 =	stileid.u32  }
0xab: {  	s1 =	rddreg [dreg:$0x1];
	p0 =	sne.s32 s2, $0x0  }
0xac: {  	s3 =	rddreg [dreg:$0x2];
	[bflag:$0x3] =	sbarrier.arrive $0xFFFF;
	s2 =	simm.s32 @!p0 $0x1C06  }
0xad: {  	[timem:s3], [sflag:s2] =	dma.local @!p0 [hbm:s0], s1  }
0xae: {  	s0 =	simm.s32 @!p0 $0x6  }
0xaf: {  	_ =	swait.ge @!p0 [sflag:s0], s1  }
0xb0: {  	s1 =	ssub.s32 @!p0 $0x0, s1;
	[sflag:s0] =	ssyncset.done @!p0 $0x0  }
0xb1: {  	[sflag:s0] =	ssyncadd.s32 @!p0 s1  }
0xb2: {  	[bflag:$0x3] =	sbarrier.arrive $0xFFFF  }
0xb3: {  	_ =	shalt  }

</sc_bundles>
